<compile_context>
chip_gen: v7x
topology: tpu7x:2x2x1
jax: 0.10.2.dev20260603
libtpu: 0.0.44.dev20260713+nightly
codegen_flags: <defaults>
</compile_context>

<pallas_src>
import dataclasses
import functools

import jax
import jax.numpy as jnp
from jax import lax
from jax.experimental import pallas as pl
from jax.experimental.pallas import tpu as pltpu
from jax.experimental.pallas import tpu_sc as plsc

NC = 2
NS = 16
NW = NC * NS
CH = 48


def _sc_segment_sum(src, dst, x2d, zx, n_pad):
    e = src.shape[0]
    d = x2d.shape[1]
    epw = e // NW
    cpw = epw // CH
    mesh = plsc.VectorSubcoreMesh(core_axis_name="c", subcore_axis_name="s", num_cores=NC)
    rows_per_sub = n_pad // NS

    cp = pltpu.CompilerParams()
    if "needs_layout_passes" in pltpu.CompilerParams.__dataclass_fields__:
        cp = dataclasses.replace(cp, needs_layout_passes=False)

    @functools.partial(
        pl.kernel,
        compiler_params=cp,
        out_type=[
            jax.ShapeDtypeStruct((NC, n_pad, d), jnp.float32),
            jax.ShapeDtypeStruct((NC * n_pad,), jnp.float32),
        ],
        mesh=mesh,
        scratch_types=(
            [pltpu.VMEM((CH,), jnp.int32)] * 4
            + [pltpu.VMEM((CH,), jnp.int32)] * 4
            + [pltpu.VMEM((CH, d), jnp.float32)] * 4
            + [
                pltpu.VMEM((n_pad,), jnp.float32),
                pltpu.VMEM((rows_per_sub,), jnp.float32),
                pltpu.VMEM((rows_per_sub,), jnp.float32),
                pltpu.VMEM_SHARED((n_pad, d), jnp.float32),
                pltpu.VMEM_SHARED((NS, n_pad), jnp.float32),
            ]
            + [pltpu.SemaphoreType.DMA] * 16
        ),
    )
    def seg_sum(src_hbm, dst_hbm, x_hbm, zx_hbm, accx_hbm, cnt_hbm,
                *refs):
        sidx_b = refs[0:4]
        didx_b = refs[4:8]
        rows_b = refs[8:12]
        cnt_tile, red_v, rin_v, accx_sh, cstage_sh = refs[12:17]
        gsem = refs[17:21]
        issem = refs[21:25]
        idsem = refs[25:29]
        ssem = refs[29:33]

        c = lax.axis_index("c")
        s = lax.axis_index("s")
        rbase = s * rows_per_sub
        wbase = (c * NS + s) * epw

        z16 = jnp.zeros((16,), jnp.float32)
        one16 = jnp.full((16,), 1.0, jnp.float32)

        def a_sidx(base, u):
            pltpu.make_async_copy(
                src_hbm.at[pl.ds(base, CH)], sidx_b[u], issem[u]).start()

        def a_didx(base, u):
            pltpu.make_async_copy(
                dst_hbm.at[pl.ds(base, CH)], didx_b[u], idsem[u]).start()

        def b_gather(base, u, wait_scatter):
            if wait_scatter:
                pltpu.make_async_copy(
                    rows_b[u], accx_sh.at[didx_b[u]], ssem[u]).wait()
            pltpu.make_async_copy(
                src_hbm.at[pl.ds(base, CH)], sidx_b[u], issem[u]).wait()
            pltpu.make_async_copy(
                x_hbm.at[sidx_b[u]], rows_b[u], gsem[u]).start()

        def c_consume(base, u):
            pltpu.make_async_copy(
                dst_hbm.at[pl.ds(base, CH)], didx_b[u], idsem[u]).wait()
            pltpu.make_async_copy(
                x_hbm.at[sidx_b[u]], rows_b[u], gsem[u]).wait()
            pltpu.make_async_copy(
                rows_b[u], accx_sh.at[didx_b[u]], ssem[u]).start(add=True)

            @pl.loop(0, CH, step=16)
            def _(j):
                idx16 = didx_b[u].at[pl.ds(j, 16)][...]
                plsc.addupdate_scatter(cnt_tile, [idx16], one16)

        for k in range(4):
            a_sidx(wbase + k * CH, k % 4)
        for k in range(3):
            a_didx(wbase + k * CH, k % 4)

        @pl.loop(0, n_pad, step=16)
        def _(r):
            cnt_tile.at[pl.ds(r, 16)][...] = z16

        pltpu.sync_copy(zx_hbm, accx_sh.at[pl.ds(rbase, rows_per_sub)])
        plsc.subcore_barrier()

        for k in range(3):
            b_gather(wbase + k * CH, k % 4, wait_scatter=False)

        def slot(k_dyn, u, wait_b):
            c_consume(k_dyn, u)
            a_sidx(k_dyn + 4 * CH, u)
            b_gather(k_dyn + 3 * CH, (u + 3) % 4, wait_scatter=wait_b)
            a_didx(k_dyn + 3 * CH, (u + 3) % 4)

        for u in range(4):
            slot(wbase + u * CH, u, wait_b=(u >= 1))

        @pl.loop(4, cpw - 4, step=4)
        def _(t):
            base = wbase + t * CH
            for u in range(4):
                slot(base + u * CH, u, wait_b=True)

        for u in range(4):
            k = cpw - 4 + u
            c_consume(wbase + k * CH, u)
            if k + 3 < cpw:
                b_gather(wbase + (k + 3) * CH, (u + 3) % 4, wait_scatter=True)
                a_didx(wbase + (k + 3) * CH, (u + 3) % 4)
        for u in range(4):
            pltpu.make_async_copy(
                rows_b[u], accx_sh.at[didx_b[u]], ssem[u]).wait()
        plsc.subcore_barrier()
        plsc.subcore_barrier()

        pltpu.sync_copy(accx_sh.at[pl.ds(rbase, rows_per_sub)],
                        accx_hbm.at[c, pl.ds(rbase, rows_per_sub)])

        pltpu.sync_copy(cnt_tile, cstage_sh.at[s])
        plsc.subcore_barrier()

        @pl.loop(0, rows_per_sub, step=16)
        def _(r):
            red_v.at[pl.ds(r, 16)][...] = z16

        for k in range(NS):
            pltpu.sync_copy(cstage_sh.at[k, pl.ds(rbase, rows_per_sub)], rin_v)

            @pl.loop(0, rows_per_sub, step=16)
            def _(r):
                red_v.at[pl.ds(r, 16)][...] = (
                    red_v.at[pl.ds(r, 16)][...] + rin_v.at[pl.ds(r, 16)][...])

        pltpu.sync_copy(red_v,
                        cnt_hbm.at[pl.ds(c * n_pad + rbase, rows_per_sub)])

    return seg_sum(src, dst, x2d, zx)


def _tc_self(x2d, wsT, bs, n, d, rows):
    def body(x_ref, wsT_ref, bs_ref, o_ref):
        o_ref[...] = jnp.dot(x_ref[...], wsT_ref[...],
                             preferred_element_type=jnp.float32) + bs_ref[...]

    return pl.pallas_call(
        body,
        grid=(n // rows,),
        in_specs=[
            pl.BlockSpec((rows, d), lambda i: (i, 0)),
            pl.BlockSpec((d, d), lambda i: (0, 0)),
            pl.BlockSpec((1, d), lambda i: (0, 0)),
        ],
        out_specs=pl.BlockSpec((rows, d), lambda i: (i, 0)),
        out_shape=jax.ShapeDtypeStruct((n, d), jnp.float32),
    )(x2d, wsT, bs)


def _tc_finish(self_out, accx, cnt3, degf, wnT, bn, n, n_pad, d, rows):
    grid = (n // rows,)

    def body(s_ref, a_ref, c_ref, deg_ref, wnT_ref, bn_ref, o_ref):
        acc = a_ref[0] + a_ref[1]
        cnt = c_ref[0] + c_ref[1]
        denom = jnp.maximum(deg_ref[...], 1.0)
        inv = 1.0 / denom
        neigh = jnp.dot(acc, wnT_ref[...], preferred_element_type=jnp.float32)
        out = s_ref[...] + (neigh + cnt * bn_ref[...]) * inv
        o_ref[...] = jnp.where(out >= 0, out, 0.1 * out)

    return pl.pallas_call(
        body,
        grid=grid,
        in_specs=[
            pl.BlockSpec((rows, d), lambda i: (i, 0)),
            pl.BlockSpec((NC, rows, d), lambda i: (0, i, 0)),
            pl.BlockSpec((NC, rows, 1), lambda i: (0, i, 0)),
            pl.BlockSpec((rows, 1), lambda i: (i, 0)),
            pl.BlockSpec((d, d), lambda i: (0, 0)),
            pl.BlockSpec((1, d), lambda i: (0, 0)),
        ],
        out_specs=pl.BlockSpec((rows, d), lambda i: (i, 0)),
        out_shape=jax.ShapeDtypeStruct((n, d), jnp.float32),
    )(self_out, accx, cnt3, degf, wnT, bn)


def kernel(x, edge_index, deg, W_self, b_self, W_neigh, b_neigh):
    b, n, d = x.shape
    e = edge_index.shape[1]
    assert b == 1

    src = edge_index[0].astype(jnp.int32)
    dst = edge_index[1].astype(jnp.int32)
    x2d = x.reshape(n, d).astype(jnp.float32)

    n_pad = ((n + 2047) // 2048) * 2048
    assert n_pad >= n + 64
    rows_per_sub = n_pad // NS
    zx = jnp.zeros((rows_per_sub, d), jnp.float32)

    quantum = NW * CH * 4
    e_pad = ((e + quantum - 1) // quantum) * quantum
    e_pad = max(e_pad, 2 * quantum)
    if e_pad != e:
        pad_i = jnp.arange(e_pad - e, dtype=jnp.int32) % 64
        src = jnp.concatenate([src, pad_i])
        dst = jnp.concatenate([dst, n + pad_i])

    accx, cnt = _sc_segment_sum(src, dst, x2d, zx, n_pad)

    self_out = _tc_self(x2d, W_self.T.astype(jnp.float32),
                        b_self.reshape(1, d).astype(jnp.float32), n, d, 2000)

    degf = deg.astype(jnp.float32).reshape(n, 1)
    out2d = _tc_finish(
        self_out, accx, cnt.reshape(NC, n_pad, 1), degf,
        W_neigh.T.astype(jnp.float32),
        b_neigh.reshape(1, d).astype(jnp.float32),
        n, n_pad, d, rows=1000,
    )
    return out2d.reshape(b, n, d).astype(x.dtype)

# --- scband reference (transcript-rebuilt; emitter-appended) ---
"""Pipeline reference for scband-hex-graph-conv-79998060855868 (READ-ONLY COPY).

The authoritative reference and input builder live on the scoring server;
editing this copy changes nothing except your own understanding.
"""

import jax, jax.numpy as jnp
import numpy as np

B, N, E, D_IN, D_OUT = 1, 10000, 320000, 128, 128

def setup_inputs(seed: int = 0) -> dict:
    key = jax.random.key(seed)
    k_x, k_e, k_d, k_w1, k_b1, k_w2, k_b2 = jax.random.split(key, 7)
    x = jax.random.normal(k_x, (B, N, D_IN), dtype=jnp.float32)
    edge_index = jax.random.randint(k_e, (2, E), 0, N, dtype=jnp.int64)
    deg = jax.random.randint(k_d, (N,), 0, 64, dtype=jnp.int64)
    bound = 1.0 / np.sqrt(D_IN)
    W_self = jax.random.uniform(k_w1, (D_OUT, D_IN), minval=-bound, maxval=bound, dtype=jnp.float32)
    b_self = jax.random.uniform(k_b1, (D_OUT,), minval=-bound, maxval=bound, dtype=jnp.float32)
    W_neigh = jax.random.uniform(k_w2, (D_OUT, D_IN), minval=-bound, maxval=bound, dtype=jnp.float32)
    b_neigh = jax.random.uniform(k_b2, (D_OUT,), minval=-bound, maxval=bound, dtype=jnp.float32)
    return {"x": x, "edge_index": edge_index, "deg": deg, "W_self": W_self, "b_self": b_self, "W_neigh": W_neigh, "b_neigh": b_neigh}

def reference(x, edge_index, deg, W_self, b_self, W_neigh, b_neigh):
    src = edge_index[0]
    dst = edge_index[1]
    x_f = x.astype(jnp.float32)
    # gather source node features and project: neigh_lin(x[:, src, :])
    x_src = jnp.take(x_f, src, axis=1)            # (B, E, D_IN)
    msgs = x_src @ W_neigh.T + b_neigh            # (B, E, D_OUT)
    # scatter-add messages onto destination nodes
    agg = jnp.zeros((B, N, D_OUT), dtype=x_f.dtype).at[:, dst, :].add(msgs)
    denom = jnp.clip(deg.astype(agg.dtype), 1, None).reshape(1, -1, 1)
    agg = agg / denom
    self_out = x_f @ W_self.T + b_self
    out = self_out + agg
    out = jnp.where(out >= 0, out, 0.1 * out)     # LeakyReLU(0.1)
    return out.astype(x.dtype)

if __name__ == "__main__":
    import jax
    _d = setup_inputs()
    print(jax.jit(kernel)(*tuple(_d.values())))

</pallas_src>

<mosaic_0001>
#map = affine_map<(d0, d1) -> (0)>
#map1 = affine_map<(d0, d1) -> (0, 0)>
#map2 = affine_map<(d0, d1) -> (0, 0, 0)>
module attributes {stable_mosaic.version = 14 : i64} {
  func.func @seg_sum(%arg0: i32, %arg1: i32, %arg2: memref<325632xi32, #tpu.memory_space<hbm>>, %arg3: memref<325632xi32, #tpu.memory_space<hbm>>, %arg4: memref<10000x128xf32, #tpu.memory_space<hbm>>, %arg5: memref<640x128xf32, #tpu.memory_space<hbm>>, %arg6: memref<2x10240x128xf32, #tpu.memory_space<hbm>>, %arg7: memref<20480xf32, #tpu.memory_space<hbm>>, %arg8: memref<48xi32, #tpu.memory_space<vmem>>, %arg9: memref<48xi32, #tpu.memory_space<vmem>>, %arg10: memref<48xi32, #tpu.memory_space<vmem>>, %arg11: memref<48xi32, #tpu.memory_space<vmem>>, %arg12: memref<48xi32, #tpu.memory_space<vmem>>, %arg13: memref<48xi32, #tpu.memory_space<vmem>>, %arg14: memref<48xi32, #tpu.memory_space<vmem>>, %arg15: memref<48xi32, #tpu.memory_space<vmem>>, %arg16: memref<48x128xf32, #tpu.memory_space<vmem>>, %arg17: memref<48x128xf32, #tpu.memory_space<vmem>>, %arg18: memref<48x128xf32, #tpu.memory_space<vmem>>, %arg19: memref<48x128xf32, #tpu.memory_space<vmem>>, %arg20: memref<10240xf32, #tpu.memory_space<vmem>>, %arg21: memref<640xf32, #tpu.memory_space<vmem>>, %arg22: memref<640xf32, #tpu.memory_space<vmem>>, %arg23: memref<10240x128xf32, #tpu.memory_space<vmem_shared>>, %arg24: memref<16x10240xf32, #tpu.memory_space<vmem_shared>>, %arg25: memref<!tpu.dma_semaphore, #tpu.memory_space<semaphore_mem>>, %arg26: memref<!tpu.dma_semaphore, #tpu.memory_space<semaphore_mem>>, %arg27: memref<!tpu.dma_semaphore, #tpu.memory_space<semaphore_mem>>, %arg28: memref<!tpu.dma_semaphore, #tpu.memory_space<semaphore_mem>>, %arg29: memref<!tpu.dma_semaphore, #tpu.memory_space<semaphore_mem>>, %arg30: memref<!tpu.dma_semaphore, #tpu.memory_space<semaphore_mem>>, %arg31: memref<!tpu.dma_semaphore, #tpu.memory_space<semaphore_mem>>, %arg32: memref<!tpu.dma_semaphore, #tpu.memory_space<semaphore_mem>>, %arg33: memref<!tpu.dma_semaphore, #tpu.memory_space<semaphore_mem>>, %arg34: memref<!tpu.dma_semaphore, #tpu.memory_space<semaphore_mem>>, %arg35: memref<!tpu.dma_semaphore, #tpu.memory_space<semaphore_mem>>, %arg36: memref<!tpu.dma_semaphore, #tpu.memory_space<semaphore_mem>>, %arg37: memref<!tpu.dma_semaphore, #tpu.memory_space<semaphore_mem>>, %arg38: memref<!tpu.dma_semaphore, #tpu.memory_space<semaphore_mem>>, %arg39: memref<!tpu.dma_semaphore, #tpu.memory_space<semaphore_mem>>, %arg40: memref<!tpu.dma_semaphore, #tpu.memory_space<semaphore_mem>>) attributes {dimension_semantics = [#tpu.dimension_semantics<core_parallel>, #tpu.dimension_semantics<subcore_parallel>], iteration_bounds = array<i64: 2, 16>, scalar_prefetch = 0 : i64, scratch_operands = 33 : i64, tpu.core_type = #tpu.core_type<sc_vector_subcore>, window_params = [{transform_indices = #map}, {transform_indices = #map}, {transform_indices = #map1}, {transform_indices = #map1}, {transform_indices = #map2}, {transform_indices = #map}]} {
    %mul3A = arith.constant 640 : i32
    %mul3A_0 = arith.muli %arg1, %mul3A : i32
    %mul3A_1 = arith.constant 16 : i32
    %mul3A_2 = arith.muli %arg0, %mul3A_1 : i32
    %add3A = arith.addi %mul3A_2, %arg1 : i32
    %mul3A_3 = arith.constant 10176 : i32
    %mul3A_4 = arith.muli %add3A, %mul3A_3 : i32
    %broadcast_in_dim3A = arith.constant 0.000000e+00 : f32
    %broadcast_in_dim3A_5 = vector.broadcast %broadcast_in_dim3A : f32 to vector<16xf32>
    %broadcast_in_dim3A_6 = arith.constant 1.000000e+00 : f32
    %broadcast_in_dim3A_7 = vector.broadcast %broadcast_in_dim3A_6 : f32 to vector<16xf32>
    %add3A_8 = arith.constant 0 : i32
    %add3A_9 = arith.addi %mul3A_4, %add3A_8 : i32
    %dma_start3A = tpu.memref_slice %arg2[%add3A_9] : memref<325632xi32, #tpu.memory_space<hbm>> -> memref<48xi32, #tpu.memory_space<hbm>>
    %dma_start3A_10 = tpu.memref_slice %arg2[%add3A_9] : memref<325632xi32, #tpu.memory_space<hbm>> -> memref<48xi32, #tpu.memory_space<hbm>>
    tpu.enqueue_dma source(%dma_start3A_10 : memref<48xi32, #tpu.memory_space<hbm>>) target(%arg8 : memref<48xi32, #tpu.memory_space<vmem>>) target_semaphore(%arg29 : memref<!tpu.dma_semaphore, #tpu.memory_space<semaphore_mem>>)
    %add3A_11 = arith.constant 48 : i32
    %add3A_12 = arith.addi %mul3A_4, %add3A_11 : i32
    %dma_start3A_13 = tpu.memref_slice %arg2[%add3A_12] : memref<325632xi32, #tpu.memory_space<hbm>> -> memref<48xi32, #tpu.memory_space<hbm>>
    %dma_start3A_14 = tpu.memref_slice %arg2[%add3A_12] : memref<325632xi32, #tpu.memory_space<hbm>> -> memref<48xi32, #tpu.memory_space<hbm>>
    tpu.enqueue_dma source(%dma_start3A_14 : memref<48xi32, #tpu.memory_space<hbm>>) target(%arg9 : memref<48xi32, #tpu.memory_space<vmem>>) target_semaphore(%arg30 : memref<!tpu.dma_semaphore, #tpu.memory_space<semaphore_mem>>)
    %add3A_15 = arith.constant 96 : i32
    %add3A_16 = arith.addi %mul3A_4, %add3A_15 : i32
    %dma_start3A_17 = tpu.memref_slice %arg2[%add3A_16] : memref<325632xi32, #tpu.memory_space<hbm>> -> memref<48xi32, #tpu.memory_space<hbm>>
    %dma_start3A_18 = tpu.memref_slice %arg2[%add3A_16] : memref<325632xi32, #tpu.memory_space<hbm>> -> memref<48xi32, #tpu.memory_space<hbm>>
    tpu.enqueue_dma source(%dma_start3A_18 : memref<48xi32, #tpu.memory_space<hbm>>) target(%arg10 : memref<48xi32, #tpu.memory_space<vmem>>) target_semaphore(%arg31 : memref<!tpu.dma_semaphore, #tpu.memory_space<semaphore_mem>>)
    %add3A_19 = arith.constant 144 : i32
    %add3A_20 = arith.addi %mul3A_4, %add3A_19 : i32
    %dma_start3A_21 = tpu.memref_slice %arg2[%add3A_20] : memref<325632xi32, #tpu.memory_space<hbm>> -> memref<48xi32, #tpu.memory_space<hbm>>
    %dma_start3A_22 = tpu.memref_slice %arg2[%add3A_20] : memref<325632xi32, #tpu.memory_space<hbm>> -> memref<48xi32, #tpu.memory_space<hbm>>
    tpu.enqueue_dma source(%dma_start3A_22 : memref<48xi32, #tpu.memory_space<hbm>>) target(%arg11 : memref<48xi32, #tpu.memory_space<vmem>>) target_semaphore(%arg32 : memref<!tpu.dma_semaphore, #tpu.memory_space<semaphore_mem>>)
    %add3A_23 = arith.constant 0 : i32
    %add3A_24 = arith.addi %mul3A_4, %add3A_23 : i32
    %dma_start3A_25 = tpu.memref_slice %arg3[%add3A_24] : memref<325632xi32, #tpu.memory_space<hbm>> -> memref<48xi32, #tpu.memory_space<hbm>>
    %dma_start3A_26 = tpu.memref_slice %arg3[%add3A_24] : memref<325632xi32, #tpu.memory_space<hbm>> -> memref<48xi32, #tpu.memory_space<hbm>>
    tpu.enqueue_dma source(%dma_start3A_26 : memref<48xi32, #tpu.memory_space<hbm>>) target(%arg12 : memref<48xi32, #tpu.memory_space<vmem>>) target_semaphore(%arg33 : memref<!tpu.dma_semaphore, #tpu.memory_space<semaphore_mem>>)
    %add3A_27 = arith.constant 48 : i32
    %add3A_28 = arith.addi %mul3A_4, %add3A_27 : i32
    %dma_start3A_29 = tpu.memref_slice %arg3[%add3A_28] : memref<325632xi32, #tpu.memory_space<hbm>> -> memref<48xi32, #tpu.memory_space<hbm>>
    %dma_start3A_30 = tpu.memref_slice %arg3[%add3A_28] : memref<325632xi32, #tpu.memory_space<hbm>> -> memref<48xi32, #tpu.memory_space<hbm>>
    tpu.enqueue_dma source(%dma_start3A_30 : memref<48xi32, #tpu.memory_space<hbm>>) target(%arg13 : memref<48xi32, #tpu.memory_space<vmem>>) target_semaphore(%arg34 : memref<!tpu.dma_semaphore, #tpu.memory_space<semaphore_mem>>)
    %add3A_31 = arith.constant 96 : i32
    %add3A_32 = arith.addi %mul3A_4, %add3A_31 : i32
    %dma_start3A_33 = tpu.memref_slice %arg3[%add3A_32] : memref<325632xi32, #tpu.memory_space<hbm>> -> memref<48xi32, #tpu.memory_space<hbm>>
    %dma_start3A_34 = tpu.memref_slice %arg3[%add3A_32] : memref<325632xi32, #tpu.memory_space<hbm>> -> memref<48xi32, #tpu.memory_space<hbm>>
    tpu.enqueue_dma source(%dma_start3A_34 : memref<48xi32, #tpu.memory_space<hbm>>) target(%arg14 : memref<48xi32, #tpu.memory_space<vmem>>) target_semaphore(%arg35 : memref<!tpu.dma_semaphore, #tpu.memory_space<semaphore_mem>>)
    %scan3A = arith.constant 0 : i32
    %scan3A_35 = arith.constant 640 : i32
    %scan3A_36 = arith.addi %scan3A, %scan3A_35 : i32
    %scan3A_37 = arith.constant 1 : i32
    scf.for %scan3A_385 = %scan3A to %scan3A_36 step %scan3A_37  : i32 {
      %mul3A_386 = arith.constant 16 : i32
      %mul3A_387 = arith.muli %scan3A_385, %mul3A_386 : i32
      %add3A_388 = arith.constant 0 : i32
      %add3A_389 = arith.addi %add3A_388, %mul3A_387 : i32
      %swap3A = arith.index_cast %add3A_389 : i32 to index
      %swap3A_390 = tpu.vector_load %arg20[%swap3A] {strides = array<i32>} : memref<10240xf32, #tpu.memory_space<vmem>>, vector<16xf32>,
      tpu.vector_store %arg20[%swap3A], %broadcast_in_dim3A_5 {strides = array<i32>} : memref<10240xf32, #tpu.memory_space<vmem>>, vector<16xf32>,
    }
    %scan3A_38 = arith.constant 640 : i32
    "tpu.region"() ({
      %run_scoped3A_385 = tpu.sem_alloc : memref<!tpu.dma_semaphore, #tpu.memory_space<semaphore_mem>>
      %dma_start3A_386 = arith.constant 0 : i32
      %dma_start3A_387 = tpu.memref_slice %arg23[%mul3A_0, %dma_start3A_386] : memref<10240x128xf32, #tpu.memory_space<vmem_shared>> -> memref<640x128xf32, #tpu.memory_space<vmem_shared>>
      tpu.enqueue_dma source(%arg5 : memref<640x128xf32, #tpu.memory_space<hbm>>) target(%dma_start3A_387 : memref<640x128xf32, #tpu.memory_space<vmem_shared>>) target_semaphore(%run_scoped3A_385 : memref<!tpu.dma_semaphore, #tpu.memory_space<semaphore_mem>>)
      %dma_wait3A_388 = arith.constant 0 : i32
      %dma_wait3A_389 = tpu.memref_slice %arg23[%mul3A_0, %dma_wait3A_388] : memref<10240x128xf32, #tpu.memory_space<vmem_shared>> -> memref<640x128xf32, #tpu.memory_space<vmem_shared>>
      tpu.wait_dma2 semaphore(%run_scoped3A_385 : memref<!tpu.dma_semaphore, #tpu.memory_space<semaphore_mem>>) src(%arg5 : memref<640x128xf32, #tpu.memory_space<hbm>>) dst(%dma_wait3A_389 : memref<640x128xf32, #tpu.memory_space<vmem_shared>>)
      tpu.yield
    }) : () -> ()
    %barrier3A = arith.constant 0 : index
    tpu.barrier barrier_id(%barrier3A)
    %add3A_39 = arith.constant 0 : i32
    %add3A_40 = arith.addi %mul3A_4, %add3A_39 : i32
    %dma_wait3A = tpu.memref_slice %arg2[%add3A_40] : memref<325632xi32, #tpu.memory_space<hbm>> -> memref<48xi32, #tpu.memory_space<hbm>>
    %dma_wait3A_41 = tpu.memref_slice %arg2[%add3A_40] : memref<325632xi32, #tpu.memory_space<hbm>> -> memref<48xi32, #tpu.memory_space<hbm>>
    tpu.wait_dma2 semaphore(%arg29 : memref<!tpu.dma_semaphore, #tpu.memory_space<semaphore_mem>>) src(%dma_wait3A_41 : memref<48xi32, #tpu.memory_space<hbm>>) dst(%arg8 : memref<48xi32, #tpu.memory_space<vmem>>)
    %dma_start3A_42 = arith.constant 0 : i32
    %dma_start3A_43 = arith.constant 0 : i32
    %dma_start3A_44 = tpu.memref_slice %arg4[%dma_start3A_42, %dma_start3A_43] : memref<10000x128xf32, #tpu.memory_space<hbm>> -> memref<10000x128xf32, #tpu.memory_space<hbm>>
    tpu.enqueue_indirect_dma source(%dma_start3A_44 : memref<10000x128xf32, #tpu.memory_space<hbm>>) target(%arg16 : memref<48x128xf32, #tpu.memory_space<vmem>>) offsets(%arg8 : memref<48xi32, #tpu.memory_space<vmem>>) semaphore(%arg25 : memref<!tpu.dma_semaphore, #tpu.memory_space<semaphore_mem>>)
    %add3A_45 = arith.constant 48 : i32
    %add3A_46 = arith.addi %mul3A_4, %add3A_45 : i32
    %dma_wait3A_47 = tpu.memref_slice %arg2[%add3A_46] : memref<325632xi32, #tpu.memory_space<hbm>> -> memref<48xi32, #tpu.memory_space<hbm>>
    %dma_wait3A_48 = tpu.memref_slice %arg2[%add3A_46] : memref<325632xi32, #tpu.memory_space<hbm>> -> memref<48xi32, #tpu.memory_space<hbm>>
    tpu.wait_dma2 semaphore(%arg30 : memref<!tpu.dma_semaphore, #tpu.memory_space<semaphore_mem>>) src(%dma_wait3A_48 : memref<48xi32, #tpu.memory_space<hbm>>) dst(%arg9 : memref<48xi32, #tpu.memory_space<vmem>>)
    %dma_start3A_49 = arith.constant 0 : i32
    %dma_start3A_50 = arith.constant 0 : i32
    %dma_start3A_51 = tpu.memref_slice %arg4[%dma_start3A_49, %dma_start3A_50] : memref<10000x128xf32, #tpu.memory_space<hbm>> -> memref<10000x128xf32, #tpu.memory_space<hbm>>
    tpu.enqueue_indirect_dma source(%dma_start3A_51 : memref<10000x128xf32, #tpu.memory_space<hbm>>) target(%arg17 : memref<48x128xf32, #tpu.memory_space<vmem>>) offsets(%arg9 : memref<48xi32, #tpu.memory_space<vmem>>) semaphore(%arg26 : memref<!tpu.dma_semaphore, #tpu.memory_space<semaphore_mem>>)
    %add3A_52 = arith.constant 96 : i32
    %add3A_53 = arith.addi %mul3A_4, %add3A_52 : i32
    %dma_wait3A_54 = tpu.memref_slice %arg2[%add3A_53] : memref<325632xi32, #tpu.memory_space<hbm>> -> memref<48xi32, #tpu.memory_space<hbm>>
    %dma_wait3A_55 = tpu.memref_slice %arg2[%add3A_53] : memref<325632xi32, #tpu.memory_space<hbm>> -> memref<48xi32, #tpu.memory_space<hbm>>
    tpu.wait_dma2 semaphore(%arg31 : memref<!tpu.dma_semaphore, #tpu.memory_space<semaphore_mem>>) src(%dma_wait3A_55 : memref<48xi32, #tpu.memory_space<hbm>>) dst(%arg10 : memref<48xi32, #tpu.memory_space<vmem>>)
    %dma_start3A_56 = arith.constant 0 : i32
    %dma_start3A_57 = arith.constant 0 : i32
    %dma_start3A_58 = tpu.memref_slice %arg4[%dma_start3A_56, %dma_start3A_57] : memref<10000x128xf32, #tpu.memory_space<hbm>> -> memref<10000x128xf32, #tpu.memory_space<hbm>>
    tpu.enqueue_indirect_dma source(%dma_start3A_58 : memref<10000x128xf32, #tpu.memory_space<hbm>>) target(%arg18 : memref<48x128xf32, #tpu.memory_space<vmem>>) offsets(%arg10 : memref<48xi32, #tpu.memory_space<vmem>>) semaphore(%arg27 : memref<!tpu.dma_semaphore, #tpu.memory_space<semaphore_mem>>)
    %add3A_59 = arith.constant 0 : i32
    %add3A_60 = arith.addi %mul3A_4, %add3A_59 : i32
    %dma_wait3A_61 = tpu.memref_slice %arg3[%add3A_60] : memref<325632xi32, #tpu.memory_space<hbm>> -> memref<48xi32, #tpu.memory_space<hbm>>
    %dma_wait3A_62 = tpu.memref_slice %arg3[%add3A_60] : memref<325632xi32, #tpu.memory_space<hbm>> -> memref<48xi32, #tpu.memory_space<hbm>>
    tpu.wait_dma2 semaphore(%arg33 : memref<!tpu.dma_semaphore, #tpu.memory_space<semaphore_mem>>) src(%dma_wait3A_62 : memref<48xi32, #tpu.memory_space<hbm>>) dst(%arg12 : memref<48xi32, #tpu.memory_space<vmem>>)
    %dma_wait3A_63 = arith.constant 0 : i32
    %dma_wait3A_64 = arith.constant 0 : i32
    %dma_wait3A_65 = tpu.memref_slice %arg4[%dma_wait3A_63, %dma_wait3A_64] : memref<10000x128xf32, #tpu.memory_space<hbm>> -> memref<10000x128xf32, #tpu.memory_space<hbm>>
    tpu.wait_indirect_dma semaphore(%arg25 : memref<!tpu.dma_semaphore, #tpu.memory_space<semaphore_mem>>) src(%dma_wait3A_65 : memref<10000x128xf32, #tpu.memory_space<hbm>>) dst(%arg16 : memref<48x128xf32, #tpu.memory_space<vmem>>)
    %dma_start3A_66 = arith.constant 0 : i32
    %dma_start3A_67 = arith.constant 0 : i32
    %dma_start3A_68 = tpu.memref_slice %arg23[%dma_start3A_66, %dma_start3A_67] : memref<10240x128xf32, #tpu.memory_space<vmem_shared>> -> memref<10240x128xf32, #tpu.memory_space<vmem_shared>>
    tpu.enqueue_indirect_dma source(%arg16 : memref<48x128xf32, #tpu.memory_space<vmem>>) target(%dma_start3A_68 : memref<10240x128xf32, #tpu.memory_space<vmem_shared>>) offsets(%arg12 : memref<48xi32, #tpu.memory_space<vmem>>) semaphore(%arg37 : memref<!tpu.dma_semaphore, #tpu.memory_space<semaphore_mem>>) {add = true}
    %scan3A_69 = arith.constant 0 : i32
    %scan3A_70 = arith.constant 3 : i32
    %scan3A_71 = arith.addi %scan3A_69, %scan3A_70 : i32
    %scan3A_72 = arith.constant 1 : i32
    scf.for %scan3A_385 = %scan3A_69 to %scan3A_71 step %scan3A_72  : i32 {
      %mul3A_386 = arith.constant 16 : i32
      %mul3A_387 = arith.muli %scan3A_385, %mul3A_386 : i32
      %add3A_388 = arith.constant 0 : i32
      %add3A_389 = arith.addi %add3A_388, %mul3A_387 : i32
      %get3A = arith.index_cast %add3A_389 : i32 to index
      %get3A_390 = tpu.vector_load %arg12[%get3A] {strides = array<i32>} : memref<48xi32, #tpu.memory_space<vmem>>, vector<16xi32>,
      tpu.vector_store_idx %arg20[%get3A_390], %broadcast_in_dim3A_7 {add = true} : memref<10240xf32, #tpu.memory_space<vmem>>[vector<16xi32>], vector<16xf32>,
    }
    %scan3A_73 = arith.constant 3 : i32
    %add3A_74 = arith.constant 192 : i32
    %add3A_75 = arith.addi %add3A_60, %add3A_74 : i32
    %dma_start3A_76 = tpu.memref_slice %arg2[%add3A_75] : memref<325632xi32, #tpu.memory_space<hbm>> -> memref<48xi32, #tpu.memory_space<hbm>>
    %dma_start3A_77 = tpu.memref_slice %arg2[%add3A_75] : memref<325632xi32, #tpu.memory_space<hbm>> -> memref<48xi32, #tpu.memory_space<hbm>>
    tpu.enqueue_dma source(%dma_start3A_77 : memref<48xi32, #tpu.memory_space<hbm>>) target(%arg8 : memref<48xi32, #tpu.memory_space<vmem>>) target_semaphore(%arg29 : memref<!tpu.dma_semaphore, #tpu.memory_space<semaphore_mem>>)
    %add3A_78 = arith.constant 144 : i32
    %add3A_79 = arith.addi %add3A_60, %add3A_78 : i32
    %dma_wait3A_80 = tpu.memref_slice %arg2[%add3A_79] : memref<325632xi32, #tpu.memory_space<hbm>> -> memref<48xi32, #tpu.memory_space<hbm>>
    %dma_wait3A_81 = tpu.memref_slice %arg2[%add3A_79] : memref<325632xi32, #tpu.memory_space<hbm>> -> memref<48xi32, #tpu.memory_space<hbm>>
    tpu.wait_dma2 semaphore(%arg32 : memref<!tpu.dma_semaphore, #tpu.memory_space<semaphore_mem>>) src(%dma_wait3A_81 : memref<48xi32, #tpu.memory_space<hbm>>) dst(%arg11 : memref<48xi32, #tpu.memory_space<vmem>>)
    %dma_start3A_82 = arith.constant 0 : i32
    %dma_start3A_83 = arith.constant 0 : i32
    %dma_start3A_84 = tpu.memref_slice %arg4[%dma_start3A_82, %dma_start3A_83] : memref<10000x128xf32, #tpu.memory_space<hbm>> -> memref<10000x128xf32, #tpu.memory_space<hbm>>
    tpu.enqueue_indirect_dma source(%dma_start3A_84 : memref<10000x128xf32, #tpu.memory_space<hbm>>) target(%arg19 : memref<48x128xf32, #tpu.memory_space<vmem>>) offsets(%arg11 : memref<48xi32, #tpu.memory_space<vmem>>) semaphore(%arg28 : memref<!tpu.dma_semaphore, #tpu.memory_space<semaphore_mem>>)
    %add3A_85 = arith.constant 144 : i32
    %add3A_86 = arith.addi %add3A_60, %add3A_85 : i32
    %dma_start3A_87 = tpu.memref_slice %arg3[%add3A_86] : memref<325632xi32, #tpu.memory_space<hbm>> -> memref<48xi32, #tpu.memory_space<hbm>>
    %dma_start3A_88 = tpu.memref_slice %arg3[%add3A_86] : memref<325632xi32, #tpu.memory_space<hbm>> -> memref<48xi32, #tpu.memory_space<hbm>>
    tpu.enqueue_dma source(%dma_start3A_88 : memref<48xi32, #tpu.memory_space<hbm>>) target(%arg15 : memref<48xi32, #tpu.memory_space<vmem>>) target_semaphore(%arg36 : memref<!tpu.dma_semaphore, #tpu.memory_space<semaphore_mem>>)
    %add3A_89 = arith.constant 48 : i32
    %add3A_90 = arith.addi %mul3A_4, %add3A_89 : i32
    %dma_wait3A_91 = tpu.memref_slice %arg3[%add3A_90] : memref<325632xi32, #tpu.memory_space<hbm>> -> memref<48xi32, #tpu.memory_space<hbm>>
    %dma_wait3A_92 = tpu.memref_slice %arg3[%add3A_90] : memref<325632xi32, #tpu.memory_space<hbm>> -> memref<48xi32, #tpu.memory_space<hbm>>
    tpu.wait_dma2 semaphore(%arg34 : memref<!tpu.dma_semaphore, #tpu.memory_space<semaphore_mem>>) src(%dma_wait3A_92 : memref<48xi32, #tpu.memory_space<hbm>>) dst(%arg13 : memref<48xi32, #tpu.memory_space<vmem>>)
    %dma_wait3A_93 = arith.constant 0 : i32
    %dma_wait3A_94 = arith.constant 0 : i32
    %dma_wait3A_95 = tpu.memref_slice %arg4[%dma_wait3A_93, %dma_wait3A_94] : memref<10000x128xf32, #tpu.memory_space<hbm>> -> memref<10000x128xf32, #tpu.memory_space<hbm>>
    tpu.wait_indirect_dma semaphore(%arg26 : memref<!tpu.dma_semaphore, #tpu.memory_space<semaphore_mem>>) src(%dma_wait3A_95 : memref<10000x128xf32, #tpu.memory_space<hbm>>) dst(%arg17 : memref<48x128xf32, #tpu.memory_space<vmem>>)
    %dma_start3A_96 = arith.constant 0 : i32
    %dma_start3A_97 = arith.constant 0 : i32
    %dma_start3A_98 = tpu.memref_slice %arg23[%dma_start3A_96, %dma_start3A_97] : memref<10240x128xf32, #tpu.memory_space<vmem_shared>> -> memref<10240x128xf32, #tpu.memory_space<vmem_shared>>
    tpu.enqueue_indirect_dma source(%arg17 : memref<48x128xf32, #tpu.memory_space<vmem>>) target(%dma_start3A_98 : memref<10240x128xf32, #tpu.memory_space<vmem_shared>>) offsets(%arg13 : memref<48xi32, #tpu.memory_space<vmem>>) semaphore(%arg38 : memref<!tpu.dma_semaphore, #tpu.memory_space<semaphore_mem>>) {add = true}
    %scan3A_99 = arith.constant 0 : i32
    %scan3A_100 = arith.constant 3 : i32
    %scan3A_101 = arith.addi %scan3A_99, %scan3A_100 : i32
    %scan3A_102 = arith.constant 1 : i32
    scf.for %scan3A_385 = %scan3A_99 to %scan3A_101 step %scan3A_102  : i32 {
      %mul3A_386 = arith.constant 16 : i32
      %mul3A_387 = arith.muli %scan3A_385, %mul3A_386 : i32
      %add3A_388 = arith.constant 0 : i32
      %add3A_389 = arith.addi %add3A_388, %mul3A_387 : i32
      %get3A = arith.index_cast %add3A_389 : i32 to index
      %get3A_390 = tpu.vector_load %arg13[%get3A] {strides = array<i32>} : memref<48xi32, #tpu.memory_space<vmem>>, vector<16xi32>,
      tpu.vector_store_idx %arg20[%get3A_390], %broadcast_in_dim3A_7 {add = true} : memref<10240xf32, #tpu.memory_space<vmem>>[vector<16xi32>], vector<16xf32>,
    }
    %scan3A_103 = arith.constant 3 : i32
    %add3A_104 = arith.constant 192 : i32
    %add3A_105 = arith.addi %add3A_90, %add3A_104 : i32
    %dma_start3A_106 = tpu.memref_slice %arg2[%add3A_105] : memref<325632xi32, #tpu.memory_space<hbm>> -> memref<48xi32, #tpu.memory_space<hbm>>
    %dma_start3A_107 = tpu.memref_slice %arg2[%add3A_105] : memref<325632xi32, #tpu.memory_space<hbm>> -> memref<48xi32, #tpu.memory_space<hbm>>
    tpu.enqueue_dma source(%dma_start3A_107 : memref<48xi32, #tpu.memory_space<hbm>>) target(%arg9 : memref<48xi32, #tpu.memory_space<vmem>>) target_semaphore(%arg30 : memref<!tpu.dma_semaphore, #tpu.memory_space<semaphore_mem>>)
    %add3A_108 = arith.constant 144 : i32
    %add3A_109 = arith.addi %add3A_90, %add3A_108 : i32
    %dma_wait3A_110 = arith.constant 0 : i32
    %dma_wait3A_111 = arith.constant 0 : i32
    %dma_wait3A_112 = tpu.memref_slice %arg23[%dma_wait3A_110, %dma_wait3A_111] : memref<10240x128xf32, #tpu.memory_space<vmem_shared>> -> memref<10240x128xf32, #tpu.memory_space<vmem_shared>>
    tpu.wait_indirect_dma semaphore(%arg37 : memref<!tpu.dma_semaphore, #tpu.memory_space<semaphore_mem>>) src(%arg16 : memref<48x128xf32, #tpu.memory_space<vmem>>) dst(%dma_wait3A_112 : memref<10240x128xf32, #tpu.memory_space<vmem_shared>>)
    %dma_wait3A_113 = tpu.memref_slice %arg2[%add3A_109] : memref<325632xi32, #tpu.memory_space<hbm>> -> memref<48xi32, #tpu.memory_space<hbm>>
    %dma_wait3A_114 = tpu.memref_slice %arg2[%add3A_109] : memref<325632xi32, #tpu.memory_space<hbm>> -> memref<48xi32, #tpu.memory_space<hbm>>
    tpu.wait_dma2 semaphore(%arg29 : memref<!tpu.dma_semaphore, #tpu.memory_space<semaphore_mem>>) src(%dma_wait3A_114 : memref<48xi32, #tpu.memory_space<hbm>>) dst(%arg8 : memref<48xi32, #tpu.memory_space<vmem>>)
    %dma_start3A_115 = arith.constant 0 : i32
    %dma_start3A_116 = arith.constant 0 : i32
    %dma_start3A_117 = tpu.memref_slice %arg4[%dma_start3A_115, %dma_start3A_116] : memref<10000x128xf32, #tpu.memory_space<hbm>> -> memref<10000x128xf32, #tpu.memory_space<hbm>>
    tpu.enqueue_indirect_dma source(%dma_start3A_117 : memref<10000x128xf32, #tpu.memory_space<hbm>>) target(%arg16 : memref<48x128xf32, #tpu.memory_space<vmem>>) offsets(%arg8 : memref<48xi32, #tpu.memory_space<vmem>>) semaphore(%arg25 : memref<!tpu.dma_semaphore, #tpu.memory_space<semaphore_mem>>)
    %add3A_118 = arith.constant 144 : i32
    %add3A_119 = arith.addi %add3A_90, %add3A_118 : i32
    %dma_start3A_120 = tpu.memref_slice %arg3[%add3A_119] : memref<325632xi32, #tpu.memory_space<hbm>> -> memref<48xi32, #tpu.memory_space<hbm>>
    %dma_start3A_121 = tpu.memref_slice %arg3[%add3A_119] : memref<325632xi32, #tpu.memory_space<hbm>> -> memref<48xi32, #tpu.memory_space<hbm>>
    tpu.enqueue_dma source(%dma_start3A_121 : memref<48xi32, #tpu.memory_space<hbm>>) target(%arg12 : memref<48xi32, #tpu.memory_space<vmem>>) target_semaphore(%arg33 : memref<!tpu.dma_semaphore, #tpu.memory_space<semaphore_mem>>)
    %add3A_122 = arith.constant 96 : i32
    %add3A_123 = arith.addi %mul3A_4, %add3A_122 : i32
    %dma_wait3A_124 = tpu.memref_slice %arg3[%add3A_123] : memref<325632xi32, #tpu.memory_space<hbm>> -> memref<48xi32, #tpu.memory_space<hbm>>
    %dma_wait3A_125 = tpu.memref_slice %arg3[%add3A_123] : memref<325632xi32, #tpu.memory_space<hbm>> -> memref<48xi32, #tpu.memory_space<hbm>>
    tpu.wait_dma2 semaphore(%arg35 : memref<!tpu.dma_semaphore, #tpu.memory_space<semaphore_mem>>) src(%dma_wait3A_125 : memref<48xi32, #tpu.memory_space<hbm>>) dst(%arg14 : memref<48xi32, #tpu.memory_space<vmem>>)
    %dma_wait3A_126 = arith.constant 0 : i32
    %dma_wait3A_127 = arith.constant 0 : i32
    %dma_wait3A_128 = tpu.memref_slice %arg4[%dma_wait3A_126, %dma_wait3A_127] : memref<10000x128xf32, #tpu.memory_space<hbm>> -> memref<10000x128xf32, #tpu.memory_space<hbm>>
    tpu.wait_indirect_dma semaphore(%arg27 : memref<!tpu.dma_semaphore, #tpu.memory_space<semaphore_mem>>) src(%dma_wait3A_128 : memref<10000x128xf32, #tpu.memory_space<hbm>>) dst(%arg18 : memref<48x128xf32, #tpu.memory_space<vmem>>)
    %dma_start3A_129 = arith.constant 0 : i32
    %dma_start3A_130 = arith.constant 0 : i32
    %dma_start3A_131 = tpu.memref_slice %arg23[%dma_start3A_129, %dma_start3A_130] : memref<10240x128xf32, #tpu.memory_space<vmem_shared>> -> memref<10240x128xf32, #tpu.memory_space<vmem_shared>>
    tpu.enqueue_indirect_dma source(%arg18 : memref<48x128xf32, #tpu.memory_space<vmem>>) target(%dma_start3A_131 : memref<10240x128xf32, #tpu.memory_space<vmem_shared>>) offsets(%arg14 : memref<48xi32, #tpu.memory_space<vmem>>) semaphore(%arg39 : memref<!tpu.dma_semaphore, #tpu.memory_space<semaphore_mem>>) {add = true}
    %scan3A_132 = arith.constant 0 : i32
    %scan3A_133 = arith.constant 3 : i32
    %scan3A_134 = arith.addi %scan3A_132, %scan3A_133 : i32
    %scan3A_135 = arith.constant 1 : i32
    scf.for %scan3A_385 = %scan3A_132 to %scan3A_134 step %scan3A_135  : i32 {
      %mul3A_386 = arith.constant 16 : i32
      %mul3A_387 = arith.muli %scan3A_385, %mul3A_386 : i32
      %add3A_388 = arith.constant 0 : i32
      %add3A_389 = arith.addi %add3A_388, %mul3A_387 : i32
      %get3A = arith.index_cast %add3A_389 : i32 to index
      %get3A_390 = tpu.vector_load %arg14[%get3A] {strides = array<i32>} : memref<48xi32, #tpu.memory_space<vmem>>, vector<16xi32>,
      tpu.vector_store_idx %arg20[%get3A_390], %broadcast_in_dim3A_7 {add = true} : memref<10240xf32, #tpu.memory_space<vmem>>[vector<16xi32>], vector<16xf32>,
    }
    %scan3A_136 = arith.constant 3 : i32
    %add3A_137 = arith.constant 192 : i32
    %add3A_138 = arith.addi %add3A_123, %add3A_137 : i32
    %dma_start3A_139 = tpu.memref_slice %arg2[%add3A_138] : memref<325632xi32, #tpu.memory_space<hbm>> -> memref<48xi32, #tpu.memory_space<hbm>>
    %dma_start3A_140 = tpu.memref_slice %arg2[%add3A_138] : memref<325632xi32, #tpu.memory_space<hbm>> -> memref<48xi32, #tpu.memory_space<hbm>>
    tpu.enqueue_dma source(%dma_start3A_140 : memref<48xi32, #tpu.memory_space<hbm>>) target(%arg10 : memref<48xi32, #tpu.memory_space<vmem>>) target_semaphore(%arg31 : memref<!tpu.dma_semaphore, #tpu.memory_space<semaphore_mem>>)
    %add3A_141 = arith.constant 144 : i32
    %add3A_142 = arith.addi %add3A_123, %add3A_141 : i32
    %dma_wait3A_143 = arith.constant 0 : i32
    %dma_wait3A_144 = arith.constant 0 : i32
    %dma_wait3A_145 = tpu.memref_slice %arg23[%dma_wait3A_143, %dma_wait3A_144] : memref<10240x128xf32, #tpu.memory_space<vmem_shared>> -> memref<10240x128xf32, #tpu.memory_space<vmem_shared>>
    tpu.wait_indirect_dma semaphore(%arg38 : memref<!tpu.dma_semaphore, #tpu.memory_space<semaphore_mem>>) src(%arg17 : memref<48x128xf32, #tpu.memory_space<vmem>>) dst(%dma_wait3A_145 : memref<10240x128xf32, #tpu.memory_space<vmem_shared>>)
    %dma_wait3A_146 = tpu.memref_slice %arg2[%add3A_142] : memref<325632xi32, #tpu.memory_space<hbm>> -> memref<48xi32, #tpu.memory_space<hbm>>
    %dma_wait3A_147 = tpu.memref_slice %arg2[%add3A_142] : memref<325632xi32, #tpu.memory_space<hbm>> -> memref<48xi32, #tpu.memory_space<hbm>>
    tpu.wait_dma2 semaphore(%arg30 : memref<!tpu.dma_semaphore, #tpu.memory_space<semaphore_mem>>) src(%dma_wait3A_147 : memref<48xi32, #tpu.memory_space<hbm>>) dst(%arg9 : memref<48xi32, #tpu.memory_space<vmem>>)
    %dma_start3A_148 = arith.constant 0 : i32
    %dma_start3A_149 = arith.constant 0 : i32
    %dma_start3A_150 = tpu.memref_slice %arg4[%dma_start3A_148, %dma_start3A_149] : memref<10000x128xf32, #tpu.memory_space<hbm>> -> memref<10000x128xf32, #tpu.memory_space<hbm>>
    tpu.enqueue_indirect_dma source(%dma_start3A_150 : memref<10000x128xf32, #tpu.memory_space<hbm>>) target(%arg17 : memref<48x128xf32, #tpu.memory_space<vmem>>) offsets(%arg9 : memref<48xi32, #tpu.memory_space<vmem>>) semaphore(%arg26 : memref<!tpu.dma_semaphore, #tpu.memory_space<semaphore_mem>>)
    %add3A_151 = arith.constant 144 : i32
    %add3A_152 = arith.addi %add3A_123, %add3A_151 : i32
    %dma_start3A_153 = tpu.memref_slice %arg3[%add3A_152] : memref<325632xi32, #tpu.memory_space<hbm>> -> memref<48xi32, #tpu.memory_space<hbm>>
    %dma_start3A_154 = tpu.memref_slice %arg3[%add3A_152] : memref<325632xi32, #tpu.memory_space<hbm>> -> memref<48xi32, #tpu.memory_space<hbm>>
    tpu.enqueue_dma source(%dma_start3A_154 : memref<48xi32, #tpu.memory_space<hbm>>) target(%arg13 : memref<48xi32, #tpu.memory_space<vmem>>) target_semaphore(%arg34 : memref<!tpu.dma_semaphore, #tpu.memory_space<semaphore_mem>>)
    %add3A_155 = arith.constant 144 : i32
    %add3A_156 = arith.addi %mul3A_4, %add3A_155 : i32
    %dma_wait3A_157 = tpu.memref_slice %arg3[%add3A_156] : memref<325632xi32, #tpu.memory_space<hbm>> -> memref<48xi32, #tpu.memory_space<hbm>>
    %dma_wait3A_158 = tpu.memref_slice %arg3[%add3A_156] : memref<325632xi32, #tpu.memory_space<hbm>> -> memref<48xi32, #tpu.memory_space<hbm>>
    tpu.wait_dma2 semaphore(%arg36 : memref<!tpu.dma_semaphore, #tpu.memory_space<semaphore_mem>>) src(%dma_wait3A_158 : memref<48xi32, #tpu.memory_space<hbm>>) dst(%arg15 : memref<48xi32, #tpu.memory_space<vmem>>)
    %dma_wait3A_159 = arith.constant 0 : i32
    %dma_wait3A_160 = arith.constant 0 : i32
    %dma_wait3A_161 = tpu.memref_slice %arg4[%dma_wait3A_159, %dma_wait3A_160] : memref<10000x128xf32, #tpu.memory_space<hbm>> -> memref<10000x128xf32, #tpu.memory_space<hbm>>
    tpu.wait_indirect_dma semaphore(%arg28 : memref<!tpu.dma_semaphore, #tpu.memory_space<semaphore_mem>>) src(%dma_wait3A_161 : memref<10000x128xf32, #tpu.memory_space<hbm>>) dst(%arg19 : memref<48x128xf32, #tpu.memory_space<vmem>>)
    %dma_start3A_162 = arith.constant 0 : i32
    %dma_start3A_163 = arith.constant 0 : i32
    %dma_start3A_164 = tpu.memref_slice %arg23[%dma_start3A_162, %dma_start3A_163] : memref<10240x128xf32, #tpu.memory_space<vmem_shared>> -> memref<10240x128xf32, #tpu.memory_space<vmem_shared>>
    tpu.enqueue_indirect_dma source(%arg19 : memref<48x128xf32, #tpu.memory_space<vmem>>) target(%dma_start3A_164 : memref<10240x128xf32, #tpu.memory_space<vmem_shared>>) offsets(%arg15 : memref<48xi32, #tpu.memory_space<vmem>>) semaphore(%arg40 : memref<!tpu.dma_semaphore, #tpu.memory_space<semaphore_mem>>) {add = true}
    %scan3A_165 = arith.constant 0 : i32
    %scan3A_166 = arith.constant 3 : i32
    %scan3A_167 = arith.addi %scan3A_165, %scan3A_166 : i32
    %scan3A_168 = arith.constant 1 : i32
    scf.for %scan3A_385 = %scan3A_165 to %scan3A_167 step %scan3A_168  : i32 {
      %mul3A_386 = arith.constant 16 : i32
      %mul3A_387 = arith.muli %scan3A_385, %mul3A_386 : i32
      %add3A_388 = arith.constant 0 : i32
      %add3A_389 = arith.addi %add3A_388, %mul3A_387 : i32
      %get3A = arith.index_cast %add3A_389 : i32 to index
      %get3A_390 = tpu.vector_load %arg15[%get3A] {strides = array<i32>} : memref<48xi32, #tpu.memory_space<vmem>>, vector<16xi32>,
      tpu.vector_store_idx %arg20[%get3A_390], %broadcast_in_dim3A_7 {add = true} : memref<10240xf32, #tpu.memory_space<vmem>>[vector<16xi32>], vector<16xf32>,
    }
    %scan3A_169 = arith.constant 3 : i32
    %add3A_170 = arith.constant 192 : i32
    %add3A_171 = arith.addi %add3A_156, %add3A_170 : i32
    %dma_start3A_172 = tpu.memref_slice %arg2[%add3A_171] : memref<325632xi32, #tpu.memory_space<hbm>> -> memref<48xi32, #tpu.memory_space<hbm>>
    %dma_start3A_173 = tpu.memref_slice %arg2[%add3A_171] : memref<325632xi32, #tpu.memory_space<hbm>> -> memref<48xi32, #tpu.memory_space<hbm>>
    tpu.enqueue_dma source(%dma_start3A_173 : memref<48xi32, #tpu.memory_space<hbm>>) target(%arg11 : memref<48xi32, #tpu.memory_space<vmem>>) target_semaphore(%arg32 : memref<!tpu.dma_semaphore, #tpu.memory_space<semaphore_mem>>)
    %add3A_174 = arith.constant 144 : i32
    %add3A_175 = arith.addi %add3A_156, %add3A_174 : i32
    %dma_wait3A_176 = arith.constant 0 : i32
    %dma_wait3A_177 = arith.constant 0 : i32
    %dma_wait3A_178 = tpu.memref_slice %arg23[%dma_wait3A_176, %dma_wait3A_177] : memref<10240x128xf32, #tpu.memory_space<vmem_shared>> -> memref<10240x128xf32, #tpu.memory_space<vmem_shared>>
    tpu.wait_indirect_dma semaphore(%arg39 : memref<!tpu.dma_semaphore, #tpu.memory_space<semaphore_mem>>) src(%arg18 : memref<48x128xf32, #tpu.memory_space<vmem>>) dst(%dma_wait3A_178 : memref<10240x128xf32, #tpu.memory_space<vmem_shared>>)
    %dma_wait3A_179 = tpu.memref_slice %arg2[%add3A_175] : memref<325632xi32, #tpu.memory_space<hbm>> -> memref<48xi32, #tpu.memory_space<hbm>>
    %dma_wait3A_180 = tpu.memref_slice %arg2[%add3A_175] : memref<325632xi32, #tpu.memory_space<hbm>> -> memref<48xi32, #tpu.memory_space<hbm>>
    tpu.wait_dma2 semaphore(%arg31 : memref<!tpu.dma_semaphore, #tpu.memory_space<semaphore_mem>>) src(%dma_wait3A_180 : memref<48xi32, #tpu.memory_space<hbm>>) dst(%arg10 : memref<48xi32, #tpu.memory_space<vmem>>)
    %dma_start3A_181 = arith.constant 0 : i32
    %dma_start3A_182 = arith.constant 0 : i32
    %dma_start3A_183 = tpu.memref_slice %arg4[%dma_start3A_181, %dma_start3A_182] : memref<10000x128xf32, #tpu.memory_space<hbm>> -> memref<10000x128xf32, #tpu.memory_space<hbm>>
    tpu.enqueue_indirect_dma source(%dma_start3A_183 : memref<10000x128xf32, #tpu.memory_space<hbm>>) target(%arg18 : memref<48x128xf32, #tpu.memory_space<vmem>>) offsets(%arg10 : memref<48xi32, #tpu.memory_space<vmem>>) semaphore(%arg27 : memref<!tpu.dma_semaphore, #tpu.memory_space<semaphore_mem>>)
    %add3A_184 = arith.constant 144 : i32
    %add3A_185 = arith.addi %add3A_156, %add3A_184 : i32
    %dma_start3A_186 = tpu.memref_slice %arg3[%add3A_185] : memref<325632xi32, #tpu.memory_space<hbm>> -> memref<48xi32, #tpu.memory_space<hbm>>
    %dma_start3A_187 = tpu.memref_slice %arg3[%add3A_185] : memref<325632xi32, #tpu.memory_space<hbm>> -> memref<48xi32, #tpu.memory_space<hbm>>
    tpu.enqueue_dma source(%dma_start3A_187 : memref<48xi32, #tpu.memory_space<hbm>>) target(%arg14 : memref<48xi32, #tpu.memory_space<vmem>>) target_semaphore(%arg35 : memref<!tpu.dma_semaphore, #tpu.memory_space<semaphore_mem>>)
    %scan3A_188 = arith.constant 0 : i32
    %scan3A_189 = arith.constant 51 : i32
    %scan3A_190 = arith.addi %scan3A_188, %scan3A_189 : i32
    %scan3A_191 = arith.constant 1 : i32
    scf.for %scan3A_385 = %scan3A_188 to %scan3A_190 step %scan3A_191  : i32 {
      %mul3A_386 = arith.constant 4 : i32
      %mul3A_387 = arith.muli %scan3A_385, %mul3A_386 : i32
      %add3A_388 = arith.constant 4 : i32
      %add3A_389 = arith.addi %add3A_388, %mul3A_387 : i32
      %mul3A_390 = arith.constant 48 : i32
      %mul3A_391 = arith.muli %add3A_389, %mul3A_390 : i32
      %add3A_392 = arith.addi %mul3A_4, %mul3A_391 : i32
      %add3A_393 = arith.constant 0 : i32
      %add3A_394 = arith.addi %add3A_392, %add3A_393 : i32
      %dma_wait3A_395 = tpu.memref_slice %arg3[%add3A_394] : memref<325632xi32, #tpu.memory_space<hbm>> -> memref<48xi32, #tpu.memory_space<hbm>>
      %dma_wait3A_396 = tpu.memref_slice %arg3[%add3A_394] : memref<325632xi32, #tpu.memory_space<hbm>> -> memref<48xi32, #tpu.memory_space<hbm>>
      tpu.wait_dma2 semaphore(%arg33 : memref<!tpu.dma_semaphore, #tpu.memory_space<semaphore_mem>>) src(%dma_wait3A_396 : memref<48xi32, #tpu.memory_space<hbm>>) dst(%arg12 : memref<48xi32, #tpu.memory_space<vmem>>)
      %dma_wait3A_397 = arith.constant 0 : i32
      %dma_wait3A_398 = arith.constant 0 : i32
      %dma_wait3A_399 = tpu.memref_slice %arg4[%dma_wait3A_397, %dma_wait3A_398] : memref<10000x128xf32, #tpu.memory_space<hbm>> -> memref<10000x128xf32, #tpu.memory_space<hbm>>
      tpu.wait_indirect_dma semaphore(%arg25 : memref<!tpu.dma_semaphore, #tpu.memory_space<semaphore_mem>>) src(%dma_wait3A_399 : memref<10000x128xf32, #tpu.memory_space<hbm>>) dst(%arg16 : memref<48x128xf32, #tpu.memory_space<vmem>>)
      %dma_start3A_400 = arith.constant 0 : i32
      %dma_start3A_401 = arith.constant 0 : i32
      %dma_start3A_402 = tpu.memref_slice %arg23[%dma_start3A_400, %dma_start3A_401] : memref<10240x128xf32, #tpu.memory_space<vmem_shared>> -> memref<10240x128xf32, #tpu.memory_space<vmem_shared>>
      tpu.enqueue_indirect_dma source(%arg16 : memref<48x128xf32, #tpu.memory_space<vmem>>) target(%dma_start3A_402 : memref<10240x128xf32, #tpu.memory_space<vmem_shared>>) offsets(%arg12 : memref<48xi32, #tpu.memory_space<vmem>>) semaphore(%arg37 : memref<!tpu.dma_semaphore, #tpu.memory_space<semaphore_mem>>) {add = true}
      %scan3A_403 = arith.constant 0 : i32
      %scan3A_404 = arith.constant 3 : i32
      %scan3A_405 = arith.addi %scan3A_403, %scan3A_404 : i32
      %scan3A_406 = arith.constant 1 : i32
      scf.for %scan3A_525 = %scan3A_403 to %scan3A_405 step %scan3A_406  : i32 {
        %mul3A_526 = arith.constant 16 : i32
        %mul3A_527 = arith.muli %scan3A_525, %mul3A_526 : i32
        %add3A_528 = arith.constant 0 : i32
        %add3A_529 = arith.addi %add3A_528, %mul3A_527 : i32
        %get3A = arith.index_cast %add3A_529 : i32 to index
        %get3A_530 = tpu.vector_load %arg12[%get3A] {strides = array<i32>} : memref<48xi32, #tpu.memory_space<vmem>>, vector<16xi32>,
        tpu.vector_store_idx %arg20[%get3A_530], %broadcast_in_dim3A_7 {add = true} : memref<10240xf32, #tpu.memory_space<vmem>>[vector<16xi32>], vector<16xf32>,
      }
      %scan3A_407 = arith.constant 3 : i32
      %add3A_408 = arith.constant 192 : i32
      %add3A_409 = arith.addi %add3A_394, %add3A_408 : i32
      %dma_start3A_410 = tpu.memref_slice %arg2[%add3A_409] : memref<325632xi32, #tpu.memory_space<hbm>> -> memref<48xi32, #tpu.memory_space<hbm>>
      %dma_start3A_411 = tpu.memref_slice %arg2[%add3A_409] : memref<325632xi32, #tpu.memory_space<hbm>> -> memref<48xi32, #tpu.memory_space<hbm>>
      tpu.enqueue_dma source(%dma_start3A_411 : memref<48xi32, #tpu.memory_space<hbm>>) target(%arg8 : memref<48xi32, #tpu.memory_space<vmem>>) target_semaphore(%arg29 : memref<!tpu.dma_semaphore, #tpu.memory_space<semaphore_mem>>)
      %add3A_412 = arith.constant 144 : i32
      %add3A_413 = arith.addi %add3A_394, %add3A_412 : i32
      %dma_wait3A_414 = arith.constant 0 : i32
      %dma_wait3A_415 = arith.constant 0 : i32
      %dma_wait3A_416 = tpu.memref_slice %arg23[%dma_wait3A_414, %dma_wait3A_415] : memref<10240x128xf32, #tpu.memory_space<vmem_shared>> -> memref<10240x128xf32, #tpu.memory_space<vmem_shared>>
      tpu.wait_indirect_dma semaphore(%arg40 : memref<!tpu.dma_semaphore, #tpu.memory_space<semaphore_mem>>) src(%arg19 : memref<48x128xf32, #tpu.memory_space<vmem>>) dst(%dma_wait3A_416 : memref<10240x128xf32, #tpu.memory_space<vmem_shared>>)
      %dma_wait3A_417 = tpu.memref_slice %arg2[%add3A_413] : memref<325632xi32, #tpu.memory_space<hbm>> -> memref<48xi32, #tpu.memory_space<hbm>>
      %dma_wait3A_418 = tpu.memref_slice %arg2[%add3A_413] : memref<325632xi32, #tpu.memory_space<hbm>> -> memref<48xi32, #tpu.memory_space<hbm>>
      tpu.wait_dma2 semaphore(%arg32 : memref<!tpu.dma_semaphore, #tpu.memory_space<semaphore_mem>>) src(%dma_wait3A_418 : memref<48xi32, #tpu.memory_space<hbm>>) dst(%arg11 : memref<48xi32, #tpu.memory_space<vmem>>)
      %dma_start3A_419 = arith.constant 0 : i32
      %dma_start3A_420 = arith.constant 0 : i32
      %dma_start3A_421 = tpu.memref_slice %arg4[%dma_start3A_419, %dma_start3A_420] : memref<10000x128xf32, #tpu.memory_space<hbm>> -> memref<10000x128xf32, #tpu.memory_space<hbm>>
      tpu.enqueue_indirect_dma source(%dma_start3A_421 : memref<10000x128xf32, #tpu.memory_space<hbm>>) target(%arg19 : memref<48x128xf32, #tpu.memory_space<vmem>>) offsets(%arg11 : memref<48xi32, #tpu.memory_space<vmem>>) semaphore(%arg28 : memref<!tpu.dma_semaphore, #tpu.memory_space<semaphore_mem>>)
      %add3A_422 = arith.constant 144 : i32
      %add3A_423 = arith.addi %add3A_394, %add3A_422 : i32
      %dma_start3A_424 = tpu.memref_slice %arg3[%add3A_423] : memref<325632xi32, #tpu.memory_space<hbm>> -> memref<48xi32, #tpu.memory_space<hbm>>
      %dma_start3A_425 = tpu.memref_slice %arg3[%add3A_423] : memref<325632xi32, #tpu.memory_space<hbm>> -> memref<48xi32, #tpu.memory_space<hbm>>
      tpu.enqueue_dma source(%dma_start3A_425 : memref<48xi32, #tpu.memory_space<hbm>>) target(%arg15 : memref<48xi32, #tpu.memory_space<vmem>>) target_semaphore(%arg36 : memref<!tpu.dma_semaphore, #tpu.memory_space<semaphore_mem>>)
      %add3A_426 = arith.constant 48 : i32
      %add3A_427 = arith.addi %add3A_392, %add3A_426 : i32
      %dma_wait3A_428 = tpu.memref_slice %arg3[%add3A_427] : memref<325632xi32, #tpu.memory_space<hbm>> -> memref<48xi32, #tpu.memory_space<hbm>>
      %dma_wait3A_429 = tpu.memref_slice %arg3[%add3A_427] : memref<325632xi32, #tpu.memory_space<hbm>> -> memref<48xi32, #tpu.memory_space<hbm>>
      tpu.wait_dma2 semaphore(%arg34 : memref<!tpu.dma_semaphore, #tpu.memory_space<semaphore_mem>>) src(%dma_wait3A_429 : memref<48xi32, #tpu.memory_space<hbm>>) dst(%arg13 : memref<48xi32, #tpu.memory_space<vmem>>)
      %dma_wait3A_430 = arith.constant 0 : i32
      %dma_wait3A_431 = arith.constant 0 : i32
      %dma_wait3A_432 = tpu.memref_slice %arg4[%dma_wait3A_430, %dma_wait3A_431] : memref<10000x128xf32, #tpu.memory_space<hbm>> -> memref<10000x128xf32, #tpu.memory_space<hbm>>
      tpu.wait_indirect_dma semaphore(%arg26 : memref<!tpu.dma_semaphore, #tpu.memory_space<semaphore_mem>>) src(%dma_wait3A_432 : memref<10000x128xf32, #tpu.memory_space<hbm>>) dst(%arg17 : memref<48x128xf32, #tpu.memory_space<vmem>>)
      %dma_start3A_433 = arith.constant 0 : i32
      %dma_start3A_434 = arith.constant 0 : i32
      %dma_start3A_435 = tpu.memref_slice %arg23[%dma_start3A_433, %dma_start3A_434] : memref<10240x128xf32, #tpu.memory_space<vmem_shared>> -> memref<10240x128xf32, #tpu.memory_space<vmem_shared>>
      tpu.enqueue_indirect_dma source(%arg17 : memref<48x128xf32, #tpu.memory_space<vmem>>) target(%dma_start3A_435 : memref<10240x128xf32, #tpu.memory_space<vmem_shared>>) offsets(%arg13 : memref<48xi32, #tpu.memory_space<vmem>>) semaphore(%arg38 : memref<!tpu.dma_semaphore, #tpu.memory_space<semaphore_mem>>) {add = true}
      %scan3A_436 = arith.constant 0 : i32
      %scan3A_437 = arith.constant 3 : i32
      %scan3A_438 = arith.addi %scan3A_436, %scan3A_437 : i32
      %scan3A_439 = arith.constant 1 : i32
      scf.for %scan3A_525 = %scan3A_436 to %scan3A_438 step %scan3A_439  : i32 {
        %mul3A_526 = arith.constant 16 : i32
        %mul3A_527 = arith.muli %scan3A_525, %mul3A_526 : i32
        %add3A_528 = arith.constant 0 : i32
        %add3A_529 = arith.addi %add3A_528, %mul3A_527 : i32
        %get3A = arith.index_cast %add3A_529 : i32 to index
        %get3A_530 = tpu.vector_load %arg13[%get3A] {strides = array<i32>} : memref<48xi32, #tpu.memory_space<vmem>>, vector<16xi32>,
        tpu.vector_store_idx %arg20[%get3A_530], %broadcast_in_dim3A_7 {add = true} : memref<10240xf32, #tpu.memory_space<vmem>>[vector<16xi32>], vector<16xf32>,
      }
      %scan3A_440 = arith.constant 3 : i32
      %add3A_441 = arith.constant 192 : i32
      %add3A_442 = arith.addi %add3A_427, %add3A_441 : i32
      %dma_start3A_443 = tpu.memref_slice %arg2[%add3A_442] : memref<325632xi32, #tpu.memory_space<hbm>> -> memref<48xi32, #tpu.memory_space<hbm>>
      %dma_start3A_444 = tpu.memref_slice %arg2[%add3A_442] : memref<325632xi32, #tpu.memory_space<hbm>> -> memref<48xi32, #tpu.memory_space<hbm>>
      tpu.enqueue_dma source(%dma_start3A_444 : memref<48xi32, #tpu.memory_space<hbm>>) target(%arg9 : memref<48xi32, #tpu.memory_space<vmem>>) target_semaphore(%arg30 : memref<!tpu.dma_semaphore, #tpu.memory_space<semaphore_mem>>)
      %add3A_445 = arith.constant 144 : i32
      %add3A_446 = arith.addi %add3A_427, %add3A_445 : i32
      %dma_wait3A_447 = arith.constant 0 : i32
      %dma_wait3A_448 = arith.constant 0 : i32
      %dma_wait3A_449 = tpu.memref_slice %arg23[%dma_wait3A_447, %dma_wait3A_448] : memref<10240x128xf32, #tpu.memory_space<vmem_shared>> -> memref<10240x128xf32, #tpu.memory_space<vmem_shared>>
      tpu.wait_indirect_dma semaphore(%arg37 : memref<!tpu.dma_semaphore, #tpu.memory_space<semaphore_mem>>) src(%arg16 : memref<48x128xf32, #tpu.memory_space<vmem>>) dst(%dma_wait3A_449 : memref<10240x128xf32, #tpu.memory_space<vmem_shared>>)
      %dma_wait3A_450 = tpu.memref_slice %arg2[%add3A_446] : memref<325632xi32, #tpu.memory_space<hbm>> -> memref<48xi32, #tpu.memory_space<hbm>>
      %dma_wait3A_451 = tpu.memref_slice %arg2[%add3A_446] : memref<325632xi32, #tpu.memory_space<hbm>> -> memref<48xi32, #tpu.memory_space<hbm>>
      tpu.wait_dma2 semaphore(%arg29 : memref<!tpu.dma_semaphore, #tpu.memory_space<semaphore_mem>>) src(%dma_wait3A_451 : memref<48xi32, #tpu.memory_space<hbm>>) dst(%arg8 : memref<48xi32, #tpu.memory_space<vmem>>)
      %dma_start3A_452 = arith.constant 0 : i32
      %dma_start3A_453 = arith.constant 0 : i32
      %dma_start3A_454 = tpu.memref_slice %arg4[%dma_start3A_452, %dma_start3A_453] : memref<10000x128xf32, #tpu.memory_space<hbm>> -> memref<10000x128xf32, #tpu.memory_space<hbm>>
      tpu.enqueue_indirect_dma source(%dma_start3A_454 : memref<10000x128xf32, #tpu.memory_space<hbm>>) target(%arg16 : memref<48x128xf32, #tpu.memory_space<vmem>>) offsets(%arg8 : memref<48xi32, #tpu.memory_space<vmem>>) semaphore(%arg25 : memref<!tpu.dma_semaphore, #tpu.memory_space<semaphore_mem>>)
      %add3A_455 = arith.constant 144 : i32
      %add3A_456 = arith.addi %add3A_427, %add3A_455 : i32
      %dma_start3A_457 = tpu.memref_slice %arg3[%add3A_456] : memref<325632xi32, #tpu.memory_space<hbm>> -> memref<48xi32, #tpu.memory_space<hbm>>
      %dma_start3A_458 = tpu.memref_slice %arg3[%add3A_456] : memref<325632xi32, #tpu.memory_space<hbm>> -> memref<48xi32, #tpu.memory_space<hbm>>
      tpu.enqueue_dma source(%dma_start3A_458 : memref<48xi32, #tpu.memory_space<hbm>>) target(%arg12 : memref<48xi32, #tpu.memory_space<vmem>>) target_semaphore(%arg33 : memref<!tpu.dma_semaphore, #tpu.memory_space<semaphore_mem>>)
      %add3A_459 = arith.constant 96 : i32
      %add3A_460 = arith.addi %add3A_392, %add3A_459 : i32
      %dma_wait3A_461 = tpu.memref_slice %arg3[%add3A_460] : memref<325632xi32, #tpu.memory_space<hbm>> -> memref<48xi32, #tpu.memory_space<hbm>>
      %dma_wait3A_462 = tpu.memref_slice %arg3[%add3A_460] : memref<325632xi32, #tpu.memory_space<hbm>> -> memref<48xi32, #tpu.memory_space<hbm>>
      tpu.wait_dma2 semaphore(%arg35 : memref<!tpu.dma_semaphore, #tpu.memory_space<semaphore_mem>>) src(%dma_wait3A_462 : memref<48xi32, #tpu.memory_space<hbm>>) dst(%arg14 : memref<48xi32, #tpu.memory_space<vmem>>)
      %dma_wait3A_463 = arith.constant 0 : i32
      %dma_wait3A_464 = arith.constant 0 : i32
      %dma_wait3A_465 = tpu.memref_slice %arg4[%dma_wait3A_463, %dma_wait3A_464] : memref<10000x128xf32, #tpu.memory_space<hbm>> -> memref<10000x128xf32, #tpu.memory_space<hbm>>
      tpu.wait_indirect_dma semaphore(%arg27 : memref<!tpu.dma_semaphore, #tpu.memory_space<semaphore_mem>>) src(%dma_wait3A_465 : memref<10000x128xf32, #tpu.memory_space<hbm>>) dst(%arg18 : memref<48x128xf32, #tpu.memory_space<vmem>>)
      %dma_start3A_466 = arith.constant 0 : i32
      %dma_start3A_467 = arith.constant 0 : i32
      %dma_start3A_468 = tpu.memref_slice %arg23[%dma_start3A_466, %dma_start3A_467] : memref<10240x128xf32, #tpu.memory_space<vmem_shared>> -> memref<10240x128xf32, #tpu.memory_space<vmem_shared>>
      tpu.enqueue_indirect_dma source(%arg18 : memref<48x128xf32, #tpu.memory_space<vmem>>) target(%dma_start3A_468 : memref<10240x128xf32, #tpu.memory_space<vmem_shared>>) offsets(%arg14 : memref<48xi32, #tpu.memory_space<vmem>>) semaphore(%arg39 : memref<!tpu.dma_semaphore, #tpu.memory_space<semaphore_mem>>) {add = true}
      %scan3A_469 = arith.constant 0 : i32
      %scan3A_470 = arith.constant 3 : i32
      %scan3A_471 = arith.addi %scan3A_469, %scan3A_470 : i32
      %scan3A_472 = arith.constant 1 : i32
      scf.for %scan3A_525 = %scan3A_469 to %scan3A_471 step %scan3A_472  : i32 {
        %mul3A_526 = arith.constant 16 : i32
        %mul3A_527 = arith.muli %scan3A_525, %mul3A_526 : i32
        %add3A_528 = arith.constant 0 : i32
        %add3A_529 = arith.addi %add3A_528, %mul3A_527 : i32
        %get3A = arith.index_cast %add3A_529 : i32 to index
        %get3A_530 = tpu.vector_load %arg14[%get3A] {strides = array<i32>} : memref<48xi32, #tpu.memory_space<vmem>>, vector<16xi32>,
        tpu.vector_store_idx %arg20[%get3A_530], %broadcast_in_dim3A_7 {add = true} : memref<10240xf32, #tpu.memory_space<vmem>>[vector<16xi32>], vector<16xf32>,
      }
      %scan3A_473 = arith.constant 3 : i32
      %add3A_474 = arith.constant 192 : i32
      %add3A_475 = arith.addi %add3A_460, %add3A_474 : i32
      %dma_start3A_476 = tpu.memref_slice %arg2[%add3A_475] : memref<325632xi32, #tpu.memory_space<hbm>> -> memref<48xi32, #tpu.memory_space<hbm>>
      %dma_start3A_477 = tpu.memref_slice %arg2[%add3A_475] : memref<325632xi32, #tpu.memory_space<hbm>> -> memref<48xi32, #tpu.memory_space<hbm>>
      tpu.enqueue_dma source(%dma_start3A_477 : memref<48xi32, #tpu.memory_space<hbm>>) target(%arg10 : memref<48xi32, #tpu.memory_space<vmem>>) target_semaphore(%arg31 : memref<!tpu.dma_semaphore, #tpu.memory_space<semaphore_mem>>)
      %add3A_478 = arith.constant 144 : i32
      %add3A_479 = arith.addi %add3A_460, %add3A_478 : i32
      %dma_wait3A_480 = arith.constant 0 : i32
      %dma_wait3A_481 = arith.constant 0 : i32
      %dma_wait3A_482 = tpu.memref_slice %arg23[%dma_wait3A_480, %dma_wait3A_481] : memref<10240x128xf32, #tpu.memory_space<vmem_shared>> -> memref<10240x128xf32, #tpu.memory_space<vmem_shared>>
      tpu.wait_indirect_dma semaphore(%arg38 : memref<!tpu.dma_semaphore, #tpu.memory_space<semaphore_mem>>) src(%arg17 : memref<48x128xf32, #tpu.memory_space<vmem>>) dst(%dma_wait3A_482 : memref<10240x128xf32, #tpu.memory_space<vmem_shared>>)
      %dma_wait3A_483 = tpu.memref_slice %arg2[%add3A_479] : memref<325632xi32, #tpu.memory_space<hbm>> -> memref<48xi32, #tpu.memory_space<hbm>>
      %dma_wait3A_484 = tpu.memref_slice %arg2[%add3A_479] : memref<325632xi32, #tpu.memory_space<hbm>> -> memref<48xi32, #tpu.memory_space<hbm>>
      tpu.wait_dma2 semaphore(%arg30 : memref<!tpu.dma_semaphore, #tpu.memory_space<semaphore_mem>>) src(%dma_wait3A_484 : memref<48xi32, #tpu.memory_space<hbm>>) dst(%arg9 : memref<48xi32, #tpu.memory_space<vmem>>)
      %dma_start3A_485 = arith.constant 0 : i32
      %dma_start3A_486 = arith.constant 0 : i32
      %dma_start3A_487 = tpu.memref_slice %arg4[%dma_start3A_485, %dma_start3A_486] : memref<10000x128xf32, #tpu.memory_space<hbm>> -> memref<10000x128xf32, #tpu.memory_space<hbm>>
      tpu.enqueue_indirect_dma source(%dma_start3A_487 : memref<10000x128xf32, #tpu.memory_space<hbm>>) target(%arg17 : memref<48x128xf32, #tpu.memory_space<vmem>>) offsets(%arg9 : memref<48xi32, #tpu.memory_space<vmem>>) semaphore(%arg26 : memref<!tpu.dma_semaphore, #tpu.memory_space<semaphore_mem>>)
      %add3A_488 = arith.constant 144 : i32
      %add3A_489 = arith.addi %add3A_460, %add3A_488 : i32
      %dma_start3A_490 = tpu.memref_slice %arg3[%add3A_489] : memref<325632xi32, #tpu.memory_space<hbm>> -> memref<48xi32, #tpu.memory_space<hbm>>
      %dma_start3A_491 = tpu.memref_slice %arg3[%add3A_489] : memref<325632xi32, #tpu.memory_space<hbm>> -> memref<48xi32, #tpu.memory_space<hbm>>
      tpu.enqueue_dma source(%dma_start3A_491 : memref<48xi32, #tpu.memory_space<hbm>>) target(%arg13 : memref<48xi32, #tpu.memory_space<vmem>>) target_semaphore(%arg34 : memref<!tpu.dma_semaphore, #tpu.memory_space<semaphore_mem>>)
      %add3A_492 = arith.constant 144 : i32
      %add3A_493 = arith.addi %add3A_392, %add3A_492 : i32
      %dma_wait3A_494 = tpu.memref_slice %arg3[%add3A_493] : memref<325632xi32, #tpu.memory_space<hbm>> -> memref<48xi32, #tpu.memory_space<hbm>>
      %dma_wait3A_495 = tpu.memref_slice %arg3[%add3A_493] : memref<325632xi32, #tpu.memory_space<hbm>> -> memref<48xi32, #tpu.memory_space<hbm>>
      tpu.wait_dma2 semaphore(%arg36 : memref<!tpu.dma_semaphore, #tpu.memory_space<semaphore_mem>>) src(%dma_wait3A_495 : memref<48xi32, #tpu.memory_space<hbm>>) dst(%arg15 : memref<48xi32, #tpu.memory_space<vmem>>)
      %dma_wait3A_496 = arith.constant 0 : i32
      %dma_wait3A_497 = arith.constant 0 : i32
      %dma_wait3A_498 = tpu.memref_slice %arg4[%dma_wait3A_496, %dma_wait3A_497] : memref<10000x128xf32, #tpu.memory_space<hbm>> -> memref<10000x128xf32, #tpu.memory_space<hbm>>
      tpu.wait_indirect_dma semaphore(%arg28 : memref<!tpu.dma_semaphore, #tpu.memory_space<semaphore_mem>>) src(%dma_wait3A_498 : memref<10000x128xf32, #tpu.memory_space<hbm>>) dst(%arg19 : memref<48x128xf32, #tpu.memory_space<vmem>>)
      %dma_start3A_499 = arith.constant 0 : i32
      %dma_start3A_500 = arith.constant 0 : i32
      %dma_start3A_501 = tpu.memref_slice %arg23[%dma_start3A_499, %dma_start3A_500] : memref<10240x128xf32, #tpu.memory_space<vmem_shared>> -> memref<10240x128xf32, #tpu.memory_space<vmem_shared>>
      tpu.enqueue_indirect_dma source(%arg19 : memref<48x128xf32, #tpu.memory_space<vmem>>) target(%dma_start3A_501 : memref<10240x128xf32, #tpu.memory_space<vmem_shared>>) offsets(%arg15 : memref<48xi32, #tpu.memory_space<vmem>>) semaphore(%arg40 : memref<!tpu.dma_semaphore, #tpu.memory_space<semaphore_mem>>) {add = true}
      %scan3A_502 = arith.constant 0 : i32
      %scan3A_503 = arith.constant 3 : i32
      %scan3A_504 = arith.addi %scan3A_502, %scan3A_503 : i32
      %scan3A_505 = arith.constant 1 : i32
      scf.for %scan3A_525 = %scan3A_502 to %scan3A_504 step %scan3A_505  : i32 {
        %mul3A_526 = arith.constant 16 : i32
        %mul3A_527 = arith.muli %scan3A_525, %mul3A_526 : i32
        %add3A_528 = arith.constant 0 : i32
        %add3A_529 = arith.addi %add3A_528, %mul3A_527 : i32
        %get3A = arith.index_cast %add3A_529 : i32 to index
        %get3A_530 = tpu.vector_load %arg15[%get3A] {strides = array<i32>} : memref<48xi32, #tpu.memory_space<vmem>>, vector<16xi32>,
        tpu.vector_store_idx %arg20[%get3A_530], %broadcast_in_dim3A_7 {add = true} : memref<10240xf32, #tpu.memory_space<vmem>>[vector<16xi32>], vector<16xf32>,
      }
      %scan3A_506 = arith.constant 3 : i32
      %add3A_507 = arith.constant 192 : i32
      %add3A_508 = arith.addi %add3A_493, %add3A_507 : i32
      %dma_start3A_509 = tpu.memref_slice %arg2[%add3A_508] : memref<325632xi32, #tpu.memory_space<hbm>> -> memref<48xi32, #tpu.memory_space<hbm>>
      %dma_start3A_510 = tpu.memref_slice %arg2[%add3A_508] : memref<325632xi32, #tpu.memory_space<hbm>> -> memref<48xi32, #tpu.memory_space<hbm>>
      tpu.enqueue_dma source(%dma_start3A_510 : memref<48xi32, #tpu.memory_space<hbm>>) target(%arg11 : memref<48xi32, #tpu.memory_space<vmem>>) target_semaphore(%arg32 : memref<!tpu.dma_semaphore, #tpu.memory_space<semaphore_mem>>)
      %add3A_511 = arith.constant 144 : i32
      %add3A_512 = arith.addi %add3A_493, %add3A_511 : i32
      %dma_wait3A_513 = arith.constant 0 : i32
      %dma_wait3A_514 = arith.constant 0 : i32
      %dma_wait3A_515 = tpu.memref_slice %arg23[%dma_wait3A_513, %dma_wait3A_514] : memref<10240x128xf32, #tpu.memory_space<vmem_shared>> -> memref<10240x128xf32, #tpu.memory_space<vmem_shared>>
      tpu.wait_indirect_dma semaphore(%arg39 : memref<!tpu.dma_semaphore, #tpu.memory_space<semaphore_mem>>) src(%arg18 : memref<48x128xf32, #tpu.memory_space<vmem>>) dst(%dma_wait3A_515 : memref<10240x128xf32, #tpu.memory_space<vmem_shared>>)
      %dma_wait3A_516 = tpu.memref_slice %arg2[%add3A_512] : memref<325632xi32, #tpu.memory_space<hbm>> -> memref<48xi32, #tpu.memory_space<hbm>>
      %dma_wait3A_517 = tpu.memref_slice %arg2[%add3A_512] : memref<325632xi32, #tpu.memory_space<hbm>> -> memref<48xi32, #tpu.memory_space<hbm>>
      tpu.wait_dma2 semaphore(%arg31 : memref<!tpu.dma_semaphore, #tpu.memory_space<semaphore_mem>>) src(%dma_wait3A_517 : memref<48xi32, #tpu.memory_space<hbm>>) dst(%arg10 : memref<48xi32, #tpu.memory_space<vmem>>)
      %dma_start3A_518 = arith.constant 0 : i32
      %dma_start3A_519 = arith.constant 0 : i32
      %dma_start3A_520 = tpu.memref_slice %arg4[%dma_start3A_518, %dma_start3A_519] : memref<10000x128xf32, #tpu.memory_space<hbm>> -> memref<10000x128xf32, #tpu.memory_space<hbm>>
      tpu.enqueue_indirect_dma source(%dma_start3A_520 : memref<10000x128xf32, #tpu.memory_space<hbm>>) target(%arg18 : memref<48x128xf32, #tpu.memory_space<vmem>>) offsets(%arg10 : memref<48xi32, #tpu.memory_space<vmem>>) semaphore(%arg27 : memref<!tpu.dma_semaphore, #tpu.memory_space<semaphore_mem>>)
      %add3A_521 = arith.constant 144 : i32
      %add3A_522 = arith.addi %add3A_493, %add3A_521 : i32
      %dma_start3A_523 = tpu.memref_slice %arg3[%add3A_522] : memref<325632xi32, #tpu.memory_space<hbm>> -> memref<48xi32, #tpu.memory_space<hbm>>
      %dma_start3A_524 = tpu.memref_slice %arg3[%add3A_522] : memref<325632xi32, #tpu.memory_space<hbm>> -> memref<48xi32, #tpu.memory_space<hbm>>
      tpu.enqueue_dma source(%dma_start3A_524 : memref<48xi32, #tpu.memory_space<hbm>>) target(%arg14 : memref<48xi32, #tpu.memory_space<vmem>>) target_semaphore(%arg35 : memref<!tpu.dma_semaphore, #tpu.memory_space<semaphore_mem>>)
    }
    %scan3A_192 = arith.constant 51 : i32
    %add3A_193 = arith.constant 9984 : i32
    %add3A_194 = arith.addi %mul3A_4, %add3A_193 : i32
    %dma_wait3A_195 = tpu.memref_slice %arg3[%add3A_194] : memref<325632xi32, #tpu.memory_space<hbm>> -> memref<48xi32, #tpu.memory_space<hbm>>
    %dma_wait3A_196 = tpu.memref_slice %arg3[%add3A_194] : memref<325632xi32, #tpu.memory_space<hbm>> -> memref<48xi32, #tpu.memory_space<hbm>>
    tpu.wait_dma2 semaphore(%arg33 : memref<!tpu.dma_semaphore, #tpu.memory_space<semaphore_mem>>) src(%dma_wait3A_196 : memref<48xi32, #tpu.memory_space<hbm>>) dst(%arg12 : memref<48xi32, #tpu.memory_space<vmem>>)
    %dma_wait3A_197 = arith.constant 0 : i32
    %dma_wait3A_198 = arith.constant 0 : i32
    %dma_wait3A_199 = tpu.memref_slice %arg4[%dma_wait3A_197, %dma_wait3A_198] : memref<10000x128xf32, #tpu.memory_space<hbm>> -> memref<10000x128xf32, #tpu.memory_space<hbm>>
    tpu.wait_indirect_dma semaphore(%arg25 : memref<!tpu.dma_semaphore, #tpu.memory_space<semaphore_mem>>) src(%dma_wait3A_199 : memref<10000x128xf32, #tpu.memory_space<hbm>>) dst(%arg16 : memref<48x128xf32, #tpu.memory_space<vmem>>)
    %dma_start3A_200 = arith.constant 0 : i32
    %dma_start3A_201 = arith.constant 0 : i32
    %dma_start3A_202 = tpu.memref_slice %arg23[%dma_start3A_200, %dma_start3A_201] : memref<10240x128xf32, #tpu.memory_space<vmem_shared>> -> memref<10240x128xf32, #tpu.memory_space<vmem_shared>>
    tpu.enqueue_indirect_dma source(%arg16 : memref<48x128xf32, #tpu.memory_space<vmem>>) target(%dma_start3A_202 : memref<10240x128xf32, #tpu.memory_space<vmem_shared>>) offsets(%arg12 : memref<48xi32, #tpu.memory_space<vmem>>) semaphore(%arg37 : memref<!tpu.dma_semaphore, #tpu.memory_space<semaphore_mem>>) {add = true}
    %scan3A_203 = arith.constant 0 : i32
    %scan3A_204 = arith.constant 3 : i32
    %scan3A_205 = arith.addi %scan3A_203, %scan3A_204 : i32
    %scan3A_206 = arith.constant 1 : i32
    scf.for %scan3A_385 = %scan3A_203 to %scan3A_205 step %scan3A_206  : i32 {
      %mul3A_386 = arith.constant 16 : i32
      %mul3A_387 = arith.muli %scan3A_385, %mul3A_386 : i32
      %add3A_388 = arith.constant 0 : i32
      %add3A_389 = arith.addi %add3A_388, %mul3A_387 : i32
      %get3A = arith.index_cast %add3A_389 : i32 to index
      %get3A_390 = tpu.vector_load %arg12[%get3A] {strides = array<i32>} : memref<48xi32, #tpu.memory_space<vmem>>, vector<16xi32>,
      tpu.vector_store_idx %arg20[%get3A_390], %broadcast_in_dim3A_7 {add = true} : memref<10240xf32, #tpu.memory_space<vmem>>[vector<16xi32>], vector<16xf32>,
    }
    %scan3A_207 = arith.constant 3 : i32
    %add3A_208 = arith.constant 10128 : i32
    %add3A_209 = arith.addi %mul3A_4, %add3A_208 : i32
    %dma_wait3A_210 = arith.constant 0 : i32
    %dma_wait3A_211 = arith.constant 0 : i32
    %dma_wait3A_212 = tpu.memref_slice %arg23[%dma_wait3A_210, %dma_wait3A_211] : memref<10240x128xf32, #tpu.memory_space<vmem_shared>> -> memref<10240x128xf32, #tpu.memory_space<vmem_shared>>
    tpu.wait_indirect_dma semaphore(%arg40 : memref<!tpu.dma_semaphore, #tpu.memory_space<semaphore_mem>>) src(%arg19 : memref<48x128xf32, #tpu.memory_space<vmem>>) dst(%dma_wait3A_212 : memref<10240x128xf32, #tpu.memory_space<vmem_shared>>)
    %dma_wait3A_213 = tpu.memref_slice %arg2[%add3A_209] : memref<325632xi32, #tpu.memory_space<hbm>> -> memref<48xi32, #tpu.memory_space<hbm>>
    %dma_wait3A_214 = tpu.memref_slice %arg2[%add3A_209] : memref<325632xi32, #tpu.memory_space<hbm>> -> memref<48xi32, #tpu.memory_space<hbm>>
    tpu.wait_dma2 semaphore(%arg32 : memref<!tpu.dma_semaphore, #tpu.memory_space<semaphore_mem>>) src(%dma_wait3A_214 : memref<48xi32, #tpu.memory_space<hbm>>) dst(%arg11 : memref<48xi32, #tpu.memory_space<vmem>>)
    %dma_start3A_215 = arith.constant 0 : i32
    %dma_start3A_216 = arith.constant 0 : i32
    %dma_start3A_217 = tpu.memref_slice %arg4[%dma_start3A_215, %dma_start3A_216] : memref<10000x128xf32, #tpu.memory_space<hbm>> -> memref<10000x128xf32, #tpu.memory_space<hbm>>
    tpu.enqueue_indirect_dma source(%dma_start3A_217 : memref<10000x128xf32, #tpu.memory_space<hbm>>) target(%arg19 : memref<48x128xf32, #tpu.memory_space<vmem>>) offsets(%arg11 : memref<48xi32, #tpu.memory_space<vmem>>) semaphore(%arg28 : memref<!tpu.dma_semaphore, #tpu.memory_space<semaphore_mem>>)
    %add3A_218 = arith.constant 10128 : i32
    %add3A_219 = arith.addi %mul3A_4, %add3A_218 : i32
    %dma_start3A_220 = tpu.memref_slice %arg3[%add3A_219] : memref<325632xi32, #tpu.memory_space<hbm>> -> memref<48xi32, #tpu.memory_space<hbm>>
    %dma_start3A_221 = tpu.memref_slice %arg3[%add3A_219] : memref<325632xi32, #tpu.memory_space<hbm>> -> memref<48xi32, #tpu.memory_space<hbm>>
    tpu.enqueue_dma source(%dma_start3A_221 : memref<48xi32, #tpu.memory_space<hbm>>) target(%arg15 : memref<48xi32, #tpu.memory_space<vmem>>) target_semaphore(%arg36 : memref<!tpu.dma_semaphore, #tpu.memory_space<semaphore_mem>>)
    %add3A_222 = arith.constant 10032 : i32
    %add3A_223 = arith.addi %mul3A_4, %add3A_222 : i32
    %dma_wait3A_224 = tpu.memref_slice %arg3[%add3A_223] : memref<325632xi32, #tpu.memory_space<hbm>> -> memref<48xi32, #tpu.memory_space<hbm>>
    %dma_wait3A_225 = tpu.memref_slice %arg3[%add3A_223] : memref<325632xi32, #tpu.memory_space<hbm>> -> memref<48xi32, #tpu.memory_space<hbm>>
    tpu.wait_dma2 semaphore(%arg34 : memref<!tpu.dma_semaphore, #tpu.memory_space<semaphore_mem>>) src(%dma_wait3A_225 : memref<48xi32, #tpu.memory_space<hbm>>) dst(%arg13 : memref<48xi32, #tpu.memory_space<vmem>>)
    %dma_wait3A_226 = arith.constant 0 : i32
    %dma_wait3A_227 = arith.constant 0 : i32
    %dma_wait3A_228 = tpu.memref_slice %arg4[%dma_wait3A_226, %dma_wait3A_227] : memref<10000x128xf32, #tpu.memory_space<hbm>> -> memref<10000x128xf32, #tpu.memory_space<hbm>>
    tpu.wait_indirect_dma semaphore(%arg26 : memref<!tpu.dma_semaphore, #tpu.memory_space<semaphore_mem>>) src(%dma_wait3A_228 : memref<10000x128xf32, #tpu.memory_space<hbm>>) dst(%arg17 : memref<48x128xf32, #tpu.memory_space<vmem>>)
    %dma_start3A_229 = arith.constant 0 : i32
    %dma_start3A_230 = arith.constant 0 : i32
    %dma_start3A_231 = tpu.memref_slice %arg23[%dma_start3A_229, %dma_start3A_230] : memref<10240x128xf32, #tpu.memory_space<vmem_shared>> -> memref<10240x128xf32, #tpu.memory_space<vmem_shared>>
    tpu.enqueue_indirect_dma source(%arg17 : memref<48x128xf32, #tpu.memory_space<vmem>>) target(%dma_start3A_231 : memref<10240x128xf32, #tpu.memory_space<vmem_shared>>) offsets(%arg13 : memref<48xi32, #tpu.memory_space<vmem>>) semaphore(%arg38 : memref<!tpu.dma_semaphore, #tpu.memory_space<semaphore_mem>>) {add = true}
    %scan3A_232 = arith.constant 0 : i32
    %scan3A_233 = arith.constant 3 : i32
    %scan3A_234 = arith.addi %scan3A_232, %scan3A_233 : i32
    %scan3A_235 = arith.constant 1 : i32
    scf.for %scan3A_385 = %scan3A_232 to %scan3A_234 step %scan3A_235  : i32 {
      %mul3A_386 = arith.constant 16 : i32
      %mul3A_387 = arith.muli %scan3A_385, %mul3A_386 : i32
      %add3A_388 = arith.constant 0 : i32
      %add3A_389 = arith.addi %add3A_388, %mul3A_387 : i32
      %get3A = arith.index_cast %add3A_389 : i32 to index
      %get3A_390 = tpu.vector_load %arg13[%get3A] {strides = array<i32>} : memref<48xi32, #tpu.memory_space<vmem>>, vector<16xi32>,
      tpu.vector_store_idx %arg20[%get3A_390], %broadcast_in_dim3A_7 {add = true} : memref<10240xf32, #tpu.memory_space<vmem>>[vector<16xi32>], vector<16xf32>,
    }
    %scan3A_236 = arith.constant 3 : i32
    %add3A_237 = arith.constant 10080 : i32
    %add3A_238 = arith.addi %mul3A_4, %add3A_237 : i32
    %dma_wait3A_239 = tpu.memref_slice %arg3[%add3A_238] : memref<325632xi32, #tpu.memory_space<hbm>> -> memref<48xi32, #tpu.memory_space<hbm>>
    %dma_wait3A_240 = tpu.memref_slice %arg3[%add3A_238] : memref<325632xi32, #tpu.memory_space<hbm>> -> memref<48xi32, #tpu.memory_space<hbm>>
    tpu.wait_dma2 semaphore(%arg35 : memref<!tpu.dma_semaphore, #tpu.memory_space<semaphore_mem>>) src(%dma_wait3A_240 : memref<48xi32, #tpu.memory_space<hbm>>) dst(%arg14 : memref<48xi32, #tpu.memory_space<vmem>>)
    %dma_wait3A_241 = arith.constant 0 : i32
    %dma_wait3A_242 = arith.constant 0 : i32
    %dma_wait3A_243 = tpu.memref_slice %arg4[%dma_wait3A_241, %dma_wait3A_242] : memref<10000x128xf32, #tpu.memory_space<hbm>> -> memref<10000x128xf32, #tpu.memory_space<hbm>>
    tpu.wait_indirect_dma semaphore(%arg27 : memref<!tpu.dma_semaphore, #tpu.memory_space<semaphore_mem>>) src(%dma_wait3A_243 : memref<10000x128xf32, #tpu.memory_space<hbm>>) dst(%arg18 : memref<48x128xf32, #tpu.memory_space<vmem>>)
    %dma_start3A_244 = arith.constant 0 : i32
    %dma_start3A_245 = arith.constant 0 : i32
    %dma_start3A_246 = tpu.memref_slice %arg23[%dma_start3A_244, %dma_start3A_245] : memref<10240x128xf32, #tpu.memory_space<vmem_shared>> -> memref<10240x128xf32, #tpu.memory_space<vmem_shared>>
    tpu.enqueue_indirect_dma source(%arg18 : memref<48x128xf32, #tpu.memory_space<vmem>>) target(%dma_start3A_246 : memref<10240x128xf32, #tpu.memory_space<vmem_shared>>) offsets(%arg14 : memref<48xi32, #tpu.memory_space<vmem>>) semaphore(%arg39 : memref<!tpu.dma_semaphore, #tpu.memory_space<semaphore_mem>>) {add = true}
    %scan3A_247 = arith.constant 0 : i32
    %scan3A_248 = arith.constant 3 : i32
    %scan3A_249 = arith.addi %scan3A_247, %scan3A_248 : i32
    %scan3A_250 = arith.constant 1 : i32
    scf.for %scan3A_385 = %scan3A_247 to %scan3A_249 step %scan3A_250  : i32 {
      %mul3A_386 = arith.constant 16 : i32
      %mul3A_387 = arith.muli %scan3A_385, %mul3A_386 : i32
      %add3A_388 = arith.constant 0 : i32
      %add3A_389 = arith.addi %add3A_388, %mul3A_387 : i32
      %get3A = arith.index_cast %add3A_389 : i32 to index
      %get3A_390 = tpu.vector_load %arg14[%get3A] {strides = array<i32>} : memref<48xi32, #tpu.memory_space<vmem>>, vector<16xi32>,
      tpu.vector_store_idx %arg20[%get3A_390], %broadcast_in_dim3A_7 {add = true} : memref<10240xf32, #tpu.memory_space<vmem>>[vector<16xi32>], vector<16xf32>,
    }
    %scan3A_251 = arith.constant 3 : i32
    %add3A_252 = arith.constant 10128 : i32
    %add3A_253 = arith.addi %mul3A_4, %add3A_252 : i32
    %dma_wait3A_254 = tpu.memref_slice %arg3[%add3A_253] : memref<325632xi32, #tpu.memory_space<hbm>> -> memref<48xi32, #tpu.memory_space<hbm>>
    %dma_wait3A_255 = tpu.memref_slice %arg3[%add3A_253] : memref<325632xi32, #tpu.memory_space<hbm>> -> memref<48xi32, #tpu.memory_space<hbm>>
    tpu.wait_dma2 semaphore(%arg36 : memref<!tpu.dma_semaphore, #tpu.memory_space<semaphore_mem>>) src(%dma_wait3A_255 : memref<48xi32, #tpu.memory_space<hbm>>) dst(%arg15 : memref<48xi32, #tpu.memory_space<vmem>>)
    %dma_wait3A_256 = arith.constant 0 : i32
    %dma_wait3A_257 = arith.constant 0 : i32
    %dma_wait3A_258 = tpu.memref_slice %arg4[%dma_wait3A_256, %dma_wait3A_257] : memref<10000x128xf32, #tpu.memory_space<hbm>> -> memref<10000x128xf32, #tpu.memory_space<hbm>>
    tpu.wait_indirect_dma semaphore(%arg28 : memref<!tpu.dma_semaphore, #tpu.memory_space<semaphore_mem>>) src(%dma_wait3A_258 : memref<10000x128xf32, #tpu.memory_space<hbm>>) dst(%arg19 : memref<48x128xf32, #tpu.memory_space<vmem>>)
    %dma_start3A_259 = arith.constant 0 : i32
    %dma_start3A_260 = arith.constant 0 : i32
    %dma_start3A_261 = tpu.memref_slice %arg23[%dma_start3A_259, %dma_start3A_260] : memref<10240x128xf32, #tpu.memory_space<vmem_shared>> -> memref<10240x128xf32, #tpu.memory_space<vmem_shared>>
    tpu.enqueue_indirect_dma source(%arg19 : memref<48x128xf32, #tpu.memory_space<vmem>>) target(%dma_start3A_261 : memref<10240x128xf32, #tpu.memory_space<vmem_shared>>) offsets(%arg15 : memref<48xi32, #tpu.memory_space<vmem>>) semaphore(%arg40 : memref<!tpu.dma_semaphore, #tpu.memory_space<semaphore_mem>>) {add = true}
    %scan3A_262 = arith.constant 0 : i32
    %scan3A_263 = arith.constant 3 : i32
    %scan3A_264 = arith.addi %scan3A_262, %scan3A_263 : i32
    %scan3A_265 = arith.constant 1 : i32
    scf.for %scan3A_385 = %scan3A_262 to %scan3A_264 step %scan3A_265  : i32 {
      %mul3A_386 = arith.constant 16 : i32
      %mul3A_387 = arith.muli %scan3A_385, %mul3A_386 : i32
      %add3A_388 = arith.constant 0 : i32
      %add3A_389 = arith.addi %add3A_388, %mul3A_387 : i32
      %get3A = arith.index_cast %add3A_389 : i32 to index
      %get3A_390 = tpu.vector_load %arg15[%get3A] {strides = array<i32>} : memref<48xi32, #tpu.memory_space<vmem>>, vector<16xi32>,
      tpu.vector_store_idx %arg20[%get3A_390], %broadcast_in_dim3A_7 {add = true} : memref<10240xf32, #tpu.memory_space<vmem>>[vector<16xi32>], vector<16xf32>,
    }
    %scan3A_266 = arith.constant 3 : i32
    %dma_wait3A_267 = arith.constant 0 : i32
    %dma_wait3A_268 = arith.constant 0 : i32
    %dma_wait3A_269 = tpu.memref_slice %arg23[%dma_wait3A_267, %dma_wait3A_268] : memref<10240x128xf32, #tpu.memory_space<vmem_shared>> -> memref<10240x128xf32, #tpu.memory_space<vmem_shared>>
    tpu.wait_indirect_dma semaphore(%arg37 : memref<!tpu.dma_semaphore, #tpu.memory_space<semaphore_mem>>) src(%arg16 : memref<48x128xf32, #tpu.memory_space<vmem>>) dst(%dma_wait3A_269 : memref<10240x128xf32, #tpu.memory_space<vmem_shared>>)
    %dma_wait3A_270 = arith.constant 0 : i32
    %dma_wait3A_271 = arith.constant 0 : i32
    %dma_wait3A_272 = tpu.memref_slice %arg23[%dma_wait3A_270, %dma_wait3A_271] : memref<10240x128xf32, #tpu.memory_space<vmem_shared>> -> memref<10240x128xf32, #tpu.memory_space<vmem_shared>>
    tpu.wait_indirect_dma semaphore(%arg38 : memref<!tpu.dma_semaphore, #tpu.memory_space<semaphore_mem>>) src(%arg17 : memref<48x128xf32, #tpu.memory_space<vmem>>) dst(%dma_wait3A_272 : memref<10240x128xf32, #tpu.memory_space<vmem_shared>>)
    %dma_wait3A_273 = arith.constant 0 : i32
    %dma_wait3A_274 = arith.constant 0 : i32
    %dma_wait3A_275 = tpu.memref_slice %arg23[%dma_wait3A_273, %dma_wait3A_274] : memref<10240x128xf32, #tpu.memory_space<vmem_shared>> -> memref<10240x128xf32, #tpu.memory_space<vmem_shared>>
    tpu.wait_indirect_dma semaphore(%arg39 : memref<!tpu.dma_semaphore, #tpu.memory_space<semaphore_mem>>) src(%arg18 : memref<48x128xf32, #tpu.memory_space<vmem>>) dst(%dma_wait3A_275 : memref<10240x128xf32, #tpu.memory_space<vmem_shared>>)
    %dma_wait3A_276 = arith.constant 0 : i32
    %dma_wait3A_277 = arith.constant 0 : i32
    %dma_wait3A_278 = tpu.memref_slice %arg23[%dma_wait3A_276, %dma_wait3A_277] : memref<10240x128xf32, #tpu.memory_space<vmem_shared>> -> memref<10240x128xf32, #tpu.memory_space<vmem_shared>>
    tpu.wait_indirect_dma semaphore(%arg40 : memref<!tpu.dma_semaphore, #tpu.memory_space<semaphore_mem>>) src(%arg19 : memref<48x128xf32, #tpu.memory_space<vmem>>) dst(%dma_wait3A_278 : memref<10240x128xf32, #tpu.memory_space<vmem_shared>>)
    %barrier3A_279 = arith.constant 0 : index
    tpu.barrier barrier_id(%barrier3A_279)
    %barrier3A_280 = arith.constant 0 : index
    tpu.barrier barrier_id(%barrier3A_280)
    "tpu.region"() ({
      %run_scoped3A_385 = tpu.sem_alloc : memref<!tpu.dma_semaphore, #tpu.memory_space<semaphore_mem>>
      %dma_start3A_386 = arith.constant 0 : i32
      %dma_start3A_387 = tpu.memref_slice %arg6[%arg0, %mul3A_0, %dma_start3A_386] : memref<2x10240x128xf32, #tpu.memory_space<hbm>> -> memref<1x640x128xf32, #tpu.memory_space<hbm>>
      %dma_start3A_388 = tpu.memref_squeeze %dma_start3A_387 : memref<1x640x128xf32, #tpu.memory_space<hbm>> -> memref<640x128xf32, #tpu.memory_space<hbm>>
      %dma_start3A_389 = arith.constant 0 : i32
      %dma_start3A_390 = tpu.memref_slice %arg23[%mul3A_0, %dma_start3A_389] : memref<10240x128xf32, #tpu.memory_space<vmem_shared>> -> memref<640x128xf32, #tpu.memory_space<vmem_shared>>
      tpu.enqueue_dma source(%dma_start3A_390 : memref<640x128xf32, #tpu.memory_space<vmem_shared>>) target(%dma_start3A_388 : memref<640x128xf32, #tpu.memory_space<hbm>>) target_semaphore(%run_scoped3A_385 : memref<!tpu.dma_semaphore, #tpu.memory_space<semaphore_mem>>)
      %dma_wait3A_391 = arith.constant 0 : i32
      %dma_wait3A_392 = tpu.memref_slice %arg6[%arg0, %mul3A_0, %dma_wait3A_391] : memref<2x10240x128xf32, #tpu.memory_space<hbm>> -> memref<1x640x128xf32, #tpu.memory_space<hbm>>
      %dma_wait3A_393 = tpu.memref_squeeze %dma_wait3A_392 : memref<1x640x128xf32, #tpu.memory_space<hbm>> -> memref<640x128xf32, #tpu.memory_space<hbm>>
      %dma_wait3A_394 = arith.constant 0 : i32
      %dma_wait3A_395 = tpu.memref_slice %arg23[%mul3A_0, %dma_wait3A_394] : memref<10240x128xf32, #tpu.memory_space<vmem_shared>> -> memref<640x128xf32, #tpu.memory_space<vmem_shared>>
      tpu.wait_dma2 semaphore(%run_scoped3A_385 : memref<!tpu.dma_semaphore, #tpu.memory_space<semaphore_mem>>) src(%dma_wait3A_395 : memref<640x128xf32, #tpu.memory_space<vmem_shared>>) dst(%dma_wait3A_393 : memref<640x128xf32, #tpu.memory_space<hbm>>)
      tpu.yield
    }) : () -> ()
    "tpu.region"() ({
      %run_scoped3A_385 = tpu.sem_alloc : memref<!tpu.dma_semaphore, #tpu.memory_space<semaphore_mem>>
      %dma_start3A_386 = arith.constant 0 : i32
      %dma_start3A_387 = tpu.memref_slice %arg24[%arg1, %dma_start3A_386] : memref<16x10240xf32, #tpu.memory_space<vmem_shared>> -> memref<1x10240xf32, #tpu.memory_space<vmem_shared>>
      %dma_start3A_388 = tpu.memref_squeeze %dma_start3A_387 : memref<1x10240xf32, #tpu.memory_space<vmem_shared>> -> memref<10240xf32, #tpu.memory_space<vmem_shared>>
      %dma_start3A_389 = arith.constant 0 : i32
      %dma_start3A_390 = tpu.memref_slice %arg24[%arg1, %dma_start3A_389] : memref<16x10240xf32, #tpu.memory_space<vmem_shared>> -> memref<1x10240xf32, #tpu.memory_space<vmem_shared>>
      %dma_start3A_391 = tpu.memref_squeeze %dma_start3A_390 : memref<1x10240xf32, #tpu.memory_space<vmem_shared>> -> memref<10240xf32, #tpu.memory_space<vmem_shared>>
      tpu.enqueue_dma source(%arg20 : memref<10240xf32, #tpu.memory_space<vmem>>) target(%dma_start3A_391 : memref<10240xf32, #tpu.memory_space<vmem_shared>>) target_semaphore(%run_scoped3A_385 : memref<!tpu.dma_semaphore, #tpu.memory_space<semaphore_mem>>)
      %dma_wait3A_392 = arith.constant 0 : i32
      %dma_wait3A_393 = tpu.memref_slice %arg24[%arg1, %dma_wait3A_392] : memref<16x10240xf32, #tpu.memory_space<vmem_shared>> -> memref<1x10240xf32, #tpu.memory_space<vmem_shared>>
      %dma_wait3A_394 = tpu.memref_squeeze %dma_wait3A_393 : memref<1x10240xf32, #tpu.memory_space<vmem_shared>> -> memref<10240xf32, #tpu.memory_space<vmem_shared>>
      %dma_wait3A_395 = arith.constant 0 : i32
      %dma_wait3A_396 = tpu.memref_slice %arg24[%arg1, %dma_wait3A_395] : memref<16x10240xf32, #tpu.memory_space<vmem_shared>> -> memref<1x10240xf32, #tpu.memory_space<vmem_shared>>
      %dma_wait3A_397 = tpu.memref_squeeze %dma_wait3A_396 : memref<1x10240xf32, #tpu.memory_space<vmem_shared>> -> memref<10240xf32, #tpu.memory_space<vmem_shared>>
      tpu.wait_dma2 semaphore(%run_scoped3A_385 : memref<!tpu.dma_semaphore, #tpu.memory_space<semaphore_mem>>) src(%arg20 : memref<10240xf32, #tpu.memory_space<vmem>>) dst(%dma_wait3A_397 : memref<10240xf32, #tpu.memory_space<vmem_shared>>)
      tpu.yield
    }) : () -> ()
    %barrier3A_281 = arith.constant 0 : index
    tpu.barrier barrier_id(%barrier3A_281)
    %scan3A_282 = arith.constant 0 : i32
    %scan3A_283 = arith.constant 40 : i32
    %scan3A_284 = arith.addi %scan3A_282, %scan3A_283 : i32
    %scan3A_285 = arith.constant 1 : i32
    scf.for %scan3A_385 = %scan3A_282 to %scan3A_284 step %scan3A_285  : i32 {
      %mul3A_386 = arith.constant 16 : i32
      %mul3A_387 = arith.muli %scan3A_385, %mul3A_386 : i32
      %add3A_388 = arith.constant 0 : i32
      %add3A_389 = arith.addi %add3A_388, %mul3A_387 : i32
      %swap3A = arith.index_cast %add3A_389 : i32 to index
      %swap3A_390 = tpu.vector_load %arg21[%swap3A] {strides = array<i32>} : memref<640xf32, #tpu.memory_space<vmem>>, vector<16xf32>,
      tpu.vector_store %arg21[%swap3A], %broadcast_in_dim3A_5 {strides = array<i32>} : memref<640xf32, #tpu.memory_space<vmem>>, vector<16xf32>,
    }
    %scan3A_286 = arith.constant 40 : i32
    %run_scoped3A = arith.constant 0 : i32
    "tpu.region"() ({
      %run_scoped3A_385 = tpu.sem_alloc : memref<!tpu.dma_semaphore, #tpu.memory_space<semaphore_mem>>
      %dma_start3A_386 = tpu.memref_slice %arg24[%run_scoped3A, %mul3A_0] : memref<16x10240xf32, #tpu.memory_space<vmem_shared>> -> memref<1x640xf32, #tpu.memory_space<vmem_shared>>
      %dma_start3A_387 = tpu.memref_squeeze %dma_start3A_386 : memref<1x640xf32, #tpu.memory_space<vmem_shared>> -> memref<640xf32, #tpu.memory_space<vmem_shared>>
      %dma_start3A_388 = tpu.memref_slice %arg24[%run_scoped3A, %mul3A_0] : memref<16x10240xf32, #tpu.memory_space<vmem_shared>> -> memref<1x640xf32, #tpu.memory_space<vmem_shared>>
      %dma_start3A_389 = tpu.memref_squeeze %dma_start3A_388 : memref<1x640xf32, #tpu.memory_space<vmem_shared>> -> memref<640xf32, #tpu.memory_space<vmem_shared>>
      tpu.enqueue_dma source(%dma_start3A_389 : memref<640xf32, #tpu.memory_space<vmem_shared>>) target(%arg22 : memref<640xf32, #tpu.memory_space<vmem>>) target_semaphore(%run_scoped3A_385 : memref<!tpu.dma_semaphore, #tpu.memory_space<semaphore_mem>>)
      %dma_wait3A_390 = tpu.memref_slice %arg24[%run_scoped3A, %mul3A_0] : memref<16x10240xf32, #tpu.memory_space<vmem_shared>> -> memref<1x640xf32, #tpu.memory_space<vmem_shared>>
      %dma_wait3A_391 = tpu.memref_squeeze %dma_wait3A_390 : memref<1x640xf32, #tpu.memory_space<vmem_shared>> -> memref<640xf32, #tpu.memory_space<vmem_shared>>
      %dma_wait3A_392 = tpu.memref_slice %arg24[%run_scoped3A, %mul3A_0] : memref<16x10240xf32, #tpu.memory_space<vmem_shared>> -> memref<1x640xf32, #tpu.memory_space<vmem_shared>>
      %dma_wait3A_393 = tpu.memref_squeeze %dma_wait3A_392 : memref<1x640xf32, #tpu.memory_space<vmem_shared>> -> memref<640xf32, #tpu.memory_space<vmem_shared>>
      tpu.wait_dma2 semaphore(%run_scoped3A_385 : memref<!tpu.dma_semaphore, #tpu.memory_space<semaphore_mem>>) src(%dma_wait3A_393 : memref<640xf32, #tpu.memory_space<vmem_shared>>) dst(%arg22 : memref<640xf32, #tpu.memory_space<vmem>>)
      tpu.yield
    }) : () -> ()
    %scan3A_287 = arith.constant 0 : i32
    %scan3A_288 = arith.constant 40 : i32
    %scan3A_289 = arith.addi %scan3A_287, %scan3A_288 : i32
    %scan3A_290 = arith.constant 1 : i32
    scf.for %scan3A_385 = %scan3A_287 to %scan3A_289 step %scan3A_290  : i32 {
      %mul3A_386 = arith.constant 16 : i32
      %mul3A_387 = arith.muli %scan3A_385, %mul3A_386 : i32
      %add3A_388 = arith.constant 0 : i32
      %add3A_389 = arith.addi %add3A_388, %mul3A_387 : i32
      %get3A = arith.index_cast %add3A_389 : i32 to index
      %get3A_390 = tpu.vector_load %arg21[%get3A] {strides = array<i32>} : memref<640xf32, #tpu.memory_space<vmem>>, vector<16xf32>,
      %get3A_391 = arith.index_cast %add3A_389 : i32 to index
      %get3A_392 = tpu.vector_load %arg22[%get3A_391] {strides = array<i32>} : memref<640xf32, #tpu.memory_space<vmem>>, vector<16xf32>,
      %add3A_393 = arith.addf %get3A_390, %get3A_392 : vector<16xf32>
      %swap3A = arith.index_cast %add3A_389 : i32 to index
      %swap3A_394 = tpu.vector_load %arg21[%swap3A] {strides = array<i32>} : memref<640xf32, #tpu.memory_space<vmem>>, vector<16xf32>,
      tpu.vector_store %arg21[%swap3A], %add3A_393 {strides = array<i32>} : memref<640xf32, #tpu.memory_space<vmem>>, vector<16xf32>,
    }
    %scan3A_291 = arith.constant 40 : i32
    %run_scoped3A_292 = arith.constant 1 : i32
    "tpu.region"() ({
      %run_scoped3A_385 = tpu.sem_alloc : memref<!tpu.dma_semaphore, #tpu.memory_space<semaphore_mem>>
      %dma_start3A_386 = tpu.memref_slice %arg24[%run_scoped3A_292, %mul3A_0] : memref<16x10240xf32, #tpu.memory_space<vmem_shared>> -> memref<1x640xf32, #tpu.memory_space<vmem_shared>>
      %dma_start3A_387 = tpu.memref_squeeze %dma_start3A_386 : memref<1x640xf32, #tpu.memory_space<vmem_shared>> -> memref<640xf32, #tpu.memory_space<vmem_shared>>
      %dma_start3A_388 = tpu.memref_slice %arg24[%run_scoped3A_292, %mul3A_0] : memref<16x10240xf32, #tpu.memory_space<vmem_shared>> -> memref<1x640xf32, #tpu.memory_space<vmem_shared>>
      %dma_start3A_389 = tpu.memref_squeeze %dma_start3A_388 : memref<1x640xf32, #tpu.memory_space<vmem_shared>> -> memref<640xf32, #tpu.memory_space<vmem_shared>>
      tpu.enqueue_dma source(%dma_start3A_389 : memref<640xf32, #tpu.memory_space<vmem_shared>>) target(%arg22 : memref<640xf32, #tpu.memory_space<vmem>>) target_semaphore(%run_scoped3A_385 : memref<!tpu.dma_semaphore, #tpu.memory_space<semaphore_mem>>)
      %dma_wait3A_390 = tpu.memref_slice %arg24[%run_scoped3A_292, %mul3A_0] : memref<16x10240xf32, #tpu.memory_space<vmem_shared>> -> memref<1x640xf32, #tpu.memory_space<vmem_shared>>
      %dma_wait3A_391 = tpu.memref_squeeze %dma_wait3A_390 : memref<1x640xf32, #tpu.memory_space<vmem_shared>> -> memref<640xf32, #tpu.memory_space<vmem_shared>>
      %dma_wait3A_392 = tpu.memref_slice %arg24[%run_scoped3A_292, %mul3A_0] : memref<16x10240xf32, #tpu.memory_space<vmem_shared>> -> memref<1x640xf32, #tpu.memory_space<vmem_shared>>
      %dma_wait3A_393 = tpu.memref_squeeze %dma_wait3A_392 : memref<1x640xf32, #tpu.memory_space<vmem_shared>> -> memref<640xf32, #tpu.memory_space<vmem_shared>>
      tpu.wait_dma2 semaphore(%run_scoped3A_385 : memref<!tpu.dma_semaphore, #tpu.memory_space<semaphore_mem>>) src(%dma_wait3A_393 : memref<640xf32, #tpu.memory_space<vmem_shared>>) dst(%arg22 : memref<640xf32, #tpu.memory_space<vmem>>)
      tpu.yield
    }) : () -> ()
    %scan3A_293 = arith.constant 0 : i32
    %scan3A_294 = arith.constant 40 : i32
    %scan3A_295 = arith.addi %scan3A_293, %scan3A_294 : i32
    %scan3A_296 = arith.constant 1 : i32
    scf.for %scan3A_385 = %scan3A_293 to %scan3A_295 step %scan3A_296  : i32 {
      %mul3A_386 = arith.constant 16 : i32
      %mul3A_387 = arith.muli %scan3A_385, %mul3A_386 : i32
      %add3A_388 = arith.constant 0 : i32
      %add3A_389 = arith.addi %add3A_388, %mul3A_387 : i32
      %get3A = arith.index_cast %add3A_389 : i32 to index
      %get3A_390 = tpu.vector_load %arg21[%get3A] {strides = array<i32>} : memref<640xf32, #tpu.memory_space<vmem>>, vector<16xf32>,
      %get3A_391 = arith.index_cast %add3A_389 : i32 to index
      %get3A_392 = tpu.vector_load %arg22[%get3A_391] {strides = array<i32>} : memref<640xf32, #tpu.memory_space<vmem>>, vector<16xf32>,
      %add3A_393 = arith.addf %get3A_390, %get3A_392 : vector<16xf32>
      %swap3A = arith.index_cast %add3A_389 : i32 to index
      %swap3A_394 = tpu.vector_load %arg21[%swap3A] {strides = array<i32>} : memref<640xf32, #tpu.memory_space<vmem>>, vector<16xf32>,
      tpu.vector_store %arg21[%swap3A], %add3A_393 {strides = array<i32>} : memref<640xf32, #tpu.memory_space<vmem>>, vector<16xf32>,
    }
    %scan3A_297 = arith.constant 40 : i32
    %run_scoped3A_298 = arith.constant 2 : i32
    "tpu.region"() ({
      %run_scoped3A_385 = tpu.sem_alloc : memref<!tpu.dma_semaphore, #tpu.memory_space<semaphore_mem>>
      %dma_start3A_386 = tpu.memref_slice %arg24[%run_scoped3A_298, %mul3A_0] : memref<16x10240xf32, #tpu.memory_space<vmem_shared>> -> memref<1x640xf32, #tpu.memory_space<vmem_shared>>
      %dma_start3A_387 = tpu.memref_squeeze %dma_start3A_386 : memref<1x640xf32, #tpu.memory_space<vmem_shared>> -> memref<640xf32, #tpu.memory_space<vmem_shared>>
      %dma_start3A_388 = tpu.memref_slice %arg24[%run_scoped3A_298, %mul3A_0] : memref<16x10240xf32, #tpu.memory_space<vmem_shared>> -> memref<1x640xf32, #tpu.memory_space<vmem_shared>>
      %dma_start3A_389 = tpu.memref_squeeze %dma_start3A_388 : memref<1x640xf32, #tpu.memory_space<vmem_shared>> -> memref<640xf32, #tpu.memory_space<vmem_shared>>
      tpu.enqueue_dma source(%dma_start3A_389 : memref<640xf32, #tpu.memory_space<vmem_shared>>) target(%arg22 : memref<640xf32, #tpu.memory_space<vmem>>) target_semaphore(%run_scoped3A_385 : memref<!tpu.dma_semaphore, #tpu.memory_space<semaphore_mem>>)
      %dma_wait3A_390 = tpu.memref_slice %arg24[%run_scoped3A_298, %mul3A_0] : memref<16x10240xf32, #tpu.memory_space<vmem_shared>> -> memref<1x640xf32, #tpu.memory_space<vmem_shared>>
      %dma_wait3A_391 = tpu.memref_squeeze %dma_wait3A_390 : memref<1x640xf32, #tpu.memory_space<vmem_shared>> -> memref<640xf32, #tpu.memory_space<vmem_shared>>
      %dma_wait3A_392 = tpu.memref_slice %arg24[%run_scoped3A_298, %mul3A_0] : memref<16x10240xf32, #tpu.memory_space<vmem_shared>> -> memref<1x640xf32, #tpu.memory_space<vmem_shared>>
      %dma_wait3A_393 = tpu.memref_squeeze %dma_wait3A_392 : memref<1x640xf32, #tpu.memory_space<vmem_shared>> -> memref<640xf32, #tpu.memory_space<vmem_shared>>
      tpu.wait_dma2 semaphore(%run_scoped3A_385 : memref<!tpu.dma_semaphore, #tpu.memory_space<semaphore_mem>>) src(%dma_wait3A_393 : memref<640xf32, #tpu.memory_space<vmem_shared>>) dst(%arg22 : memref<640xf32, #tpu.memory_space<vmem>>)
      tpu.yield
    }) : () -> ()
    %scan3A_299 = arith.constant 0 : i32
    %scan3A_300 = arith.constant 40 : i32
    %scan3A_301 = arith.addi %scan3A_299, %scan3A_300 : i32
    %scan3A_302 = arith.constant 1 : i32
    scf.for %scan3A_385 = %scan3A_299 to %scan3A_301 step %scan3A_302  : i32 {
      %mul3A_386 = arith.constant 16 : i32
      %mul3A_387 = arith.muli %scan3A_385, %mul3A_386 : i32
      %add3A_388 = arith.constant 0 : i32
      %add3A_389 = arith.addi %add3A_388, %mul3A_387 : i32
      %get3A = arith.index_cast %add3A_389 : i32 to index
      %get3A_390 = tpu.vector_load %arg21[%get3A] {strides = array<i32>} : memref<640xf32, #tpu.memory_space<vmem>>, vector<16xf32>,
      %get3A_391 = arith.index_cast %add3A_389 : i32 to index
      %get3A_392 = tpu.vector_load %arg22[%get3A_391] {strides = array<i32>} : memref<640xf32, #tpu.memory_space<vmem>>, vector<16xf32>,
      %add3A_393 = arith.addf %get3A_390, %get3A_392 : vector<16xf32>
      %swap3A = arith.index_cast %add3A_389 : i32 to index
      %swap3A_394 = tpu.vector_load %arg21[%swap3A] {strides = array<i32>} : memref<640xf32, #tpu.memory_space<vmem>>, vector<16xf32>,
      tpu.vector_store %arg21[%swap3A], %add3A_393 {strides = array<i32>} : memref<640xf32, #tpu.memory_space<vmem>>, vector<16xf32>,
    }
    %scan3A_303 = arith.constant 40 : i32
    %run_scoped3A_304 = arith.constant 3 : i32
    "tpu.region"() ({
      %run_scoped3A_385 = tpu.sem_alloc : memref<!tpu.dma_semaphore, #tpu.memory_space<semaphore_mem>>
      %dma_start3A_386 = tpu.memref_slice %arg24[%run_scoped3A_304, %mul3A_0] : memref<16x10240xf32, #tpu.memory_space<vmem_shared>> -> memref<1x640xf32, #tpu.memory_space<vmem_shared>>
      %dma_start3A_387 = tpu.memref_squeeze %dma_start3A_386 : memref<1x640xf32, #tpu.memory_space<vmem_shared>> -> memref<640xf32, #tpu.memory_space<vmem_shared>>
      %dma_start3A_388 = tpu.memref_slice %arg24[%run_scoped3A_304, %mul3A_0] : memref<16x10240xf32, #tpu.memory_space<vmem_shared>> -> memref<1x640xf32, #tpu.memory_space<vmem_shared>>
      %dma_start3A_389 = tpu.memref_squeeze %dma_start3A_388 : memref<1x640xf32, #tpu.memory_space<vmem_shared>> -> memref<640xf32, #tpu.memory_space<vmem_shared>>
      tpu.enqueue_dma source(%dma_start3A_389 : memref<640xf32, #tpu.memory_space<vmem_shared>>) target(%arg22 : memref<640xf32, #tpu.memory_space<vmem>>) target_semaphore(%run_scoped3A_385 : memref<!tpu.dma_semaphore, #tpu.memory_space<semaphore_mem>>)
      %dma_wait3A_390 = tpu.memref_slice %arg24[%run_scoped3A_304, %mul3A_0] : memref<16x10240xf32, #tpu.memory_space<vmem_shared>> -> memref<1x640xf32, #tpu.memory_space<vmem_shared>>
      %dma_wait3A_391 = tpu.memref_squeeze %dma_wait3A_390 : memref<1x640xf32, #tpu.memory_space<vmem_shared>> -> memref<640xf32, #tpu.memory_space<vmem_shared>>
      %dma_wait3A_392 = tpu.memref_slice %arg24[%run_scoped3A_304, %mul3A_0] : memref<16x10240xf32, #tpu.memory_space<vmem_shared>> -> memref<1x640xf32, #tpu.memory_space<vmem_shared>>
      %dma_wait3A_393 = tpu.memref_squeeze %dma_wait3A_392 : memref<1x640xf32, #tpu.memory_space<vmem_shared>> -> memref<640xf32, #tpu.memory_space<vmem_shared>>
      tpu.wait_dma2 semaphore(%run_scoped3A_385 : memref<!tpu.dma_semaphore, #tpu.memory_space<semaphore_mem>>) src(%dma_wait3A_393 : memref<640xf32, #tpu.memory_space<vmem_shared>>) dst(%arg22 : memref<640xf32, #tpu.memory_space<vmem>>)
      tpu.yield
    }) : () -> ()
    %scan3A_305 = arith.constant 0 : i32
    %scan3A_306 = arith.constant 40 : i32
    %scan3A_307 = arith.addi %scan3A_305, %scan3A_306 : i32
    %scan3A_308 = arith.constant 1 : i32
    scf.for %scan3A_385 = %scan3A_305 to %scan3A_307 step %scan3A_308  : i32 {
      %mul3A_386 = arith.constant 16 : i32
      %mul3A_387 = arith.muli %scan3A_385, %mul3A_386 : i32
      %add3A_388 = arith.constant 0 : i32
      %add3A_389 = arith.addi %add3A_388, %mul3A_387 : i32
      %get3A = arith.index_cast %add3A_389 : i32 to index
      %get3A_390 = tpu.vector_load %arg21[%get3A] {strides = array<i32>} : memref<640xf32, #tpu.memory_space<vmem>>, vector<16xf32>,
      %get3A_391 = arith.index_cast %add3A_389 : i32 to index
      %get3A_392 = tpu.vector_load %arg22[%get3A_391] {strides = array<i32>} : memref<640xf32, #tpu.memory_space<vmem>>, vector<16xf32>,
      %add3A_393 = arith.addf %get3A_390, %get3A_392 : vector<16xf32>
      %swap3A = arith.index_cast %add3A_389 : i32 to index
      %swap3A_394 = tpu.vector_load %arg21[%swap3A] {strides = array<i32>} : memref<640xf32, #tpu.memory_space<vmem>>, vector<16xf32>,
      tpu.vector_store %arg21[%swap3A], %add3A_393 {strides = array<i32>} : memref<640xf32, #tpu.memory_space<vmem>>, vector<16xf32>,
    }
    %scan3A_309 = arith.constant 40 : i32
    %run_scoped3A_310 = arith.constant 4 : i32
    "tpu.region"() ({
      %run_scoped3A_385 = tpu.sem_alloc : memref<!tpu.dma_semaphore, #tpu.memory_space<semaphore_mem>>
      %dma_start3A_386 = tpu.memref_slice %arg24[%run_scoped3A_310, %mul3A_0] : memref<16x10240xf32, #tpu.memory_space<vmem_shared>> -> memref<1x640xf32, #tpu.memory_space<vmem_shared>>
      %dma_start3A_387 = tpu.memref_squeeze %dma_start3A_386 : memref<1x640xf32, #tpu.memory_space<vmem_shared>> -> memref<640xf32, #tpu.memory_space<vmem_shared>>
      %dma_start3A_388 = tpu.memref_slice %arg24[%run_scoped3A_310, %mul3A_0] : memref<16x10240xf32, #tpu.memory_space<vmem_shared>> -> memref<1x640xf32, #tpu.memory_space<vmem_shared>>
      %dma_start3A_389 = tpu.memref_squeeze %dma_start3A_388 : memref<1x640xf32, #tpu.memory_space<vmem_shared>> -> memref<640xf32, #tpu.memory_space<vmem_shared>>
      tpu.enqueue_dma source(%dma_start3A_389 : memref<640xf32, #tpu.memory_space<vmem_shared>>) target(%arg22 : memref<640xf32, #tpu.memory_space<vmem>>) target_semaphore(%run_scoped3A_385 : memref<!tpu.dma_semaphore, #tpu.memory_space<semaphore_mem>>)
      %dma_wait3A_390 = tpu.memref_slice %arg24[%run_scoped3A_310, %mul3A_0] : memref<16x10240xf32, #tpu.memory_space<vmem_shared>> -> memref<1x640xf32, #tpu.memory_space<vmem_shared>>
      %dma_wait3A_391 = tpu.memref_squeeze %dma_wait3A_390 : memref<1x640xf32, #tpu.memory_space<vmem_shared>> -> memref<640xf32, #tpu.memory_space<vmem_shared>>
      %dma_wait3A_392 = tpu.memref_slice %arg24[%run_scoped3A_310, %mul3A_0] : memref<16x10240xf32, #tpu.memory_space<vmem_shared>> -> memref<1x640xf32, #tpu.memory_space<vmem_shared>>
      %dma_wait3A_393 = tpu.memref_squeeze %dma_wait3A_392 : memref<1x640xf32, #tpu.memory_space<vmem_shared>> -> memref<640xf32, #tpu.memory_space<vmem_shared>>
      tpu.wait_dma2 semaphore(%run_scoped3A_385 : memref<!tpu.dma_semaphore, #tpu.memory_space<semaphore_mem>>) src(%dma_wait3A_393 : memref<640xf32, #tpu.memory_space<vmem_shared>>) dst(%arg22 : memref<640xf32, #tpu.memory_space<vmem>>)
      tpu.yield
    }) : () -> ()
    %scan3A_311 = arith.constant 0 : i32
    %scan3A_312 = arith.constant 40 : i32
    %scan3A_313 = arith.addi %scan3A_311, %scan3A_312 : i32
    %scan3A_314 = arith.constant 1 : i32
    scf.for %scan3A_385 = %scan3A_311 to %scan3A_313 step %scan3A_314  : i32 {
      %mul3A_386 = arith.constant 16 : i32
      %mul3A_387 = arith.muli %scan3A_385, %mul3A_386 : i32
      %add3A_388 = arith.constant 0 : i32
      %add3A_389 = arith.addi %add3A_388, %mul3A_387 : i32
      %get3A = arith.index_cast %add3A_389 : i32 to index
      %get3A_390 = tpu.vector_load %arg21[%get3A] {strides = array<i32>} : memref<640xf32, #tpu.memory_space<vmem>>, vector<16xf32>,
      %get3A_391 = arith.index_cast %add3A_389 : i32 to index
      %get3A_392 = tpu.vector_load %arg22[%get3A_391] {strides = array<i32>} : memref<640xf32, #tpu.memory_space<vmem>>, vector<16xf32>,
      %add3A_393 = arith.addf %get3A_390, %get3A_392 : vector<16xf32>
      %swap3A = arith.index_cast %add3A_389 : i32 to index
      %swap3A_394 = tpu.vector_load %arg21[%swap3A] {strides = array<i32>} : memref<640xf32, #tpu.memory_space<vmem>>, vector<16xf32>,
      tpu.vector_store %arg21[%swap3A], %add3A_393 {strides = array<i32>} : memref<640xf32, #tpu.memory_space<vmem>>, vector<16xf32>,
    }
    %scan3A_315 = arith.constant 40 : i32
    %run_scoped3A_316 = arith.constant 5 : i32
    "tpu.region"() ({
      %run_scoped3A_385 = tpu.sem_alloc : memref<!tpu.dma_semaphore, #tpu.memory_space<semaphore_mem>>
      %dma_start3A_386 = tpu.memref_slice %arg24[%run_scoped3A_316, %mul3A_0] : memref<16x10240xf32, #tpu.memory_space<vmem_shared>> -> memref<1x640xf32, #tpu.memory_space<vmem_shared>>
      %dma_start3A_387 = tpu.memref_squeeze %dma_start3A_386 : memref<1x640xf32, #tpu.memory_space<vmem_shared>> -> memref<640xf32, #tpu.memory_space<vmem_shared>>
      %dma_start3A_388 = tpu.memref_slice %arg24[%run_scoped3A_316, %mul3A_0] : memref<16x10240xf32, #tpu.memory_space<vmem_shared>> -> memref<1x640xf32, #tpu.memory_space<vmem_shared>>
      %dma_start3A_389 = tpu.memref_squeeze %dma_start3A_388 : memref<1x640xf32, #tpu.memory_space<vmem_shared>> -> memref<640xf32, #tpu.memory_space<vmem_shared>>
      tpu.enqueue_dma source(%dma_start3A_389 : memref<640xf32, #tpu.memory_space<vmem_shared>>) target(%arg22 : memref<640xf32, #tpu.memory_space<vmem>>) target_semaphore(%run_scoped3A_385 : memref<!tpu.dma_semaphore, #tpu.memory_space<semaphore_mem>>)
      %dma_wait3A_390 = tpu.memref_slice %arg24[%run_scoped3A_316, %mul3A_0] : memref<16x10240xf32, #tpu.memory_space<vmem_shared>> -> memref<1x640xf32, #tpu.memory_space<vmem_shared>>
      %dma_wait3A_391 = tpu.memref_squeeze %dma_wait3A_390 : memref<1x640xf32, #tpu.memory_space<vmem_shared>> -> memref<640xf32, #tpu.memory_space<vmem_shared>>
      %dma_wait3A_392 = tpu.memref_slice %arg24[%run_scoped3A_316, %mul3A_0] : memref<16x10240xf32, #tpu.memory_space<vmem_shared>> -> memref<1x640xf32, #tpu.memory_space<vmem_shared>>
      %dma_wait3A_393 = tpu.memref_squeeze %dma_wait3A_392 : memref<1x640xf32, #tpu.memory_space<vmem_shared>> -> memref<640xf32, #tpu.memory_space<vmem_shared>>
      tpu.wait_dma2 semaphore(%run_scoped3A_385 : memref<!tpu.dma_semaphore, #tpu.memory_space<semaphore_mem>>) src(%dma_wait3A_393 : memref<640xf32, #tpu.memory_space<vmem_shared>>) dst(%arg22 : memref<640xf32, #tpu.memory_space<vmem>>)
      tpu.yield
    }) : () -> ()
    %scan3A_317 = arith.constant 0 : i32
    %scan3A_318 = arith.constant 40 : i32
    %scan3A_319 = arith.addi %scan3A_317, %scan3A_318 : i32
    %scan3A_320 = arith.constant 1 : i32
    scf.for %scan3A_385 = %scan3A_317 to %scan3A_319 step %scan3A_320  : i32 {
      %mul3A_386 = arith.constant 16 : i32
      %mul3A_387 = arith.muli %scan3A_385, %mul3A_386 : i32
      %add3A_388 = arith.constant 0 : i32
      %add3A_389 = arith.addi %add3A_388, %mul3A_387 : i32
      %get3A = arith.index_cast %add3A_389 : i32 to index
      %get3A_390 = tpu.vector_load %arg21[%get3A] {strides = array<i32>} : memref<640xf32, #tpu.memory_space<vmem>>, vector<16xf32>,
      %get3A_391 = arith.index_cast %add3A_389 : i32 to index
      %get3A_392 = tpu.vector_load %arg22[%get3A_391] {strides = array<i32>} : memref<640xf32, #tpu.memory_space<vmem>>, vector<16xf32>,
      %add3A_393 = arith.addf %get3A_390, %get3A_392 : vector<16xf32>
      %swap3A = arith.index_cast %add3A_389 : i32 to index
      %swap3A_394 = tpu.vector_load %arg21[%swap3A] {strides = array<i32>} : memref<640xf32, #tpu.memory_space<vmem>>, vector<16xf32>,
      tpu.vector_store %arg21[%swap3A], %add3A_393 {strides = array<i32>} : memref<640xf32, #tpu.memory_space<vmem>>, vector<16xf32>,
    }
    %scan3A_321 = arith.constant 40 : i32
    %run_scoped3A_322 = arith.constant 6 : i32
    "tpu.region"() ({
      %run_scoped3A_385 = tpu.sem_alloc : memref<!tpu.dma_semaphore, #tpu.memory_space<semaphore_mem>>
      %dma_start3A_386 = tpu.memref_slice %arg24[%run_scoped3A_322, %mul3A_0] : memref<16x10240xf32, #tpu.memory_space<vmem_shared>> -> memref<1x640xf32, #tpu.memory_space<vmem_shared>>
      %dma_start3A_387 = tpu.memref_squeeze %dma_start3A_386 : memref<1x640xf32, #tpu.memory_space<vmem_shared>> -> memref<640xf32, #tpu.memory_space<vmem_shared>>
      %dma_start3A_388 = tpu.memref_slice %arg24[%run_scoped3A_322, %mul3A_0] : memref<16x10240xf32, #tpu.memory_space<vmem_shared>> -> memref<1x640xf32, #tpu.memory_space<vmem_shared>>
      %dma_start3A_389 = tpu.memref_squeeze %dma_start3A_388 : memref<1x640xf32, #tpu.memory_space<vmem_shared>> -> memref<640xf32, #tpu.memory_space<vmem_shared>>
      tpu.enqueue_dma source(%dma_start3A_389 : memref<640xf32, #tpu.memory_space<vmem_shared>>) target(%arg22 : memref<640xf32, #tpu.memory_space<vmem>>) target_semaphore(%run_scoped3A_385 : memref<!tpu.dma_semaphore, #tpu.memory_space<semaphore_mem>>)
      %dma_wait3A_390 = tpu.memref_slice %arg24[%run_scoped3A_322, %mul3A_0] : memref<16x10240xf32, #tpu.memory_space<vmem_shared>> -> memref<1x640xf32, #tpu.memory_space<vmem_shared>>
      %dma_wait3A_391 = tpu.memref_squeeze %dma_wait3A_390 : memref<1x640xf32, #tpu.memory_space<vmem_shared>> -> memref<640xf32, #tpu.memory_space<vmem_shared>>
      %dma_wait3A_392 = tpu.memref_slice %arg24[%run_scoped3A_322, %mul3A_0] : memref<16x10240xf32, #tpu.memory_space<vmem_shared>> -> memref<1x640xf32, #tpu.memory_space<vmem_shared>>
      %dma_wait3A_393 = tpu.memref_squeeze %dma_wait3A_392 : memref<1x640xf32, #tpu.memory_space<vmem_shared>> -> memref<640xf32, #tpu.memory_space<vmem_shared>>
      tpu.wait_dma2 semaphore(%run_scoped3A_385 : memref<!tpu.dma_semaphore, #tpu.memory_space<semaphore_mem>>) src(%dma_wait3A_393 : memref<640xf32, #tpu.memory_space<vmem_shared>>) dst(%arg22 : memref<640xf32, #tpu.memory_space<vmem>>)
      tpu.yield
    }) : () -> ()
    %scan3A_323 = arith.constant 0 : i32
    %scan3A_324 = arith.constant 40 : i32
    %scan3A_325 = arith.addi %scan3A_323, %scan3A_324 : i32
    %scan3A_326 = arith.constant 1 : i32
    scf.for %scan3A_385 = %scan3A_323 to %scan3A_325 step %scan3A_326  : i32 {
      %mul3A_386 = arith.constant 16 : i32
      %mul3A_387 = arith.muli %scan3A_385, %mul3A_386 : i32
      %add3A_388 = arith.constant 0 : i32
      %add3A_389 = arith.addi %add3A_388, %mul3A_387 : i32
      %get3A = arith.index_cast %add3A_389 : i32 to index
      %get3A_390 = tpu.vector_load %arg21[%get3A] {strides = array<i32>} : memref<640xf32, #tpu.memory_space<vmem>>, vector<16xf32>,
      %get3A_391 = arith.index_cast %add3A_389 : i32 to index
      %get3A_392 = tpu.vector_load %arg22[%get3A_391] {strides = array<i32>} : memref<640xf32, #tpu.memory_space<vmem>>, vector<16xf32>,
      %add3A_393 = arith.addf %get3A_390, %get3A_392 : vector<16xf32>
      %swap3A = arith.index_cast %add3A_389 : i32 to index
      %swap3A_394 = tpu.vector_load %arg21[%swap3A] {strides = array<i32>} : memref<640xf32, #tpu.memory_space<vmem>>, vector<16xf32>,
      tpu.vector_store %arg21[%swap3A], %add3A_393 {strides = array<i32>} : memref<640xf32, #tpu.memory_space<vmem>>, vector<16xf32>,
    }
    %scan3A_327 = arith.constant 40 : i32
    %run_scoped3A_328 = arith.constant 7 : i32
    "tpu.region"() ({
      %run_scoped3A_385 = tpu.sem_alloc : memref<!tpu.dma_semaphore, #tpu.memory_space<semaphore_mem>>
      %dma_start3A_386 = tpu.memref_slice %arg24[%run_scoped3A_328, %mul3A_0] : memref<16x10240xf32, #tpu.memory_space<vmem_shared>> -> memref<1x640xf32, #tpu.memory_space<vmem_shared>>
      %dma_start3A_387 = tpu.memref_squeeze %dma_start3A_386 : memref<1x640xf32, #tpu.memory_space<vmem_shared>> -> memref<640xf32, #tpu.memory_space<vmem_shared>>
      %dma_start3A_388 = tpu.memref_slice %arg24[%run_scoped3A_328, %mul3A_0] : memref<16x10240xf32, #tpu.memory_space<vmem_shared>> -> memref<1x640xf32, #tpu.memory_space<vmem_shared>>
      %dma_start3A_389 = tpu.memref_squeeze %dma_start3A_388 : memref<1x640xf32, #tpu.memory_space<vmem_shared>> -> memref<640xf32, #tpu.memory_space<vmem_shared>>
      tpu.enqueue_dma source(%dma_start3A_389 : memref<640xf32, #tpu.memory_space<vmem_shared>>) target(%arg22 : memref<640xf32, #tpu.memory_space<vmem>>) target_semaphore(%run_scoped3A_385 : memref<!tpu.dma_semaphore, #tpu.memory_space<semaphore_mem>>)
      %dma_wait3A_390 = tpu.memref_slice %arg24[%run_scoped3A_328, %mul3A_0] : memref<16x10240xf32, #tpu.memory_space<vmem_shared>> -> memref<1x640xf32, #tpu.memory_space<vmem_shared>>
      %dma_wait3A_391 = tpu.memref_squeeze %dma_wait3A_390 : memref<1x640xf32, #tpu.memory_space<vmem_shared>> -> memref<640xf32, #tpu.memory_space<vmem_shared>>
      %dma_wait3A_392 = tpu.memref_slice %arg24[%run_scoped3A_328, %mul3A_0] : memref<16x10240xf32, #tpu.memory_space<vmem_shared>> -> memref<1x640xf32, #tpu.memory_space<vmem_shared>>
      %dma_wait3A_393 = tpu.memref_squeeze %dma_wait3A_392 : memref<1x640xf32, #tpu.memory_space<vmem_shared>> -> memref<640xf32, #tpu.memory_space<vmem_shared>>
      tpu.wait_dma2 semaphore(%run_scoped3A_385 : memref<!tpu.dma_semaphore, #tpu.memory_space<semaphore_mem>>) src(%dma_wait3A_393 : memref<640xf32, #tpu.memory_space<vmem_shared>>) dst(%arg22 : memref<640xf32, #tpu.memory_space<vmem>>)
      tpu.yield
    }) : () -> ()
    %scan3A_329 = arith.constant 0 : i32
    %scan3A_330 = arith.constant 40 : i32
    %scan3A_331 = arith.addi %scan3A_329, %scan3A_330 : i32
    %scan3A_332 = arith.constant 1 : i32
    scf.for %scan3A_385 = %scan3A_329 to %scan3A_331 step %scan3A_332  : i32 {
      %mul3A_386 = arith.constant 16 : i32
      %mul3A_387 = arith.muli %scan3A_385, %mul3A_386 : i32
      %add3A_388 = arith.constant 0 : i32
      %add3A_389 = arith.addi %add3A_388, %mul3A_387 : i32
      %get3A = arith.index_cast %add3A_389 : i32 to index
      %get3A_390 = tpu.vector_load %arg21[%get3A] {strides = array<i32>} : memref<640xf32, #tpu.memory_space<vmem>>, vector<16xf32>,
      %get3A_391 = arith.index_cast %add3A_389 : i32 to index
      %get3A_392 = tpu.vector_load %arg22[%get3A_391] {strides = array<i32>} : memref<640xf32, #tpu.memory_space<vmem>>, vector<16xf32>,
      %add3A_393 = arith.addf %get3A_390, %get3A_392 : vector<16xf32>
      %swap3A = arith.index_cast %add3A_389 : i32 to index
      %swap3A_394 = tpu.vector_load %arg21[%swap3A] {strides = array<i32>} : memref<640xf32, #tpu.memory_space<vmem>>, vector<16xf32>,
      tpu.vector_store %arg21[%swap3A], %add3A_393 {strides = array<i32>} : memref<640xf32, #tpu.memory_space<vmem>>, vector<16xf32>,
    }
    %scan3A_333 = arith.constant 40 : i32
    %run_scoped3A_334 = arith.constant 8 : i32
    "tpu.region"() ({
      %run_scoped3A_385 = tpu.sem_alloc : memref<!tpu.dma_semaphore, #tpu.memory_space<semaphore_mem>>
      %dma_start3A_386 = tpu.memref_slice %arg24[%run_scoped3A_334, %mul3A_0] : memref<16x10240xf32, #tpu.memory_space<vmem_shared>> -> memref<1x640xf32, #tpu.memory_space<vmem_shared>>
      %dma_start3A_387 = tpu.memref_squeeze %dma_start3A_386 : memref<1x640xf32, #tpu.memory_space<vmem_shared>> -> memref<640xf32, #tpu.memory_space<vmem_shared>>
      %dma_start3A_388 = tpu.memref_slice %arg24[%run_scoped3A_334, %mul3A_0] : memref<16x10240xf32, #tpu.memory_space<vmem_shared>> -> memref<1x640xf32, #tpu.memory_space<vmem_shared>>
      %dma_start3A_389 = tpu.memref_squeeze %dma_start3A_388 : memref<1x640xf32, #tpu.memory_space<vmem_shared>> -> memref<640xf32, #tpu.memory_space<vmem_shared>>
      tpu.enqueue_dma source(%dma_start3A_389 : memref<640xf32, #tpu.memory_space<vmem_shared>>) target(%arg22 : memref<640xf32, #tpu.memory_space<vmem>>) target_semaphore(%run_scoped3A_385 : memref<!tpu.dma_semaphore, #tpu.memory_space<semaphore_mem>>)
      %dma_wait3A_390 = tpu.memref_slice %arg24[%run_scoped3A_334, %mul3A_0] : memref<16x10240xf32, #tpu.memory_space<vmem_shared>> -> memref<1x640xf32, #tpu.memory_space<vmem_shared>>
      %dma_wait3A_391 = tpu.memref_squeeze %dma_wait3A_390 : memref<1x640xf32, #tpu.memory_space<vmem_shared>> -> memref<640xf32, #tpu.memory_space<vmem_shared>>
      %dma_wait3A_392 = tpu.memref_slice %arg24[%run_scoped3A_334, %mul3A_0] : memref<16x10240xf32, #tpu.memory_space<vmem_shared>> -> memref<1x640xf32, #tpu.memory_space<vmem_shared>>
      %dma_wait3A_393 = tpu.memref_squeeze %dma_wait3A_392 : memref<1x640xf32, #tpu.memory_space<vmem_shared>> -> memref<640xf32, #tpu.memory_space<vmem_shared>>
      tpu.wait_dma2 semaphore(%run_scoped3A_385 : memref<!tpu.dma_semaphore, #tpu.memory_space<semaphore_mem>>) src(%dma_wait3A_393 : memref<640xf32, #tpu.memory_space<vmem_shared>>) dst(%arg22 : memref<640xf32, #tpu.memory_space<vmem>>)
      tpu.yield
    }) : () -> ()
    %scan3A_335 = arith.constant 0 : i32
    %scan3A_336 = arith.constant 40 : i32
    %scan3A_337 = arith.addi %scan3A_335, %scan3A_336 : i32
    %scan3A_338 = arith.constant 1 : i32
    scf.for %scan3A_385 = %scan3A_335 to %scan3A_337 step %scan3A_338  : i32 {
      %mul3A_386 = arith.constant 16 : i32
      %mul3A_387 = arith.muli %scan3A_385, %mul3A_386 : i32
      %add3A_388 = arith.constant 0 : i32
      %add3A_389 = arith.addi %add3A_388, %mul3A_387 : i32
      %get3A = arith.index_cast %add3A_389 : i32 to index
      %get3A_390 = tpu.vector_load %arg21[%get3A] {strides = array<i32>} : memref<640xf32, #tpu.memory_space<vmem>>, vector<16xf32>,
      %get3A_391 = arith.index_cast %add3A_389 : i32 to index
      %get3A_392 = tpu.vector_load %arg22[%get3A_391] {strides = array<i32>} : memref<640xf32, #tpu.memory_space<vmem>>, vector<16xf32>,
      %add3A_393 = arith.addf %get3A_390, %get3A_392 : vector<16xf32>
      %swap3A = arith.index_cast %add3A_389 : i32 to index
      %swap3A_394 = tpu.vector_load %arg21[%swap3A] {strides = array<i32>} : memref<640xf32, #tpu.memory_space<vmem>>, vector<16xf32>,
      tpu.vector_store %arg21[%swap3A], %add3A_393 {strides = array<i32>} : memref<640xf32, #tpu.memory_space<vmem>>, vector<16xf32>,
    }
    %scan3A_339 = arith.constant 40 : i32
    %run_scoped3A_340 = arith.constant 9 : i32
    "tpu.region"() ({
      %run_scoped3A_385 = tpu.sem_alloc : memref<!tpu.dma_semaphore, #tpu.memory_space<semaphore_mem>>
      %dma_start3A_386 = tpu.memref_slice %arg24[%run_scoped3A_340, %mul3A_0] : memref<16x10240xf32, #tpu.memory_space<vmem_shared>> -> memref<1x640xf32, #tpu.memory_space<vmem_shared>>
      %dma_start3A_387 = tpu.memref_squeeze %dma_start3A_386 : memref<1x640xf32, #tpu.memory_space<vmem_shared>> -> memref<640xf32, #tpu.memory_space<vmem_shared>>
      %dma_start3A_388 = tpu.memref_slice %arg24[%run_scoped3A_340, %mul3A_0] : memref<16x10240xf32, #tpu.memory_space<vmem_shared>> -> memref<1x640xf32, #tpu.memory_space<vmem_shared>>
      %dma_start3A_389 = tpu.memref_squeeze %dma_start3A_388 : memref<1x640xf32, #tpu.memory_space<vmem_shared>> -> memref<640xf32, #tpu.memory_space<vmem_shared>>
      tpu.enqueue_dma source(%dma_start3A_389 : memref<640xf32, #tpu.memory_space<vmem_shared>>) target(%arg22 : memref<640xf32, #tpu.memory_space<vmem>>) target_semaphore(%run_scoped3A_385 : memref<!tpu.dma_semaphore, #tpu.memory_space<semaphore_mem>>)
      %dma_wait3A_390 = tpu.memref_slice %arg24[%run_scoped3A_340, %mul3A_0] : memref<16x10240xf32, #tpu.memory_space<vmem_shared>> -> memref<1x640xf32, #tpu.memory_space<vmem_shared>>
      %dma_wait3A_391 = tpu.memref_squeeze %dma_wait3A_390 : memref<1x640xf32, #tpu.memory_space<vmem_shared>> -> memref<640xf32, #tpu.memory_space<vmem_shared>>
      %dma_wait3A_392 = tpu.memref_slice %arg24[%run_scoped3A_340, %mul3A_0] : memref<16x10240xf32, #tpu.memory_space<vmem_shared>> -> memref<1x640xf32, #tpu.memory_space<vmem_shared>>
      %dma_wait3A_393 = tpu.memref_squeeze %dma_wait3A_392 : memref<1x640xf32, #tpu.memory_space<vmem_shared>> -> memref<640xf32, #tpu.memory_space<vmem_shared>>
      tpu.wait_dma2 semaphore(%run_scoped3A_385 : memref<!tpu.dma_semaphore, #tpu.memory_space<semaphore_mem>>) src(%dma_wait3A_393 : memref<640xf32, #tpu.memory_space<vmem_shared>>) dst(%arg22 : memref<640xf32, #tpu.memory_space<vmem>>)
      tpu.yield
    }) : () -> ()
    %scan3A_341 = arith.constant 0 : i32
    %scan3A_342 = arith.constant 40 : i32
    %scan3A_343 = arith.addi %scan3A_341, %scan3A_342 : i32
    %scan3A_344 = arith.constant 1 : i32
    scf.for %scan3A_385 = %scan3A_341 to %scan3A_343 step %scan3A_344  : i32 {
      %mul3A_386 = arith.constant 16 : i32
      %mul3A_387 = arith.muli %scan3A_385, %mul3A_386 : i32
      %add3A_388 = arith.constant 0 : i32
      %add3A_389 = arith.addi %add3A_388, %mul3A_387 : i32
      %get3A = arith.index_cast %add3A_389 : i32 to index
      %get3A_390 = tpu.vector_load %arg21[%get3A] {strides = array<i32>} : memref<640xf32, #tpu.memory_space<vmem>>, vector<16xf32>,
      %get3A_391 = arith.index_cast %add3A_389 : i32 to index
      %get3A_392 = tpu.vector_load %arg22[%get3A_391] {strides = array<i32>} : memref<640xf32, #tpu.memory_space<vmem>>, vector<16xf32>,
      %add3A_393 = arith.addf %get3A_390, %get3A_392 : vector<16xf32>
      %swap3A = arith.index_cast %add3A_389 : i32 to index
      %swap3A_394 = tpu.vector_load %arg21[%swap3A] {strides = array<i32>} : memref<640xf32, #tpu.memory_space<vmem>>, vector<16xf32>,
      tpu.vector_store %arg21[%swap3A], %add3A_393 {strides = array<i32>} : memref<640xf32, #tpu.memory_space<vmem>>, vector<16xf32>,
    }
    %scan3A_345 = arith.constant 40 : i32
    %run_scoped3A_346 = arith.constant 10 : i32
    "tpu.region"() ({
      %run_scoped3A_385 = tpu.sem_alloc : memref<!tpu.dma_semaphore, #tpu.memory_space<semaphore_mem>>
      %dma_start3A_386 = tpu.memref_slice %arg24[%run_scoped3A_346, %mul3A_0] : memref<16x10240xf32, #tpu.memory_space<vmem_shared>> -> memref<1x640xf32, #tpu.memory_space<vmem_shared>>
      %dma_start3A_387 = tpu.memref_squeeze %dma_start3A_386 : memref<1x640xf32, #tpu.memory_space<vmem_shared>> -> memref<640xf32, #tpu.memory_space<vmem_shared>>
      %dma_start3A_388 = tpu.memref_slice %arg24[%run_scoped3A_346, %mul3A_0] : memref<16x10240xf32, #tpu.memory_space<vmem_shared>> -> memref<1x640xf32, #tpu.memory_space<vmem_shared>>
      %dma_start3A_389 = tpu.memref_squeeze %dma_start3A_388 : memref<1x640xf32, #tpu.memory_space<vmem_shared>> -> memref<640xf32, #tpu.memory_space<vmem_shared>>
      tpu.enqueue_dma source(%dma_start3A_389 : memref<640xf32, #tpu.memory_space<vmem_shared>>) target(%arg22 : memref<640xf32, #tpu.memory_space<vmem>>) target_semaphore(%run_scoped3A_385 : memref<!tpu.dma_semaphore, #tpu.memory_space<semaphore_mem>>)
      %dma_wait3A_390 = tpu.memref_slice %arg24[%run_scoped3A_346, %mul3A_0] : memref<16x10240xf32, #tpu.memory_space<vmem_shared>> -> memref<1x640xf32, #tpu.memory_space<vmem_shared>>
      %dma_wait3A_391 = tpu.memref_squeeze %dma_wait3A_390 : memref<1x640xf32, #tpu.memory_space<vmem_shared>> -> memref<640xf32, #tpu.memory_space<vmem_shared>>
      %dma_wait3A_392 = tpu.memref_slice %arg24[%run_scoped3A_346, %mul3A_0] : memref<16x10240xf32, #tpu.memory_space<vmem_shared>> -> memref<1x640xf32, #tpu.memory_space<vmem_shared>>
      %dma_wait3A_393 = tpu.memref_squeeze %dma_wait3A_392 : memref<1x640xf32, #tpu.memory_space<vmem_shared>> -> memref<640xf32, #tpu.memory_space<vmem_shared>>
      tpu.wait_dma2 semaphore(%run_scoped3A_385 : memref<!tpu.dma_semaphore, #tpu.memory_space<semaphore_mem>>) src(%dma_wait3A_393 : memref<640xf32, #tpu.memory_space<vmem_shared>>) dst(%arg22 : memref<640xf32, #tpu.memory_space<vmem>>)
      tpu.yield
    }) : () -> ()
    %scan3A_347 = arith.constant 0 : i32
    %scan3A_348 = arith.constant 40 : i32
    %scan3A_349 = arith.addi %scan3A_347, %scan3A_348 : i32
    %scan3A_350 = arith.constant 1 : i32
    scf.for %scan3A_385 = %scan3A_347 to %scan3A_349 step %scan3A_350  : i32 {
      %mul3A_386 = arith.constant 16 : i32
      %mul3A_387 = arith.muli %scan3A_385, %mul3A_386 : i32
      %add3A_388 = arith.constant 0 : i32
      %add3A_389 = arith.addi %add3A_388, %mul3A_387 : i32
      %get3A = arith.index_cast %add3A_389 : i32 to index
      %get3A_390 = tpu.vector_load %arg21[%get3A] {strides = array<i32>} : memref<640xf32, #tpu.memory_space<vmem>>, vector<16xf32>,
      %get3A_391 = arith.index_cast %add3A_389 : i32 to index
      %get3A_392 = tpu.vector_load %arg22[%get3A_391] {strides = array<i32>} : memref<640xf32, #tpu.memory_space<vmem>>, vector<16xf32>,
      %add3A_393 = arith.addf %get3A_390, %get3A_392 : vector<16xf32>
      %swap3A = arith.index_cast %add3A_389 : i32 to index
      %swap3A_394 = tpu.vector_load %arg21[%swap3A] {strides = array<i32>} : memref<640xf32, #tpu.memory_space<vmem>>, vector<16xf32>,
      tpu.vector_store %arg21[%swap3A], %add3A_393 {strides = array<i32>} : memref<640xf32, #tpu.memory_space<vmem>>, vector<16xf32>,
    }
    %scan3A_351 = arith.constant 40 : i32
    %run_scoped3A_352 = arith.constant 11 : i32
    "tpu.region"() ({
      %run_scoped3A_385 = tpu.sem_alloc : memref<!tpu.dma_semaphore, #tpu.memory_space<semaphore_mem>>
      %dma_start3A_386 = tpu.memref_slice %arg24[%run_scoped3A_352, %mul3A_0] : memref<16x10240xf32, #tpu.memory_space<vmem_shared>> -> memref<1x640xf32, #tpu.memory_space<vmem_shared>>
      %dma_start3A_387 = tpu.memref_squeeze %dma_start3A_386 : memref<1x640xf32, #tpu.memory_space<vmem_shared>> -> memref<640xf32, #tpu.memory_space<vmem_shared>>
      %dma_start3A_388 = tpu.memref_slice %arg24[%run_scoped3A_352, %mul3A_0] : memref<16x10240xf32, #tpu.memory_space<vmem_shared>> -> memref<1x640xf32, #tpu.memory_space<vmem_shared>>
      %dma_start3A_389 = tpu.memref_squeeze %dma_start3A_388 : memref<1x640xf32, #tpu.memory_space<vmem_shared>> -> memref<640xf32, #tpu.memory_space<vmem_shared>>
      tpu.enqueue_dma source(%dma_start3A_389 : memref<640xf32, #tpu.memory_space<vmem_shared>>) target(%arg22 : memref<640xf32, #tpu.memory_space<vmem>>) target_semaphore(%run_scoped3A_385 : memref<!tpu.dma_semaphore, #tpu.memory_space<semaphore_mem>>)
      %dma_wait3A_390 = tpu.memref_slice %arg24[%run_scoped3A_352, %mul3A_0] : memref<16x10240xf32, #tpu.memory_space<vmem_shared>> -> memref<1x640xf32, #tpu.memory_space<vmem_shared>>
      %dma_wait3A_391 = tpu.memref_squeeze %dma_wait3A_390 : memref<1x640xf32, #tpu.memory_space<vmem_shared>> -> memref<640xf32, #tpu.memory_space<vmem_shared>>
      %dma_wait3A_392 = tpu.memref_slice %arg24[%run_scoped3A_352, %mul3A_0] : memref<16x10240xf32, #tpu.memory_space<vmem_shared>> -> memref<1x640xf32, #tpu.memory_space<vmem_shared>>
      %dma_wait3A_393 = tpu.memref_squeeze %dma_wait3A_392 : memref<1x640xf32, #tpu.memory_space<vmem_shared>> -> memref<640xf32, #tpu.memory_space<vmem_shared>>
      tpu.wait_dma2 semaphore(%run_scoped3A_385 : memref<!tpu.dma_semaphore, #tpu.memory_space<semaphore_mem>>) src(%dma_wait3A_393 : memref<640xf32, #tpu.memory_space<vmem_shared>>) dst(%arg22 : memref<640xf32, #tpu.memory_space<vmem>>)
      tpu.yield
    }) : () -> ()
    %scan3A_353 = arith.constant 0 : i32
    %scan3A_354 = arith.constant 40 : i32
    %scan3A_355 = arith.addi %scan3A_353, %scan3A_354 : i32
    %scan3A_356 = arith.constant 1 : i32
    scf.for %scan3A_385 = %scan3A_353 to %scan3A_355 step %scan3A_356  : i32 {
      %mul3A_386 = arith.constant 16 : i32
      %mul3A_387 = arith.muli %scan3A_385, %mul3A_386 : i32
      %add3A_388 = arith.constant 0 : i32
      %add3A_389 = arith.addi %add3A_388, %mul3A_387 : i32
      %get3A = arith.index_cast %add3A_389 : i32 to index
      %get3A_390 = tpu.vector_load %arg21[%get3A] {strides = array<i32>} : memref<640xf32, #tpu.memory_space<vmem>>, vector<16xf32>,
      %get3A_391 = arith.index_cast %add3A_389 : i32 to index
      %get3A_392 = tpu.vector_load %arg22[%get3A_391] {strides = array<i32>} : memref<640xf32, #tpu.memory_space<vmem>>, vector<16xf32>,
      %add3A_393 = arith.addf %get3A_390, %get3A_392 : vector<16xf32>
      %swap3A = arith.index_cast %add3A_389 : i32 to index
      %swap3A_394 = tpu.vector_load %arg21[%swap3A] {strides = array<i32>} : memref<640xf32, #tpu.memory_space<vmem>>, vector<16xf32>,
      tpu.vector_store %arg21[%swap3A], %add3A_393 {strides = array<i32>} : memref<640xf32, #tpu.memory_space<vmem>>, vector<16xf32>,
    }
    %scan3A_357 = arith.constant 40 : i32
    %run_scoped3A_358 = arith.constant 12 : i32
    "tpu.region"() ({
      %run_scoped3A_385 = tpu.sem_alloc : memref<!tpu.dma_semaphore, #tpu.memory_space<semaphore_mem>>
      %dma_start3A_386 = tpu.memref_slice %arg24[%run_scoped3A_358, %mul3A_0] : memref<16x10240xf32, #tpu.memory_space<vmem_shared>> -> memref<1x640xf32, #tpu.memory_space<vmem_shared>>
      %dma_start3A_387 = tpu.memref_squeeze %dma_start3A_386 : memref<1x640xf32, #tpu.memory_space<vmem_shared>> -> memref<640xf32, #tpu.memory_space<vmem_shared>>
      %dma_start3A_388 = tpu.memref_slice %arg24[%run_scoped3A_358, %mul3A_0] : memref<16x10240xf32, #tpu.memory_space<vmem_shared>> -> memref<1x640xf32, #tpu.memory_space<vmem_shared>>
      %dma_start3A_389 = tpu.memref_squeeze %dma_start3A_388 : memref<1x640xf32, #tpu.memory_space<vmem_shared>> -> memref<640xf32, #tpu.memory_space<vmem_shared>>
      tpu.enqueue_dma source(%dma_start3A_389 : memref<640xf32, #tpu.memory_space<vmem_shared>>) target(%arg22 : memref<640xf32, #tpu.memory_space<vmem>>) target_semaphore(%run_scoped3A_385 : memref<!tpu.dma_semaphore, #tpu.memory_space<semaphore_mem>>)
      %dma_wait3A_390 = tpu.memref_slice %arg24[%run_scoped3A_358, %mul3A_0] : memref<16x10240xf32, #tpu.memory_space<vmem_shared>> -> memref<1x640xf32, #tpu.memory_space<vmem_shared>>
      %dma_wait3A_391 = tpu.memref_squeeze %dma_wait3A_390 : memref<1x640xf32, #tpu.memory_space<vmem_shared>> -> memref<640xf32, #tpu.memory_space<vmem_shared>>
      %dma_wait3A_392 = tpu.memref_slice %arg24[%run_scoped3A_358, %mul3A_0] : memref<16x10240xf32, #tpu.memory_space<vmem_shared>> -> memref<1x640xf32, #tpu.memory_space<vmem_shared>>
      %dma_wait3A_393 = tpu.memref_squeeze %dma_wait3A_392 : memref<1x640xf32, #tpu.memory_space<vmem_shared>> -> memref<640xf32, #tpu.memory_space<vmem_shared>>
      tpu.wait_dma2 semaphore(%run_scoped3A_385 : memref<!tpu.dma_semaphore, #tpu.memory_space<semaphore_mem>>) src(%dma_wait3A_393 : memref<640xf32, #tpu.memory_space<vmem_shared>>) dst(%arg22 : memref<640xf32, #tpu.memory_space<vmem>>)
      tpu.yield
    }) : () -> ()
    %scan3A_359 = arith.constant 0 : i32
    %scan3A_360 = arith.constant 40 : i32
    %scan3A_361 = arith.addi %scan3A_359, %scan3A_360 : i32
    %scan3A_362 = arith.constant 1 : i32
    scf.for %scan3A_385 = %scan3A_359 to %scan3A_361 step %scan3A_362  : i32 {
      %mul3A_386 = arith.constant 16 : i32
      %mul3A_387 = arith.muli %scan3A_385, %mul3A_386 : i32
      %add3A_388 = arith.constant 0 : i32
      %add3A_389 = arith.addi %add3A_388, %mul3A_387 : i32
      %get3A = arith.index_cast %add3A_389 : i32 to index
      %get3A_390 = tpu.vector_load %arg21[%get3A] {strides = array<i32>} : memref<640xf32, #tpu.memory_space<vmem>>, vector<16xf32>,
      %get3A_391 = arith.index_cast %add3A_389 : i32 to index
      %get3A_392 = tpu.vector_load %arg22[%get3A_391] {strides = array<i32>} : memref<640xf32, #tpu.memory_space<vmem>>, vector<16xf32>,
      %add3A_393 = arith.addf %get3A_390, %get3A_392 : vector<16xf32>
      %swap3A = arith.index_cast %add3A_389 : i32 to index
      %swap3A_394 = tpu.vector_load %arg21[%swap3A] {strides = array<i32>} : memref<640xf32, #tpu.memory_space<vmem>>, vector<16xf32>,
      tpu.vector_store %arg21[%swap3A], %add3A_393 {strides = array<i32>} : memref<640xf32, #tpu.memory_space<vmem>>, vector<16xf32>,
    }
    %scan3A_363 = arith.constant 40 : i32
    %run_scoped3A_364 = arith.constant 13 : i32
    "tpu.region"() ({
      %run_scoped3A_385 = tpu.sem_alloc : memref<!tpu.dma_semaphore, #tpu.memory_space<semaphore_mem>>
      %dma_start3A_386 = tpu.memref_slice %arg24[%run_scoped3A_364, %mul3A_0] : memref<16x10240xf32, #tpu.memory_space<vmem_shared>> -> memref<1x640xf32, #tpu.memory_space<vmem_shared>>
      %dma_start3A_387 = tpu.memref_squeeze %dma_start3A_386 : memref<1x640xf32, #tpu.memory_space<vmem_shared>> -> memref<640xf32, #tpu.memory_space<vmem_shared>>
      %dma_start3A_388 = tpu.memref_slice %arg24[%run_scoped3A_364, %mul3A_0] : memref<16x10240xf32, #tpu.memory_space<vmem_shared>> -> memref<1x640xf32, #tpu.memory_space<vmem_shared>>
      %dma_start3A_389 = tpu.memref_squeeze %dma_start3A_388 : memref<1x640xf32, #tpu.memory_space<vmem_shared>> -> memref<640xf32, #tpu.memory_space<vmem_shared>>
      tpu.enqueue_dma source(%dma_start3A_389 : memref<640xf32, #tpu.memory_space<vmem_shared>>) target(%arg22 : memref<640xf32, #tpu.memory_space<vmem>>) target_semaphore(%run_scoped3A_385 : memref<!tpu.dma_semaphore, #tpu.memory_space<semaphore_mem>>)
      %dma_wait3A_390 = tpu.memref_slice %arg24[%run_scoped3A_364, %mul3A_0] : memref<16x10240xf32, #tpu.memory_space<vmem_shared>> -> memref<1x640xf32, #tpu.memory_space<vmem_shared>>
      %dma_wait3A_391 = tpu.memref_squeeze %dma_wait3A_390 : memref<1x640xf32, #tpu.memory_space<vmem_shared>> -> memref<640xf32, #tpu.memory_space<vmem_shared>>
      %dma_wait3A_392 = tpu.memref_slice %arg24[%run_scoped3A_364, %mul3A_0] : memref<16x10240xf32, #tpu.memory_space<vmem_shared>> -> memref<1x640xf32, #tpu.memory_space<vmem_shared>>
      %dma_wait3A_393 = tpu.memref_squeeze %dma_wait3A_392 : memref<1x640xf32, #tpu.memory_space<vmem_shared>> -> memref<640xf32, #tpu.memory_space<vmem_shared>>
      tpu.wait_dma2 semaphore(%run_scoped3A_385 : memref<!tpu.dma_semaphore, #tpu.memory_space<semaphore_mem>>) src(%dma_wait3A_393 : memref<640xf32, #tpu.memory_space<vmem_shared>>) dst(%arg22 : memref<640xf32, #tpu.memory_space<vmem>>)
      tpu.yield
    }) : () -> ()
    %scan3A_365 = arith.constant 0 : i32
    %scan3A_366 = arith.constant 40 : i32
    %scan3A_367 = arith.addi %scan3A_365, %scan3A_366 : i32
    %scan3A_368 = arith.constant 1 : i32
    scf.for %scan3A_385 = %scan3A_365 to %scan3A_367 step %scan3A_368  : i32 {
      %mul3A_386 = arith.constant 16 : i32
      %mul3A_387 = arith.muli %scan3A_385, %mul3A_386 : i32
      %add3A_388 = arith.constant 0 : i32
      %add3A_389 = arith.addi %add3A_388, %mul3A_387 : i32
      %get3A = arith.index_cast %add3A_389 : i32 to index
      %get3A_390 = tpu.vector_load %arg21[%get3A] {strides = array<i32>} : memref<640xf32, #tpu.memory_space<vmem>>, vector<16xf32>,
      %get3A_391 = arith.index_cast %add3A_389 : i32 to index
      %get3A_392 = tpu.vector_load %arg22[%get3A_391] {strides = array<i32>} : memref<640xf32, #tpu.memory_space<vmem>>, vector<16xf32>,
      %add3A_393 = arith.addf %get3A_390, %get3A_392 : vector<16xf32>
      %swap3A = arith.index_cast %add3A_389 : i32 to index
      %swap3A_394 = tpu.vector_load %arg21[%swap3A] {strides = array<i32>} : memref<640xf32, #tpu.memory_space<vmem>>, vector<16xf32>,
      tpu.vector_store %arg21[%swap3A], %add3A_393 {strides = array<i32>} : memref<640xf32, #tpu.memory_space<vmem>>, vector<16xf32>,
    }
    %scan3A_369 = arith.constant 40 : i32
    %run_scoped3A_370 = arith.constant 14 : i32
    "tpu.region"() ({
      %run_scoped3A_385 = tpu.sem_alloc : memref<!tpu.dma_semaphore, #tpu.memory_space<semaphore_mem>>
      %dma_start3A_386 = tpu.memref_slice %arg24[%run_scoped3A_370, %mul3A_0] : memref<16x10240xf32, #tpu.memory_space<vmem_shared>> -> memref<1x640xf32, #tpu.memory_space<vmem_shared>>
      %dma_start3A_387 = tpu.memref_squeeze %dma_start3A_386 : memref<1x640xf32, #tpu.memory_space<vmem_shared>> -> memref<640xf32, #tpu.memory_space<vmem_shared>>
      %dma_start3A_388 = tpu.memref_slice %arg24[%run_scoped3A_370, %mul3A_0] : memref<16x10240xf32, #tpu.memory_space<vmem_shared>> -> memref<1x640xf32, #tpu.memory_space<vmem_shared>>
      %dma_start3A_389 = tpu.memref_squeeze %dma_start3A_388 : memref<1x640xf32, #tpu.memory_space<vmem_shared>> -> memref<640xf32, #tpu.memory_space<vmem_shared>>
      tpu.enqueue_dma source(%dma_start3A_389 : memref<640xf32, #tpu.memory_space<vmem_shared>>) target(%arg22 : memref<640xf32, #tpu.memory_space<vmem>>) target_semaphore(%run_scoped3A_385 : memref<!tpu.dma_semaphore, #tpu.memory_space<semaphore_mem>>)
      %dma_wait3A_390 = tpu.memref_slice %arg24[%run_scoped3A_370, %mul3A_0] : memref<16x10240xf32, #tpu.memory_space<vmem_shared>> -> memref<1x640xf32, #tpu.memory_space<vmem_shared>>
      %dma_wait3A_391 = tpu.memref_squeeze %dma_wait3A_390 : memref<1x640xf32, #tpu.memory_space<vmem_shared>> -> memref<640xf32, #tpu.memory_space<vmem_shared>>
      %dma_wait3A_392 = tpu.memref_slice %arg24[%run_scoped3A_370, %mul3A_0] : memref<16x10240xf32, #tpu.memory_space<vmem_shared>> -> memref<1x640xf32, #tpu.memory_space<vmem_shared>>
      %dma_wait3A_393 = tpu.memref_squeeze %dma_wait3A_392 : memref<1x640xf32, #tpu.memory_space<vmem_shared>> -> memref<640xf32, #tpu.memory_space<vmem_shared>>
      tpu.wait_dma2 semaphore(%run_scoped3A_385 : memref<!tpu.dma_semaphore, #tpu.memory_space<semaphore_mem>>) src(%dma_wait3A_393 : memref<640xf32, #tpu.memory_space<vmem_shared>>) dst(%arg22 : memref<640xf32, #tpu.memory_space<vmem>>)
      tpu.yield
    }) : () -> ()
    %scan3A_371 = arith.constant 0 : i32
    %scan3A_372 = arith.constant 40 : i32
    %scan3A_373 = arith.addi %scan3A_371, %scan3A_372 : i32
    %scan3A_374 = arith.constant 1 : i32
    scf.for %scan3A_385 = %scan3A_371 to %scan3A_373 step %scan3A_374  : i32 {
      %mul3A_386 = arith.constant 16 : i32
      %mul3A_387 = arith.muli %scan3A_385, %mul3A_386 : i32
      %add3A_388 = arith.constant 0 : i32
      %add3A_389 = arith.addi %add3A_388, %mul3A_387 : i32
      %get3A = arith.index_cast %add3A_389 : i32 to index
      %get3A_390 = tpu.vector_load %arg21[%get3A] {strides = array<i32>} : memref<640xf32, #tpu.memory_space<vmem>>, vector<16xf32>,
      %get3A_391 = arith.index_cast %add3A_389 : i32 to index
      %get3A_392 = tpu.vector_load %arg22[%get3A_391] {strides = array<i32>} : memref<640xf32, #tpu.memory_space<vmem>>, vector<16xf32>,
      %add3A_393 = arith.addf %get3A_390, %get3A_392 : vector<16xf32>
      %swap3A = arith.index_cast %add3A_389 : i32 to index
      %swap3A_394 = tpu.vector_load %arg21[%swap3A] {strides = array<i32>} : memref<640xf32, #tpu.memory_space<vmem>>, vector<16xf32>,
      tpu.vector_store %arg21[%swap3A], %add3A_393 {strides = array<i32>} : memref<640xf32, #tpu.memory_space<vmem>>, vector<16xf32>,
    }
    %scan3A_375 = arith.constant 40 : i32
    %run_scoped3A_376 = arith.constant 15 : i32
    "tpu.region"() ({
      %run_scoped3A_385 = tpu.sem_alloc : memref<!tpu.dma_semaphore, #tpu.memory_space<semaphore_mem>>
      %dma_start3A_386 = tpu.memref_slice %arg24[%run_scoped3A_376, %mul3A_0] : memref<16x10240xf32, #tpu.memory_space<vmem_shared>> -> memref<1x640xf32, #tpu.memory_space<vmem_shared>>
      %dma_start3A_387 = tpu.memref_squeeze %dma_start3A_386 : memref<1x640xf32, #tpu.memory_space<vmem_shared>> -> memref<640xf32, #tpu.memory_space<vmem_shared>>
      %dma_start3A_388 = tpu.memref_slice %arg24[%run_scoped3A_376, %mul3A_0] : memref<16x10240xf32, #tpu.memory_space<vmem_shared>> -> memref<1x640xf32, #tpu.memory_space<vmem_shared>>
      %dma_start3A_389 = tpu.memref_squeeze %dma_start3A_388 : memref<1x640xf32, #tpu.memory_space<vmem_shared>> -> memref<640xf32, #tpu.memory_space<vmem_shared>>
      tpu.enqueue_dma source(%dma_start3A_389 : memref<640xf32, #tpu.memory_space<vmem_shared>>) target(%arg22 : memref<640xf32, #tpu.memory_space<vmem>>) target_semaphore(%run_scoped3A_385 : memref<!tpu.dma_semaphore, #tpu.memory_space<semaphore_mem>>)
      %dma_wait3A_390 = tpu.memref_slice %arg24[%run_scoped3A_376, %mul3A_0] : memref<16x10240xf32, #tpu.memory_space<vmem_shared>> -> memref<1x640xf32, #tpu.memory_space<vmem_shared>>
      %dma_wait3A_391 = tpu.memref_squeeze %dma_wait3A_390 : memref<1x640xf32, #tpu.memory_space<vmem_shared>> -> memref<640xf32, #tpu.memory_space<vmem_shared>>
      %dma_wait3A_392 = tpu.memref_slice %arg24[%run_scoped3A_376, %mul3A_0] : memref<16x10240xf32, #tpu.memory_space<vmem_shared>> -> memref<1x640xf32, #tpu.memory_space<vmem_shared>>
      %dma_wait3A_393 = tpu.memref_squeeze %dma_wait3A_392 : memref<1x640xf32, #tpu.memory_space<vmem_shared>> -> memref<640xf32, #tpu.memory_space<vmem_shared>>
      tpu.wait_dma2 semaphore(%run_scoped3A_385 : memref<!tpu.dma_semaphore, #tpu.memory_space<semaphore_mem>>) src(%dma_wait3A_393 : memref<640xf32, #tpu.memory_space<vmem_shared>>) dst(%arg22 : memref<640xf32, #tpu.memory_space<vmem>>)
      tpu.yield
    }) : () -> ()
    %scan3A_377 = arith.constant 0 : i32
    %scan3A_378 = arith.constant 40 : i32
    %scan3A_379 = arith.addi %scan3A_377, %scan3A_378 : i32
    %scan3A_380 = arith.constant 1 : i32
    scf.for %scan3A_385 = %scan3A_377 to %scan3A_379 step %scan3A_380  : i32 {
      %mul3A_386 = arith.constant 16 : i32
      %mul3A_387 = arith.muli %scan3A_385, %mul3A_386 : i32
      %add3A_388 = arith.constant 0 : i32
      %add3A_389 = arith.addi %add3A_388, %mul3A_387 : i32
      %get3A = arith.index_cast %add3A_389 : i32 to index
      %get3A_390 = tpu.vector_load %arg21[%get3A] {strides = array<i32>} : memref<640xf32, #tpu.memory_space<vmem>>, vector<16xf32>,
      %get3A_391 = arith.index_cast %add3A_389 : i32 to index
      %get3A_392 = tpu.vector_load %arg22[%get3A_391] {strides = array<i32>} : memref<640xf32, #tpu.memory_space<vmem>>, vector<16xf32>,
      %add3A_393 = arith.addf %get3A_390, %get3A_392 : vector<16xf32>
      %swap3A = arith.index_cast %add3A_389 : i32 to index
      %swap3A_394 = tpu.vector_load %arg21[%swap3A] {strides = array<i32>} : memref<640xf32, #tpu.memory_space<vmem>>, vector<16xf32>,
      tpu.vector_store %arg21[%swap3A], %add3A_393 {strides = array<i32>} : memref<640xf32, #tpu.memory_space<vmem>>, vector<16xf32>,
    }
    %scan3A_381 = arith.constant 40 : i32
    %mul3A_382 = arith.constant 10240 : i32
    %mul3A_383 = arith.muli %arg0, %mul3A_382 : i32
    %add3A_384 = arith.addi %mul3A_383, %mul3A_0 : i32
    "tpu.region"() ({
      %run_scoped3A_385 = tpu.sem_alloc : memref<!tpu.dma_semaphore, #tpu.memory_space<semaphore_mem>>
      %dma_start3A_386 = tpu.memref_slice %arg7[%add3A_384] : memref<20480xf32, #tpu.memory_space<hbm>> -> memref<640xf32, #tpu.memory_space<hbm>>
      %dma_start3A_387 = tpu.memref_slice %arg7[%add3A_384] : memref<20480xf32, #tpu.memory_space<hbm>> -> memref<640xf32, #tpu.memory_space<hbm>>
      tpu.enqueue_dma source(%arg21 : memref<640xf32, #tpu.memory_space<vmem>>) target(%dma_start3A_387 : memref<640xf32, #tpu.memory_space<hbm>>) target_semaphore(%run_scoped3A_385 : memref<!tpu.dma_semaphore, #tpu.memory_space<semaphore_mem>>)
      %dma_wait3A_388 = tpu.memref_slice %arg7[%add3A_384] : memref<20480xf32, #tpu.memory_space<hbm>> -> memref<640xf32, #tpu.memory_space<hbm>>
      %dma_wait3A_389 = tpu.memref_slice %arg7[%add3A_384] : memref<20480xf32, #tpu.memory_space<hbm>> -> memref<640xf32, #tpu.memory_space<hbm>>
      tpu.wait_dma2 semaphore(%run_scoped3A_385 : memref<!tpu.dma_semaphore, #tpu.memory_space<semaphore_mem>>) src(%arg21 : memref<640xf32, #tpu.memory_space<vmem>>) dst(%dma_wait3A_389 : memref<640xf32, #tpu.memory_space<hbm>>)
      tpu.yield
    }) : () -> ()
    return
  }
}

module attributes {stable_mosaic.version = 14 : i64} {
  func.func @body(%arg0: i32, %arg1: memref<2000x128xf32, #tpu.memory_space<vmem>>, %arg2: memref<128x128xf32, #tpu.memory_space<vmem>>, %arg3: memref<1x128xf32, #tpu.memory_space<vmem>>, %arg4: memref<2000x128xf32, #tpu.memory_space<vmem>>) attributes {dimension_semantics = [#tpu.dimension_semantics<arbitrary>], iteration_bounds = array<i64: 5>, scalar_prefetch = 0 : i64, scratch_operands = 0 : i64, tpu.core_type = #tpu.core_type<tc>, window_params = [{transform_indices = @transform_0, window_bounds = array<i64: 2000, 128>}, {pipeline_mode = #tpu.pipeline_mode<synchronous>, transform_indices = @transform_1, window_bounds = array<i64: 128, 128>}, {pipeline_mode = #tpu.pipeline_mode<synchronous>, transform_indices = @transform_2, window_bounds = array<i64: 1, 128>}, {transform_indices = @transform_3, window_bounds = array<i64: 2000, 128>}]} {
    %get3A = arith.constant 0 : index
    %get3A_0 = arith.constant 0 : index
    %get3A_1 = vector.load %arg1[%get3A, %get3A_0] : memref<2000x128xf32, #tpu.memory_space<vmem>>, vector<2000x128xf32>
    %get3A_2 = arith.constant 0 : index
    %get3A_3 = arith.constant 0 : index
    %get3A_4 = vector.load %arg2[%get3A_2, %get3A_3] : memref<128x128xf32, #tpu.memory_space<vmem>>, vector<128x128xf32>
    %dot_general3A = arith.constant dense<0.000000e+00> : vector<2000x128xf32>
    %dot_general3A_5 = tpu.matmul %get3A_1, %get3A_4, %dot_general3A {dimension_numbers = #tpu.dot_dimension_numbers<[1], [0], [0], [1], [0, 0, 1, 1], [], []>, transpose_lhs_hint = false} : vector<2000x128xf32>, vector<128x128xf32>, vector<2000x128xf32> -> vector<2000x128xf32>
    %get3A_6 = arith.constant 0 : index
    %get3A_7 = arith.constant 0 : index
    %get3A_8 = vector.load %arg3[%get3A_6, %get3A_7] : memref<1x128xf32, #tpu.memory_space<vmem>>, vector<1x128xf32>
    %add3A = vector.broadcast %get3A_8 : vector<1x128xf32> to vector<2000x128xf32>
    %add3A_9 = arith.addf %dot_general3A_5, %add3A : vector<2000x128xf32>
    %swap3A = arith.constant 0 : index
    %swap3A_10 = arith.constant 0 : index
    %swap3A_11 = vector.load %arg4[%swap3A, %swap3A_10] : memref<2000x128xf32, #tpu.memory_space<vmem>>, vector<2000x128xf32>
    tpu.vector_store %arg4[%swap3A, %swap3A_10], %add3A_9 {strides = array<i32>} : memref<2000x128xf32, #tpu.memory_space<vmem>>, vector<2000x128xf32>,
    return
  }
  func.func @transform_0(%arg0: i32) -> (i32, i32) {
    %c0_i32 = arith.constant 0 : i32
    %c0_i32_0 = arith.constant 0 : i32
    return %arg0, %c0_i32 : i32, i32
  }
  func.func @transform_1(%arg0: i32) -> (i32, i32) {
    %c0_i32 = arith.constant 0 : i32
    %c0_i32_0 = arith.constant 0 : i32
    %c0_i32_1 = arith.constant 0 : i32
    return %c0_i32, %c0_i32_0 : i32, i32
  }
  func.func @transform_2(%arg0: i32) -> (i32, i32) {
    %c0_i32 = arith.constant 0 : i32
    %c0_i32_0 = arith.constant 0 : i32
    %c0_i32_1 = arith.constant 0 : i32
    return %c0_i32, %c0_i32_0 : i32, i32
  }
  func.func @transform_3(%arg0: i32) -> (i32, i32) {
    %c0_i32 = arith.constant 0 : i32
    %c0_i32_0 = arith.constant 0 : i32
    return %arg0, %c0_i32 : i32, i32
  }
}

module attributes {stable_mosaic.version = 14 : i64} {
  func.func @body(%arg0: i32, %arg1: memref<1000x128xf32, #tpu.memory_space<vmem>>, %arg2: memref<2x1000x128xf32, #tpu.memory_space<vmem>>, %arg3: memref<2x1000x1xf32, #tpu.memory_space<vmem>>, %arg4: memref<1000x1xf32, #tpu.memory_space<vmem>>, %arg5: memref<128x128xf32, #tpu.memory_space<vmem>>, %arg6: memref<1x128xf32, #tpu.memory_space<vmem>>, %arg7: memref<1000x128xf32, #tpu.memory_space<vmem>>) attributes {dimension_semantics = [#tpu.dimension_semantics<arbitrary>], iteration_bounds = array<i64: 10>, scalar_prefetch = 0 : i64, scratch_operands = 0 : i64, tpu.core_type = #tpu.core_type<tc>, window_params = [{transform_indices = @transform_0, window_bounds = array<i64: 1000, 128>}, {transform_indices = @transform_1, window_bounds = array<i64: 2, 1000, 128>}, {transform_indices = @transform_2, window_bounds = array<i64: 2, 1000, 1>}, {transform_indices = @transform_3, window_bounds = array<i64: 1000, 1>}, {pipeline_mode = #tpu.pipeline_mode<synchronous>, transform_indices = @transform_4, window_bounds = array<i64: 128, 128>}, {pipeline_mode = #tpu.pipeline_mode<synchronous>, transform_indices = @transform_5, window_bounds = array<i64: 1, 128>}, {transform_indices = @transform_6, window_bounds = array<i64: 1000, 128>}]} {
    %get3A = arith.constant 0 : index
    %get3A_0 = arith.constant 0 : index
    %get3A_1 = arith.constant 0 : index
    %get3A_2 = vector.load %arg2[%get3A, %get3A_0, %get3A_1] : memref<2x1000x128xf32, #tpu.memory_space<vmem>>, vector<1x1000x128xf32>
    %get3A_3 = vector.shape_cast %get3A_2 : vector<1x1000x128xf32> to vector<1000x128xf32>
    %get3A_4 = arith.constant 1 : index
    %get3A_5 = arith.constant 0 : index
    %get3A_6 = arith.constant 0 : index
    %get3A_7 = vector.load %arg2[%get3A_4, %get3A_5, %get3A_6] : memref<2x1000x128xf32, #tpu.memory_space<vmem>>, vector<1x1000x128xf32>
    %get3A_8 = vector.shape_cast %get3A_7 : vector<1x1000x128xf32> to vector<1000x128xf32>
    %add3A = arith.addf %get3A_3, %get3A_8 : vector<1000x128xf32>
    %get3A_9 = arith.constant 0 : index
    %get3A_10 = arith.constant 0 : index
    %get3A_11 = arith.constant 0 : index
    %get3A_12 = vector.load %arg3[%get3A_9, %get3A_10, %get3A_11] : memref<2x1000x1xf32, #tpu.memory_space<vmem>>, vector<1x1000x1xf32>
    %get3A_13 = vector.shape_cast %get3A_12 : vector<1x1000x1xf32> to vector<1000x1xf32>
    %get3A_14 = arith.constant 1 : index
    %get3A_15 = arith.constant 0 : index
    %get3A_16 = arith.constant 0 : index
    %get3A_17 = vector.load %arg3[%get3A_14, %get3A_15, %get3A_16] : memref<2x1000x1xf32, #tpu.memory_space<vmem>>, vector<1x1000x1xf32>
    %get3A_18 = vector.shape_cast %get3A_17 : vector<1x1000x1xf32> to vector<1000x1xf32>
    %add3A_19 = arith.addf %get3A_13, %get3A_18 : vector<1000x1xf32>
    %get3A_20 = arith.constant 0 : index
    %get3A_21 = arith.constant 0 : index
    %get3A_22 = vector.load %arg4[%get3A_20, %get3A_21] : memref<1000x1xf32, #tpu.memory_space<vmem>>, vector<1000x1xf32>
    %max3A = arith.constant 1.000000e+00 : f32
    %max3A_23 = vector.broadcast %max3A : f32 to vector<1000x1xf32>
    %max3A_24 = arith.maximumf %get3A_22, %max3A_23 : vector<1000x1xf32>
    %div3A = arith.constant 1.000000e+00 : f32
    %div3A_25 = vector.broadcast %div3A : f32 to vector<1000x1xf32>
    %div3A_26 = arith.divf %div3A_25, %max3A_24 : vector<1000x1xf32>
    %get3A_27 = arith.constant 0 : index
    %get3A_28 = arith.constant 0 : index
    %get3A_29 = vector.load %arg5[%get3A_27, %get3A_28] : memref<128x128xf32, #tpu.memory_space<vmem>>, vector<128x128xf32>
    %dot_general3A = arith.constant dense<0.000000e+00> : vector<1000x128xf32>
    %dot_general3A_30 = tpu.matmul %add3A, %get3A_29, %dot_general3A {dimension_numbers = #tpu.dot_dimension_numbers<[1], [0], [0], [1], [0, 0, 1, 1], [], []>, transpose_lhs_hint = false} : vector<1000x128xf32>, vector<128x128xf32>, vector<1000x128xf32> -> vector<1000x128xf32>
    %get3A_31 = arith.constant 0 : index
    %get3A_32 = arith.constant 0 : index
    %get3A_33 = vector.load %arg1[%get3A_31, %get3A_32] : memref<1000x128xf32, #tpu.memory_space<vmem>>, vector<1000x128xf32>
    %get3A_34 = arith.constant 0 : index
    %get3A_35 = arith.constant 0 : index
    %get3A_36 = vector.load %arg6[%get3A_34, %get3A_35] : memref<1x128xf32, #tpu.memory_space<vmem>>, vector<1x128xf32>
    %mul3A = vector.broadcast %add3A_19 : vector<1000x1xf32> to vector<1000x128xf32>
    %mul3A_37 = vector.broadcast %get3A_36 : vector<1x128xf32> to vector<1000x128xf32>
    %mul3A_38 = arith.mulf %mul3A, %mul3A_37 : vector<1000x128xf32>
    %add3A_39 = arith.addf %dot_general3A_30, %mul3A_38 : vector<1000x128xf32>
    %mul3A_40 = vector.broadcast %div3A_26 : vector<1000x1xf32> to vector<1000x128xf32>
    %mul3A_41 = arith.mulf %add3A_39, %mul3A_40 : vector<1000x128xf32>
    %add3A_42 = arith.addf %get3A_33, %mul3A_41 : vector<1000x128xf32>
    %ge3A = arith.constant 0.000000e+00 : f32
    %ge3A_43 = vector.broadcast %ge3A : f32 to vector<1000x128xf32>
    %ge3A_44 = arith.cmpf oge, %add3A_42, %ge3A_43 : vector<1000x128xf32>
    %mul3A_45 = arith.constant 1.000000e-01 : f32
    %mul3A_46 = vector.broadcast %mul3A_45 : f32 to vector<1000x128xf32>
    %mul3A_47 = arith.mulf %mul3A_46, %add3A_42 : vector<1000x128xf32>
    %select_n3A = arith.select %ge3A_44, %add3A_42, %mul3A_47 : vector<1000x128xi1>, vector<1000x128xf32>
    %swap3A = arith.constant 0 : index
    %swap3A_48 = arith.constant 0 : index
    %swap3A_49 = vector.load %arg7[%swap3A, %swap3A_48] : memref<1000x128xf32, #tpu.memory_space<vmem>>, vector<1000x128xf32>
    tpu.vector_store %arg7[%swap3A, %swap3A_48], %select_n3A {strides = array<i32>} : memref<1000x128xf32, #tpu.memory_space<vmem>>, vector<1000x128xf32>,
    return
  }
  func.func @transform_0(%arg0: i32) -> (i32, i32) {
    %c0_i32 = arith.constant 0 : i32
    %c0_i32_0 = arith.constant 0 : i32
    return %arg0, %c0_i32 : i32, i32
  }
  func.func @transform_1(%arg0: i32) -> (i32, i32, i32) {
    %c0_i32 = arith.constant 0 : i32
    %c0_i32_0 = arith.constant 0 : i32
    %c0_i32_1 = arith.constant 0 : i32
    return %c0_i32, %arg0, %c0_i32_0 : i32, i32, i32
  }
  func.func @transform_2(%arg0: i32) -> (i32, i32, i32) {
    %c0_i32 = arith.constant 0 : i32
    %c0_i32_0 = arith.constant 0 : i32
    %c0_i32_1 = arith.constant 0 : i32
    return %c0_i32, %arg0, %c0_i32_0 : i32, i32, i32
  }
  func.func @transform_3(%arg0: i32) -> (i32, i32) {
    %c0_i32 = arith.constant 0 : i32
    %c0_i32_0 = arith.constant 0 : i32
    return %arg0, %c0_i32 : i32, i32
  }
  func.func @transform_4(%arg0: i32) -> (i32, i32) {
    %c0_i32 = arith.constant 0 : i32
    %c0_i32_0 = arith.constant 0 : i32
    %c0_i32_1 = arith.constant 0 : i32
    return %c0_i32, %c0_i32_0 : i32, i32
  }
  func.func @transform_5(%arg0: i32) -> (i32, i32) {
    %c0_i32 = arith.constant 0 : i32
    %c0_i32_0 = arith.constant 0 : i32
    %c0_i32_1 = arith.constant 0 : i32
    return %c0_i32, %c0_i32_0 : i32, i32
  }
  func.func @transform_6(%arg0: i32) -> (i32, i32) {
    %c0_i32 = arith.constant 0 : i32
    %c0_i32_0 = arith.constant 0 : i32
    return %arg0, %c0_i32 : i32, i32
  }
}

</mosaic_0001>

<sc_bundles>
// kernel: kernel.5.cloned.1.call-start
scs
__scs_entry_jumppad:
0x0: {  	(pc) =	sbr.rel $0x88, $3  }
0x1: {  	(tag) =	ssettag $0x0;
	lr =	simm.s32 $0x1  }
0x2: {  	[smem:$0x3F9A] =	sst lr;
	_ =	strace $0xD0000000  }
0x3: {  	_ = 	snop  }
0x4: {  	_ = 	snop  }
0x5: {  	_ = 	snop  }
0x6: {  	_ = 	snop  }
0x7: {  	_ = 	snop  }
__scs_overlays_trampoline_lowered:
0x8: {  	[smem:$0x3FA9] =	sst s0  }
0x9: {  	[smem:$0x3FAA] =	sst s1  }
0xa: {  	[smem:$0x3FAB] =	sst s2  }
0xb: {  	[smem:$0x3FAC] =	sst s3  }
0xc: {  	[smem:$0x3FAD] =	sst s4  }
0xd: {  	[smem:$0x3FAE] =	sst s5  }
0xe: {  	[smem:$0x3FAF] =	sst s6  }
0xf: {  	[smem:$0x3FB0] =	sst s7  }
0x10: {  	[smem:$0x3FB1] =	sst s8  }
0x11: {  	[smem:$0x3FB2] =	sst s9;
	s0 =	simm.s32 @!p0 $0x0  }
0x12: {  	s1 =	sld [smem:$0x3F98];
	s0 =	simm.s32 @p0 $0x1  }
0x13: {  	[smem:$0x3FB3] =	sst s0;
	s0 =	simm.s32 @!p1 $0x0  }
0x14: {  	s2 =	sld [smem:$0x3F97];
	s0 =	simm.s32 @p1 $0x1  }
0x15: {  	[smem:$0x3FB4] =	sst s0;
	s0 =	simm.s32 @!p2 $0x0  }
0x16: {  	s3 =	sld [smem:$0x3FDB];
	s0 =	simm.s32 @p2 $0x1  }
0x17: {  	s4 =	simm.s32 $0x1BF5;
	[smem:$0x3FB6] =	sst s0  }
0x18: {  	s0 =	sld [smem:$0x3F99];
	_ =	swait.ge [sflag:s4], $0x0  }
0x19: {  	s7 =	sld [smem:$0x3F9A]  }
0x1a: {  	s8 =	sadd.s32 $0xFFFFE003, lr  }
0x1b: {  	s9 =	sadd.s32 $0xFFFFFEF7, lr;
	s5 =	simm.s32 $0xFFFFFFFF;
	p2 =	slt.u32 s8, $0xFFFFF086  }
0x1c: {  	p1 =	slt.u32 s9, $0xF7A;
	s5 =	simm.s32 @!p2 $0x0  }
0x1d: {  	s5 =	simm.s32 @p1 $0x1;
	p0 =	seq.s32 s7, s2  }
0x1e: {  	s7 =	smul.u32 @!p0 $0xF7A, s2;
	p2 =	seq.s32 @!p0 s5, $0x0  }
0x1f: {  	s9 =	smul.u32 $0xF7A, s1;
	s8 =	simm.s32 @!p0 $0x1BF5;
	p2 =	por !p2, p0  }
0x20: {  	[sflag:s8] =	ssyncset.s32 @!p0 $0xFFFFF086;
	s6 =	sadd.s32 @!p0 s3, s7;
	s7 =	simm.s32 @!p0 $0x108  }
0x21: {  	s3 =	sadd.s32 s3, s9;
	s6 =	sadd.s32 @!p0 $0x88, s6;
	s7 =	simm.s32 @p2 $0x1082  }
0x22: {  	[simem:s7], [sflag:s8] =	dma.local @!p0 [hbm:s6], $0xF7A  }
0x23: {  	s9 =	sor.u32 $0xD0000000, s2;
	s6 =	simm.s32 $0x108;
	_ =	swait.ge @!p0 [sflag:s8], $0x0  }
0x24: {  	s3 =	sadd.s32 $0x88, s3;
	s6 =	simm.s32 @!p1 $0x1082;
	[sflag:s4] =	ssyncset.s32 $0xFFFFF086  }
0x25: {  	[simem:s6], [sflag:s4] =	dma.local [hbm:s3], $0xF7A  }
0x26: {  	[smem:$0x3F9A] =	sst s1;
	(tag) =	ssettag s2;
	_ =	strace s9  }
0x27: {  	s1 =	sld [smem:$0x3FAA]  }
0x28: {  	s2 =	sld [smem:$0x3FAB]  }
0x29: {  	s4 =	sld [smem:$0x3FAD]  }
0x2a: {  	p0 =	seq.s32 s5, $0x0;
	s5 =	sld [smem:$0x3FAE]  }
0x2b: {  	s6 =	sld [smem:$0x3FAF]  }
0x2c: {  	s7 =	sld [smem:$0x3FB0]  }
0x2d: {  	s3 =	simm.s32 $0x108;
	s8 =	sld [smem:$0x3FB1]  }
0x2e: {  	s3 =	simm.s32 @!p0 $0x1082;
	s9 =	sld [smem:$0x3FB2]  }
0x2f: {  	lr =	sadd.s32 s0, s3;
	s0 =	sld [smem:$0x3FA9]  }
0x30: {  	s3 =	sld [smem:$0x3FAC]  }
0x31: {  	[smem:$0x3FB5] =	sst s10  }
0x32: {  	s10 =	sld [smem:$0x3FB3];
	_ =	sdelay $0x3  }
0x33: {  	p0 =	seq.s32 s10, $0x1;
	s10 =	sld [smem:$0x3FB5];
	_ =	sdelay $0x3  }
0x34: {  	[smem:$0x3FB5] =	sst s10  }
0x35: {  	s10 =	sld [smem:$0x3FB4];
	_ =	sdelay $0x3  }
0x36: {  	p1 =	seq.s32 s10, $0x1;
	s10 =	sld [smem:$0x3FB5];
	_ =	sdelay $0x3  }
0x37: {  	[smem:$0x3FB5] =	sst s10  }
0x38: {  	s10 =	sld [smem:$0x3FB6]  }
0x39: {  	_ = 	snop;
	(pc) =	sbr.ind lr, $3  }
0x3a: {  	_ = 	snop  }
0x3b: {  	_ = 	snop  }
0x3c: {  	p2 =	seq.s32 s10, $0x1;
	s10 =	sld [smem:$0x3FB5]  }
0x3d: {  	_ =	shalt  }
0x3e: {  	_ =	shalt  }
0x3f: {  	_ =	shalt  }
0x40: {  	_ =	shalt  }
0x41: {  	_ =	shalt  }
0x42: {  	_ =	shalt  }
0x43: {  	_ =	shalt  }
0x44: {  	_ =	shalt  }
0x45: {  	_ =	shalt  }
0x46: {  	_ =	shalt  }
0x47: {  	_ =	shalt  }
0x48: {  	_ =	shalt  }
0x49: {  	_ =	shalt  }
0x4a: {  	_ =	shalt  }
0x4b: {  	_ =	shalt  }
0x4c: {  	_ =	shalt  }
0x4d: {  	_ =	shalt  }
0x4e: {  	_ =	shalt  }
0x4f: {  	_ =	shalt  }
0x50: {  	_ =	shalt  }
0x51: {  	_ =	shalt  }
0x52: {  	_ =	shalt  }
0x53: {  	_ =	shalt  }
0x54: {  	_ =	shalt  }
0x55: {  	_ =	shalt  }
0x56: {  	_ =	shalt  }
0x57: {  	_ =	shalt  }
0x58: {  	_ =	shalt  }
0x59: {  	_ =	shalt  }
0x5a: {  	_ =	shalt  }
0x5b: {  	_ =	shalt  }
0x5c: {  	_ =	shalt  }
0x5d: {  	_ =	shalt  }
0x5e: {  	_ =	shalt  }
0x5f: {  	_ =	shalt  }
0x60: {  	_ =	shalt  }
0x61: {  	_ =	shalt  }
0x62: {  	_ =	shalt  }
0x63: {  	_ =	shalt  }
0x64: {  	_ =	shalt  }
0x65: {  	_ =	shalt  }
0x66: {  	_ =	shalt  }
0x67: {  	_ =	shalt  }
0x68: {  	_ =	shalt  }
0x69: {  	_ =	shalt  }
0x6a: {  	_ =	shalt  }
0x6b: {  	_ =	shalt  }
0x6c: {  	_ =	shalt  }
0x6d: {  	_ =	shalt  }
0x6e: {  	_ =	shalt  }
0x6f: {  	_ =	shalt  }
0x70: {  	_ =	shalt  }
0x71: {  	_ =	shalt  }
0x72: {  	_ =	shalt  }
0x73: {  	_ =	shalt  }
0x74: {  	_ =	shalt  }
0x75: {  	_ =	shalt  }
0x76: {  	_ =	shalt  }
0x77: {  	_ =	shalt  }
0x78: {  	_ =	shalt  }
0x79: {  	_ =	shalt  }
0x7a: {  	_ =	shalt  }
0x7b: {  	_ =	shalt  }
0x7c: {  	_ =	shalt  }
0x7d: {  	_ =	shalt  }
0x7e: {  	_ =	shalt  }
0x7f: {  	_ =	shalt  }
0x80: {  	_ =	shalt  }
0x81: {  	_ =	shalt  }
0x82: {  	_ =	shalt  }
0x83: {  	_ =	shalt  }
0x84: {  	_ =	shalt  }
0x85: {  	_ =	shalt  }
0x86: {  	_ =	shalt  }
0x87: {  	_ =	shalt  }
.Lfunc_end0:
.L_simem_size_0:
called_computation_lowered:
.L_overlay_start_0:
0x88: {  	s2 =	sld [smem:$0x3FD9]  }
0x89: {  	s3 =	sld [smem:$0x3FFE];
	_ =	sdelay $0x1  }
0x8a: {  	s1 =	srdreg.scid  }
0x8b: {  	s0 =	sand.u32 $0x1, s1  }
0x8c: {  	s17 =	sshll.u32 s0, $0xA;
	s2 =	sadd.s32 s3, s2  }
0x8d: {  	s2 =	sadd.s32 s2, s17  }
0x8e: {  	[smem:$0x3FC1] =	sst s2  }
0x8f: {  	_ = 	snop  }
0x90: {  	s2 =	sld [smem:$0x3FC9]  }
0x91: {  	s18 =	sld [smem:$0x3FD0];
	(tm) =	ssettm $0x1  }
0x92: {  	s4 =	sld [smem:$0x3FFB];
	_ =	sdelay $0x3  }
0x93: {  	_ =	strace s4  }
0x94: {  	s4 =	sld [smem:$0x3FFC];
	_ =	sdelay $0x3  }
0x95: {  	_ =	strace s4  }
0x96: {  	s4 =	sld [smem:$0x3FFD];
	_ =	sdelay $0x3  }
0x97: {  	_ =	strace s4  }
0x98: {  	_ =	strace $0x8FFFFFFF  }
0x99: {  	s19 =	sld [smem:$0x3FDB];
	_ =	sdelay $0x1  }
0x9a: {  	s5 =	simm.s32 $_scs_section_size  }
0x9b: {  	s6 =	simm.s32 $_size__tile_overlayer_lowered;
	s7 =	simm.s32 $_tile_overlayer_lowered  }
0x9c: {  	s22 =	simm.s32 $0x1BFF;
	s21 =	sshll.u32 s7, $0x1;
	s4 =	sadd.s32 s5, s19  }
0x9d: {  	s8 =	simm.s32 $0x0;
	s20 =	sshll.u32 s6, $0x1;
	s6 =	sadd.s32 s21, s4  }
0x9e: {  	[timem:s8], [sflag:s22] =	dma.local [hbm:s6], s20  }
0x9f: {  	_ =	swait.ge [sflag:s22], s20  }
0xa0: {  	s5 =	ssub.s32 $0x0, s20;
	[sflag:s22] =	ssyncset.done $0x0  }
0xa1: {  	[sflag:s22] =	ssyncadd.s32 s5;
	_ =	sdelay $0x1  }
0xa2: {  	s23 =	simm.s32 $0x1B8B  }
0xa3: {  	_ =	swait.ge [sflag:s23], $0x1  }
0xa4: {  	[sflag:s23] =	ssyncset.done $0x0  }
0xa5: {  	s25 =	simm.s32 $0x1B8E;
	s24 =	sld [smem:$0x3FFE];
	[sflag:s23] =	ssyncadd.s32 $0xFFFFFFFF  }
0xa6: {  	s26 =	simm.s32 $execute0_lowered;
	[smem:$0x3FD2] =	sst s25  }
0xa7: {  	s6 =	sshll.u32 s26, $0x1;
	_ =	strace $0x80000046;
	[dreg:$0x1] =	wrdreg $0xFFFFFFFF  }
0xa8: {  	s28 =	simm.s32 $_size_execute0_lowered;
	s4 =	sadd.s32 s4, s6;
	[dreg:$0x0] =	wrdreg $0x0  }
0xa9: {  	s6 =	sshll.u32 s28, $0x1;
	[dreg:$0x2] =	wrdreg s4  }
0xaa: {  	[dreg:$0x3] =	wrdreg s6  }
0xab: {  	[dreg:$0x4] =	wrdreg $0xC0  }
0xac: {  	_ =	task [dreg:s8], $0x5FFFF  }
0xad: {  	[dreg:$0x1] =	wrdreg $0xFFFFFFFF  }
0xae: {  	[dreg:$0x0] =	wrdreg $0x60  }
0xaf: {  	[dreg:$0x2] =	wrdreg s18  }
0xb0: {  	[dreg:$0x3] =	wrdreg s24  }
0xb1: {  	[dreg:$0x4] =	wrdreg s2  }
0xb2: {  	[dreg:$0x5] =	wrdreg $0x91000  }
0xb3: {  	[dreg:$0x6] =	wrdreg $0x1D1000  }
0xb4: {  	[dreg:$0x7] =	wrdreg $0x9  }
0xb5: {  	_ =	task.clear_ibuf [dreg:s8], $0x8FFFF;
	_ =	strace $0x90000046  }
0xb6: {  	s29 =	simm.s32 $0x9;
	_ =	strace $0x80000048  }
0xb7: {  	_ =	swait.ge [sflag:s29], $0x1  }
0xb8: {  	[sflag:s29] =	ssyncadd.s32 $0xFFFFFFFF  }
0xb9: {  	_ =	strace $0x90000048  }
0xba: {  	_ =	sfence  }
0xbb: {  	s30 =	sld [smem:$0x0];
	_ =	sdelay $0x2  }
0xbc: {  	s31 =	sshll.u32 s1, $0xD;
	s1 =	sshrl.u32 s1, $0x2  }
0xbd: {  	s3 =	sand.u32 $0x4000, s31;
	s1 =	sadd.s32 s1, s30  }
0xbe: {  	s0 =	sor.u32 s3, s0;
	s1 =	sshll.u32 s1, $0x11  }
0xbf: {  	s0 =	sor.u32 s1, s0  }
0xc0: {  	s0 =	sadd.s32 $0x8F2B, s0  }
0xc1: {  	[sflag:s0] =	ssyncadd.remote.s32 $0x1  }
0xc2: {  	_ =	sfence.sel $0xFFFF  }
0xc3: {  	[dreg:$0x0] =	wrdreg $0xFFFFFFFF;
	(pc) =	sbr.abs _section_cstart, $3  }
0xc4: {  	[dreg:$0x1] =	wrdreg $0xFFFFFFFF  }
0xc5: {  	_ =	task.clear_ibuf [dreg:s8], $0x2FFFF;
	_ =	strace $0x9FFFFFFF  }
0xc6: {  	(tm) =	ssettm $0x7FFFFFFF  }
0xc7: {  	_ =	shalt  }
tec
execute0_lowered:
.L_overlay_start_1:
0x0: {  	(tag) =	ssettag $0x1  }
0x1: {  	s2 =	rddreg [dreg:$0x0]  }
0x2: {  	s1 =	rddreg [dreg:$0x1]  }
0x3: {  	s0 =	rddreg [dreg:$0x2];
	s17 =	stileid.u32  }
0x4: {  	s3 =	rddreg [dreg:$0x3];
	s6 =	smul.u32 $0x14000, s17  }
0x5: {  	s4 =	srdreg.scid;
	s8 =	smul.u32 $0x280, s17  }
0x6: {  	s7 =	rddreg [dreg:$0x4];
	s9 =	sand.u32 $0x1, s4;
	s14 =	smul.u32 $0x27C0, s17  }
0x7: {  	s4 =	simm.s32 $0x0;
	s12 =	sadd.s32 $0x1600, s1;
	s5 =	smul.u32 $0x140000, s9  }
0x8: {  	s22 =	sshrl.u32 s17, $0x3;
	s10 =	sshll.u32 s9, $0x4;
	s11 =	smul.u32 $0x2800, s9  }
0x9: {  	[smem:$0x7FF] =	sst s4;
	s24 =	ssub.s32 $0x2, s9;
	s9 =	smul.u32 $0x27C00, s9  }
0xa: {  	s23 =	sshll.u32 s17, $0x7;
	s10 =	sor.u32 s17, s10;
	_ =	strace $0x80000047  }
0xb: {  	s25 =	sshrl.u32 s24, $0x1;
	s10 =	smul.u32 $0x27C0, s10;
	s9 =	sadd.s32 s14, s9  }
0xc: {  	s6 =	sadd.s32 s6, s5;
	s8 =	sadd.s32 s8, s11;
	s14 =	sadd.s32 $0x1E0, s9  }
0xd: {  	s5 =	ssub.s32 s24, s25;
	s21 =	sadd.s32 $0x210, s9;
	s14 =	sshrl.u32 s14, $0x3  }
0xe: {  	s25 =	sadd.s32 $0x1B0, s9;
	s10 =	sshrl.u32 s10, $0x3;
	s24 =	sadd.s32 s14, s12  }
0xf: {  	s18 =	sadd.s32 s2, s10;
	s14 =	sadd.s32 s14, s2;
	[dreg:$0x7] =	wrdreg s24  }
0x10: {  	s26 =	sor.u32 $0x6, s10;
	s13 =	sadd.s32 $0xC, s10;
	[dreg:$0x8] =	wrdreg s14  }
0x11: {  	s15 =	sadd.s32 s2, s26;
	s19 =	sadd.s32 s2, s13;
	[dreg:$0xe] =	wrdreg s18  }
0x12: {  	s11 =	sadd.s32 s12, s26;
	s20 =	sadd.s32 s12, s13;
	[dreg:$0xf] =	wrdreg s15  }
0x13: {  	s13 =	smul.u32 $0x50000, s22;
	s22 =	sadd.s32 $0x18, s10;
	[dreg:$0x10] =	wrdreg s19  }
0x14: {  	s15 =	sadd.s32 $0x12, s10;
	s19 =	sadd.s32 s12, s10;
	[dreg:$0x13] =	wrdreg s11  }
0x15: {  	[dreg:$0x14] =	wrdreg s20;
	s11 =	sshrl.u32 s21, $0x3;
	s24 =	sadd.s32 s2, s22  }
0x16: {  	s21 =	sadd.s32 $0x150, s9;
	s9 =	sadd.s32 $0x180, s9;
	[dreg:$0x17] =	wrdreg s24  }
0x17: {  	s16 =	sadd.s32 s2, s15;
	s11 =	sadd.s32 s11, s2;
	[dreg:$0x12] =	wrdreg s19  }
0x18: {  	s13 =	sshrl.u32 s13, $0x2;
	s9 =	sshrl.u32 s9, $0x3;
	[dreg:$0x11] =	wrdreg s16  }
0x19: {  	[dreg:$0x6] =	wrdreg s11;
	s11 =	sshrl.u32 s25, $0x3;
	s25 =	sadd.s32 s12, s15  }
0x1a: {  	s16 =	sand.u32 $0x380, s23;
	s23 =	sadd.s32 s9, s12;
	[dreg:$0x18] =	wrdreg s25  }
0x1b: {  	s13 =	sadd.s32 s13, s7;
	s15 =	sadd.s32 s12, s22;
	[dreg:$0xc] =	wrdreg s23  }
0x1c: {  	s13 =	sadd.s32 s16, s13;
	[dreg:$0x19] =	wrdreg s15  }
0x1d: {  	s20 =	smul.u32 $0x5000, s17;
	s26 =	sadd.s32 s11, s12;
	[dreg:$0x15] =	wrdreg s13  }
0x1e: {  	s24 =	sshrl.u32 s8, $0x3;
	s11 =	sadd.s32 s11, s2;
	[dreg:$0x9] =	wrdreg s26  }
0x1f: {  	s23 =	sshrl.u32 s6, $0x3;
	s6 =	sadd.s32 s24, s1;
	[dreg:$0xa] =	wrdreg s11  }
0x20: {  	s11 =	sshrl.u32 s21, $0x3;
	s13 =	sshrl.u32 s20, $0x2;
	s6 =	sadd.s32 $0xDE00, s6  }
0x21: {  	s26 =	sadd.s32 $0x1E, s10;
	s11 =	sadd.s32 s11, s12;
	[smem:$0x7EA] =	sst s6  }
0x22: {  	s10 =	sadd.s32 $0x24, s10;
	s16 =	sadd.s32 s2, s26;
	[dreg:$0xb] =	wrdreg s11  }
0x23: {  	s13 =	sadd.s32 s13, s7;
	s7 =	sadd.s32 s12, s26;
	[dreg:$0x1a] =	wrdreg s16  }
0x24: {  	s20 =	sadd.s32 s12, s10;
	[dreg:$0x1b] =	wrdreg s7  }
0x25: {  	s21 =	sadd.s32 s2, s10;
	[dreg:$0x1c] =	wrdreg s20  }
0x26: {  	s2 =	sadd.s32 s9, s2;
	[dreg:$0x1d] =	wrdreg s21  }
0x27: {  	s9 =	sadd.s32 $0x2A, s18;
	[dreg:$0xd] =	wrdreg s2  }
0x28: {  	s10 =	sadd.s32 $0x4F2, s19;
	[smem:$0x7EC] =	sst s9  }
0x29: {  	[smem:$0x7ED] =	sst s10  }
0x2a: {  	s2 =	sadd.s32 s23, s1;
	s1 =	sadd.s32 $0xB600, s1;
	[dreg:$0x16] =	wrdreg s13  }
0x2b: {  	s11 =	sadd.s32 $0x80, s13;
	[dreg:$0x1e] =	wrdreg s1  }
0x2c: {  	s12 =	sadd.s32 $0x100, s13;
	[smem:$0x7EE] =	sst s11  }
0x2d: {  	s30 =	simm.s32 $0x280;
	s14 =	sadd.s32 $0x180, s13;
	[smem:$0x7EF] =	sst s12  }
0x2e: {  	s28 =	simm.s32 $0x6;
	s15 =	sadd.s32 $0x200, s13;
	[smem:$0x7F0] =	sst s14  }
0x2f: {  	s22 =	smul.u32 $0x50000, s17;
	s16 =	sadd.s32 $0x280, s13;
	[smem:$0x7F1] =	sst s15  }
0x30: {  	s26 =	sshll.u32 s17, $0x6;
	s17 =	sadd.s32 $0x300, s13;
	[smem:$0x7F2] =	sst s16  }
0x31: {  	s31 =	simm.s32 $0x7;
	s18 =	sadd.s32 $0x380, s13;
	[smem:$0x7F3] =	sst s17  }
0x32: {  	s29 =	simm.s32 $0x200;
	s19 =	sadd.s32 $0x14000, s13;
	[smem:$0x7F4] =	sst s18  }
0x33: {  	s7 =	sshrl.u32 s22, $0x2;
	s20 =	sadd.s32 $0x14080, s13;
	[smem:$0x7F5] =	sst s19  }
0x34: {  	s8 =	sor.u32 $0x1C11, s26;
	s21 =	sadd.s32 $0x14100, s13;
	[smem:$0x7F6] =	sst s20  }
0x35: {  	s22 =	sadd.s32 $0x14180, s13;
	s23 =	sadd.s32 $0x14200, s13;
	[smem:$0x7F7] =	sst s21  }
0x36: {  	s24 =	sadd.s32 $0x14280, s13;
	s26 =	sadd.s32 $0x14380, s13;
	[smem:$0x7F8] =	sst s22  }
0x37: {  	s10 =	simm.s32 $0x11;
	s25 =	sadd.s32 s7, s3;
	[smem:$0x7F9] =	sst s23  }
0x38: {  	s2 =	sadd.s32 $0xE800, s2;
	s7 =	smax.u32 s5, $0x1;
	[smem:$0x7FA] =	sst s24  }
0x39: {  	[smem:$0x7FC] =	sst s26;
	s17 =	simm.s32 $0x80;
	s20 =	simm.s32 $0x100  }
0x3a: {  	s21 =	simm.s32 $0x180;
	s22 =	simm.s32 $0x200;
	s1 =	simm.s32 $0x300  }
0x3b: {  	s26 =	simm.s32 $0x30;
	s11 =	simm.s32 $0x400;
	[smem:$0x7FD] =	sst s8  }
0x3c: {  	s5 =	simm.s32 $0x8;
	s14 =	simm.s32 $0xA;
	[dreg:$0x1f] =	wrdreg s25  }
0x3d: {  	s15 =	simm.s32 $0x2;
	s24 =	simm.s32 $0x300;
	[smem:$0x7E9] =	sst s2  }
0x3e: {  	[smem:$0x7EB] =	sst s7;
	s25 =	sadd.s32 $0x14300, s13;
	s7 =	simm.s32 $0x6400  }
0x3f: {  	v0 =	vimm.f32 $0.0e+00;
	v1 =	vimm.f32 $1.000000000e+00;
	s2 =	simm.s32 $0x0;
	[smem:$0x7FB] =	sst s25;
	s25 =	simm.s32 $0x5  }
.LBB2_1:
0x40: {  	[smem:$0x7E8] =	sst s2  }
0x41: {  	s19 =	rddreg [dreg:$0xe]  }
0x42: {  	[tilespmem:s4], [sflag:$0x5] =	stream.linear.gather [hbm4b:s19+s4], $0x30, $0x38;
	[tilespmem:$0x1F900] =	vst v63  }
0x43: {  	s16 =	rddreg [dreg:$0xf]  }
0x44: {  	[tilespmem:s17], [sflag:$0x6] =	stream.linear.gather [hbm4b:s16+s4], $0x30, $0x38;
	[tilespmem:$0x1F900] =	vst v63  }
0x45: {  	s18 =	rddreg [dreg:$0x10]  }
0x46: {  	[tilespmem:s20], [sflag:$0x7] =	stream.linear.gather [hbm4b:s18+s4], $0x30, $0x38;
	[tilespmem:$0x1F900] =	vst v63  }
0x47: {  	s20 =	rddreg [dreg:$0x11]  }
0x48: {  	[tilespmem:s21], [sflag:$0x8] =	stream.linear.gather [hbm4b:s20+s4], $0x30, $0x38;
	[tilespmem:$0x1F900] =	vst v63  }
0x49: {  	s21 =	rddreg [dreg:$0x12]  }
0x4a: {  	[tilespmem:s22], [sflag:$0x9] =	stream.linear.gather [hbm4b:s21+s4], $0x30, $0x38;
	[tilespmem:$0x1F900] =	vst v63  }
0x4b: {  	s23 =	rddreg [dreg:$0x13]  }
0x4c: {  	[tilespmem:s30], [sflag:$0xA] =	stream.linear.gather [hbm4b:s23+s4], $0x30, $0x38;
	[tilespmem:$0x1F900] =	vst v63  }
0x4d: {  	s19 =	simm.s32 $0x40;
	s20 =	simm.s32 $0x0;
	s30 =	rddreg [dreg:$0x14]  }
0x4e: {  	[tilespmem:s1], [sflag:$0xB] =	stream.linear.gather [hbm4b:s30+s4], $0x30, $0x38;
	[tilespmem:$0x1F900] =	vst v63  }
.LBB2_2:
0x4f: {  	p0 =	sne.s32 s19, $0x9FC0;
	[tilespmem:s20+$0x6400] =	vst v0;
	s20 =	smov.u32 s19;
	s19 =	sadd.s32 $0x40, s19  }
.Ltmp0:
0x50: {  	(pc) =	sbr.rel @p0 .LBB2_2-.Ltmp0, $2  }
0x51: {  	_ =	sdelay $0x2  }
0x52: {  	s20 =	sshra.s32 s20, $0x2  }
0x53: {  	s19 =	rddreg [dreg:$0x1f]  }
0x54: {  	[tilespmem:s20+$0x6400] =	vst v0;
	s20 =	rddreg [dreg:$0x1e];
	s1 =	sshrl.u32 s19, $0x3  }
0x55: {  	[smem:$0x7E7] =	sst s1  }
0x56: {  	[spmem:s1], [sflag:s8] =	dma.local [hbm:s20], $0x2800  }
0x57: {  	_ =	swait.ge [sflag:s10], $0x2800  }
0x58: {  	[sflag:s10] =	ssyncset.done $0x0  }
0x59: {  	[sflag:s10] =	ssyncadd.s32 $0xFFFFD800  }
0x5a: {  	[bflag:$0x0] =	sbarrier.arrive $0xFFFF  }
0x5b: {  	_ =	swait.ge [sflag:s25], $0x30  }
0x5c: {  	[sflag:s25] =	ssyncset.done $0x0  }
0x5d: {  	s19 =	simm.s32 $0x0;
	[sflag:s25] =	ssyncadd.s32 $0xFFFFFFD0  }
0x5e: {  	[tilespmem:s11], [sflag:$0x1] =	stream.indirect.gather [hbm4b:s0+s26], $0x80, s19, s26, $0xb8;
	[tilespmem:$0x1F900] =	vst v63  }
0x5f: {  	_ =	swait.ge [sflag:s28], $0x30  }
0x60: {  	[sflag:s28] =	ssyncset.done $0x0  }
0x61: {  	s1 =	simm.s32 $0x1C00;
	[sflag:s28] =	ssyncadd.s32 $0xFFFFFFD0  }
0x62: {  	[tilespmem:s1], [sflag:$0x2] =	stream.indirect.gather [hbm4b:s0+s26], $0x80, s17, s26, $0xb8;
	[tilespmem:$0x1F900] =	vst v63  }
0x63: {  	_ =	swait.ge [sflag:s31], $0x30  }
0x64: {  	s30 =	simm.s32 $0x100;
	[sflag:s31] =	ssyncset.done $0x0  }
0x65: {  	s9 =	simm.s32 $0x3400;
	s6 =	simm.s32 $0x9;
	[sflag:s31] =	ssyncadd.s32 $0xFFFFFFD0  }
0x66: {  	[tilespmem:s9], [sflag:$0x3] =	stream.indirect.gather [hbm4b:s0+s26], $0x80, s30, s26, $0xb8;
	[tilespmem:$0x1F900] =	vst v63  }
0x67: {  	_ =	swait.ge [sflag:s6], $0x30  }
0x68: {  	[sflag:s6] =	ssyncset.done $0x0  }
0x69: {  	s8 =	simm.s32 $0x1;
	[sflag:s6] =	ssyncadd.s32 $0xFFFFFFD0  }
0x6a: {  	_ =	swait.ge [sflag:s8], $0x1800  }
0x6b: {  	[sflag:s8] =	ssyncset.done $0x0  }
0x6c: {  	s10 =	simm.s32 $0x400;
	[sflag:s8] =	ssyncadd.s32 $0xFFFFE800  }
0x6d: {  	[spmem:s3] =	stream.indirect.scatter.add.f32 [tilespmem:s10], [sflag:$0xD], $0x80, s22, s26, $0xb8;
	[tilespmem:$0x1F900] =	vst v63  }
0x6e: {  	v2 =	vld [tilespmem:$0x200];
	_ =	sdelay $0x7  }
0x6f: {  	[tilespmem:v2+s7+$0x0] =	vst.idx.add.f32.msk $0xffff, v1  }
0x70: {  	v2 =	vld [tilespmem:$0x210];
	_ =	sdelay $0x7  }
0x71: {  	[tilespmem:v2+s7+$0x0] =	vst.idx.add.f32.msk $0xffff, v1  }
0x72: {  	v2 =	vld [tilespmem:$0x220];
	_ =	sdelay $0x7  }
0x73: {  	s21 =	rddreg [dreg:$0x17];
	[tilespmem:v2+s7+$0x0] =	vst.idx.add.f32.msk $0xffff, v1  }
0x74: {  	[tilespmem:s19], [sflag:$0x5] =	stream.linear.gather [hbm4b:s21+s19], $0x30, $0x38;
	[tilespmem:$0x1F900] =	vst v63  }
0x75: {  	_ =	swait.ge [sflag:s5], $0x30  }
0x76: {  	[sflag:s5] =	ssyncset.done $0x0  }
0x77: {  	s17 =	simm.s32 $0x4C00;
	s21 =	simm.s32 $0x180;
	[sflag:s5] =	ssyncadd.s32 $0xFFFFFFD0  }
0x78: {  	[tilespmem:s17], [sflag:$0x4] =	stream.indirect.gather [hbm4b:s0+s26], $0x80, s21, s26, $0xb8;
	[tilespmem:$0x1F900] =	vst v63  }
0x79: {  	s11 =	simm.s32 $0x380;
	s22 =	rddreg [dreg:$0x18]  }
0x7a: {  	[tilespmem:s11], [sflag:$0xC] =	stream.linear.gather [hbm4b:s22+s19], $0x30, $0x38;
	[tilespmem:$0x1F900] =	vst v63  }
0x7b: {  	_ =	swait.ge [sflag:s14], $0x30  }
0x7c: {  	[sflag:s14] =	ssyncset.done $0x0  }
0x7d: {  	[sflag:s14] =	ssyncadd.s32 $0xFFFFFFD0  }
0x7e: {  	_ =	swait.ge [sflag:s15], $0x1800  }
0x7f: {  	[sflag:s15] =	ssyncset.done $0x0  }
0x80: {  	s18 =	simm.s32 $0x280;
	[sflag:s15] =	ssyncadd.s32 $0xFFFFE800  }
0x81: {  	[spmem:s3] =	stream.indirect.scatter.add.f32 [tilespmem:s1], [sflag:$0xE], $0x80, s18, s26, $0xb8;
	[tilespmem:$0x1F900] =	vst v63  }
0x82: {  	v2 =	vld [tilespmem:$0x280];
	_ =	sdelay $0x7  }
0x83: {  	[tilespmem:v2+s7+$0x0] =	vst.idx.add.f32.msk $0xffff, v1  }
0x84: {  	v2 =	vld [tilespmem:$0x290];
	_ =	sdelay $0x7  }
0x85: {  	[tilespmem:v2+s7+$0x0] =	vst.idx.add.f32.msk $0xffff, v1  }
0x86: {  	v2 =	vld [tilespmem:$0x2A0];
	_ =	sdelay $0x7  }
0x87: {  	s12 =	simm.s32 $0x80;
	s13 =	simm.s32 $0xD;
	s25 =	rddreg [dreg:$0x1a];
	[tilespmem:v2+s7+$0x0] =	vst.idx.add.f32.msk $0xffff, v1  }
0x88: {  	[tilespmem:s12], [sflag:$0x6] =	stream.linear.gather [hbm4b:s25+s19], $0x30, $0x38;
	[tilespmem:$0x1F900] =	vst v63  }
0x89: {  	_ =	swait.ge [sflag:s13], $0x1800  }
0x8a: {  	[sflag:s13] =	ssyncset.done $0x0  }
0x8b: {  	s23 =	simm.s32 $0x5;
	[sflag:s13] =	ssyncadd.s32 $0xFFFFE800  }
0x8c: {  	_ =	swait.ge [sflag:s23], $0x30  }
0x8d: {  	[sflag:s23] =	ssyncset.done $0x0  }
0x8e: {  	[sflag:s23] =	ssyncadd.s32 $0xFFFFFFD0  }
0x8f: {  	[tilespmem:s10], [sflag:$0x1] =	stream.indirect.gather [hbm4b:s0+s26], $0x80, s19, s26, $0xb8;
	[tilespmem:$0x1F900] =	vst v63  }
0x90: {  	s16 =	simm.s32 $0x200;
	s13 =	rddreg [dreg:$0x19]  }
0x91: {  	[tilespmem:s16], [sflag:$0x9] =	stream.linear.gather [hbm4b:s13+s19], $0x30, $0x38;
	[tilespmem:$0x1F900] =	vst v63  }
0x92: {  	s13 =	simm.s32 $0xB  }
0x93: {  	_ =	swait.ge [sflag:s13], $0x30  }
0x94: {  	[sflag:s13] =	ssyncset.done $0x0  }
0x95: {  	s23 =	simm.s32 $0x3;
	[sflag:s13] =	ssyncadd.s32 $0xFFFFFFD0  }
0x96: {  	_ =	swait.ge [sflag:s23], $0x1800  }
0x97: {  	[sflag:s23] =	ssyncset.done $0x0  }
0x98: {  	s10 =	simm.s32 $0x300;
	[sflag:s23] =	ssyncadd.s32 $0xFFFFE800  }
0x99: {  	[spmem:s3] =	stream.indirect.scatter.add.f32 [tilespmem:s9], [sflag:$0xF], $0x80, s10, s26, $0xb8;
	[tilespmem:$0x1F900] =	vst v63  }
0x9a: {  	v2 =	vld [tilespmem:$0x300];
	_ =	sdelay $0x7  }
0x9b: {  	[tilespmem:v2+s7+$0x0] =	vst.idx.add.f32.msk $0xffff, v1  }
0x9c: {  	v2 =	vld [tilespmem:$0x310];
	_ =	sdelay $0x7  }
0x9d: {  	[tilespmem:v2+s7+$0x0] =	vst.idx.add.f32.msk $0xffff, v1  }
0x9e: {  	v2 =	vld [tilespmem:$0x320];
	_ =	sdelay $0x7  }
0x9f: {  	s20 =	simm.s32 $0xE;
	s16 =	rddreg [dreg:$0x1d];
	[tilespmem:v2+s7+$0x0] =	vst.idx.add.f32.msk $0xffff, v1  }
0xa0: {  	[tilespmem:s30], [sflag:$0x7] =	stream.linear.gather [hbm4b:s16+s19], $0x30, $0x38;
	[tilespmem:$0x1F900] =	vst v63  }
0xa1: {  	_ =	swait.ge [sflag:s20], $0x1800  }
0xa2: {  	[sflag:s20] =	ssyncset.done $0x0  }
0xa3: {  	s31 =	simm.s32 $0x6;
	[sflag:s20] =	ssyncadd.s32 $0xFFFFE800  }
0xa4: {  	_ =	swait.ge [sflag:s31], $0x30  }
0xa5: {  	[sflag:s31] =	ssyncset.done $0x0  }
0xa6: {  	[sflag:s31] =	ssyncadd.s32 $0xFFFFFFD0  }
0xa7: {  	[tilespmem:s1], [sflag:$0x2] =	stream.indirect.gather [hbm4b:s0+s26], $0x80, s12, s26, $0xb8;
	[tilespmem:$0x1F900] =	vst v63  }
0xa8: {  	s22 =	rddreg [dreg:$0x1b]  }
0xa9: {  	[tilespmem:s18], [sflag:$0xA] =	stream.linear.gather [hbm4b:s22+s19], $0x30, $0x38;
	[tilespmem:$0x1F900] =	vst v63  }
0xaa: {  	s18 =	simm.s32 $0xC  }
0xab: {  	_ =	swait.ge [sflag:s18], $0x30  }
0xac: {  	[sflag:s18] =	ssyncset.done $0x0  }
0xad: {  	s28 =	simm.s32 $0x4;
	[sflag:s18] =	ssyncadd.s32 $0xFFFFFFD0  }
0xae: {  	_ =	swait.ge [sflag:s28], $0x1800  }
0xaf: {  	[sflag:s28] =	ssyncset.done $0x0  }
0xb0: {  	[sflag:s28] =	ssyncadd.s32 $0xFFFFE800  }
0xb1: {  	[spmem:s3] =	stream.indirect.scatter.add.f32 [tilespmem:s17], [sflag:$0x10], $0x80, s11, s26, $0xb8;
	[tilespmem:$0x1F900] =	vst v63  }
0xb2: {  	v2 =	vld [tilespmem:$0x380];
	_ =	sdelay $0x7  }
0xb3: {  	[tilespmem:v2+s7+$0x0] =	vst.idx.add.f32.msk $0xffff, v1  }
0xb4: {  	v2 =	vld [tilespmem:$0x390];
	_ =	sdelay $0x7  }
0xb5: {  	[tilespmem:v2+s7+$0x0] =	vst.idx.add.f32.msk $0xffff, v1  }
0xb6: {  	v2 =	vld [tilespmem:$0x3A0];
	_ =	sdelay $0x5  }
0xb7: {  	s25 =	sld [smem:$0x7EC];
	_ =	sdelay $0x1  }
0xb8: {  	[tilespmem:v2+s7+$0x0] =	vst.idx.add.f32.msk $0xffff, v1  }
0xb9: {  	[tilespmem:s21], [sflag:$0x8] =	stream.linear.gather [hbm4b:s25+s19], $0x30, $0x38;
	[tilespmem:$0x1F900] =	vst v63  }
0xba: {  	s25 =	simm.s32 $0xF  }
0xbb: {  	_ =	swait.ge [sflag:s25], $0x1800  }
0xbc: {  	[sflag:s25] =	ssyncset.done $0x0  }
0xbd: {  	s2 =	simm.s32 $0x7;
	[sflag:s25] =	ssyncadd.s32 $0xFFFFE800  }
0xbe: {  	_ =	swait.ge [sflag:s2], $0x30  }
0xbf: {  	[sflag:s2] =	ssyncset.done $0x0  }
0xc0: {  	[sflag:s2] =	ssyncadd.s32 $0xFFFFFFD0  }
0xc1: {  	[tilespmem:s9], [sflag:$0x3] =	stream.indirect.gather [hbm4b:s0+s26], $0x80, s30, s26, $0xb8;
	[tilespmem:$0x1F900] =	vst v63  }
0xc2: {  	s17 =	simm.s32 $0x10;
	s30 =	rddreg [dreg:$0x1c]  }
0xc3: {  	[tilespmem:s10], [sflag:$0xB] =	stream.linear.gather [hbm4b:s30+s19], $0x30, $0x38;
	[tilespmem:$0x1F900] =	vst v63  }
.LBB2_4:
0xc4: {  	_ =	swait.ge [sflag:s6], $0x30  }
0xc5: {  	[sflag:s6] =	ssyncset.done $0x0  }
0xc6: {  	[sflag:s6] =	ssyncadd.s32 $0xFFFFFFD0  }
0xc7: {  	_ =	swait.ge [sflag:s8], $0x1800  }
0xc8: {  	[sflag:s8] =	ssyncset.done $0x0  }
0xc9: {  	s12 =	simm.s32 $0x400;
	s22 =	simm.s32 $0x200;
	[sflag:s8] =	ssyncadd.s32 $0xFFFFE800  }
0xca: {  	[spmem:s3] =	stream.indirect.scatter.add.f32 [tilespmem:s12], [sflag:$0xD], $0x80, s22, s26, $0xb8;
	[tilespmem:$0x1F900] =	vst v63  }
0xcb: {  	v2 =	vld [tilespmem:$0x200];
	_ =	sdelay $0x7  }
0xcc: {  	[tilespmem:v2+s7+$0x0] =	vst.idx.add.f32.msk $0xffff, v1  }
0xcd: {  	v2 =	vld [tilespmem:$0x210];
	_ =	sdelay $0x7  }
0xce: {  	[tilespmem:v2+s7+$0x0] =	vst.idx.add.f32.msk $0xffff, v1  }
0xcf: {  	v2 =	vld [tilespmem:$0x220];
	_ =	sdelay $0x6  }
0xd0: {  	s20 =	rddreg [dreg:$0xd]  }
0xd1: {  	s20 =	sadd.s32 s19, s20;
	[tilespmem:v2+s7+$0x0] =	vst.idx.add.f32.msk $0xffff, v1  }
0xd2: {  	[tilespmem:s4], [sflag:$0x5] =	stream.linear.gather [hbm4b:s20+s4], $0x30, $0x38;
	[tilespmem:$0x1F900] =	vst v63  }
0xd3: {  	_ =	swait.ge [sflag:s17], $0x1800  }
0xd4: {  	[sflag:s17] =	ssyncset.done $0x0  }
0xd5: {  	[sflag:s17] =	ssyncadd.s32 $0xFFFFE800  }
0xd6: {  	_ =	swait.ge [sflag:s5], $0x30  }
0xd7: {  	s11 =	simm.s32 $0x4C00;
	[sflag:s5] =	ssyncset.done $0x0  }
0xd8: {  	s30 =	simm.s32 $0x180;
	s4 =	rddreg [dreg:$0xb];
	[sflag:s5] =	ssyncadd.s32 $0xFFFFFFD0  }
0xd9: {  	[tilespmem:s11], [sflag:$0x4] =	stream.indirect.gather [hbm4b:s0+s26], $0x80, s30, s26, $0xb8;
	[tilespmem:$0x1F900] =	vst v63  }
0xda: {  	s20 =	sadd.s32 s19, s4;
	s4 =	simm.s32 $0x380;
	s26 =	simm.s32 $0x0  }
0xdb: {  	[tilespmem:s4], [sflag:$0xC] =	stream.linear.gather [hbm4b:s20+s26], $0x30, $0x38;
	[tilespmem:$0x1F900] =	vst v63  }
0xdc: {  	_ =	swait.ge [sflag:s14], $0x30  }
0xdd: {  	[sflag:s14] =	ssyncset.done $0x0  }
0xde: {  	[sflag:s14] =	ssyncadd.s32 $0xFFFFFFD0  }
0xdf: {  	_ =	swait.ge [sflag:s15], $0x1800  }
0xe0: {  	s1 =	simm.s32 $0x30;
	[sflag:s15] =	ssyncset.done $0x0  }
0xe1: {  	s21 =	simm.s32 $0x1C00;
	s10 =	simm.s32 $0x280;
	[sflag:s15] =	ssyncadd.s32 $0xFFFFE800  }
0xe2: {  	[spmem:s3] =	stream.indirect.scatter.add.f32 [tilespmem:s21], [sflag:$0xE], $0x80, s10, s1, $0xb8;
	[tilespmem:$0x1F900] =	vst v63  }
0xe3: {  	v2 =	vld [tilespmem:$0x280];
	_ =	sdelay $0x7  }
0xe4: {  	[tilespmem:v2+s7+$0x0] =	vst.idx.add.f32.msk $0xffff, v1  }
0xe5: {  	v2 =	vld [tilespmem:$0x290];
	_ =	sdelay $0x7  }
0xe6: {  	[tilespmem:v2+s7+$0x0] =	vst.idx.add.f32.msk $0xffff, v1  }
0xe7: {  	v2 =	vld [tilespmem:$0x2A0];
	_ =	sdelay $0x6  }
0xe8: {  	s9 =	rddreg [dreg:$0xa]  }
0xe9: {  	s16 =	simm.s32 $0xD;
	s20 =	sadd.s32 s19, s9;
	s9 =	simm.s32 $0x80;
	[tilespmem:v2+s7+$0x0] =	vst.idx.add.f32.msk $0xffff, v1  }
0xea: {  	[tilespmem:s9], [sflag:$0x6] =	stream.linear.gather [hbm4b:s20+s26], $0x30, $0x38;
	[tilespmem:$0x1F900] =	vst v63  }
0xeb: {  	_ =	swait.ge [sflag:s16], $0x1800  }
0xec: {  	[sflag:s16] =	ssyncset.done $0x0  }
0xed: {  	[sflag:s16] =	ssyncadd.s32 $0xFFFFE800;
	s16 =	simm.s32 $0x5  }
0xee: {  	_ =	swait.ge [sflag:s16], $0x30  }
0xef: {  	[sflag:s16] =	ssyncset.done $0x0  }
0xf0: {  	s20 =	rddreg [dreg:$0xc];
	[sflag:s16] =	ssyncadd.s32 $0xFFFFFFD0  }
0xf1: {  	[tilespmem:s12], [sflag:$0x1] =	stream.indirect.gather [hbm4b:s0+s1], $0x80, s26, s1, $0xb8;
	[tilespmem:$0x1F900] =	vst v63  }
0xf2: {  	s20 =	sadd.s32 s19, s20  }
0xf3: {  	[tilespmem:s22], [sflag:$0x9] =	stream.linear.gather [hbm4b:s20+s26], $0x30, $0x38;
	[tilespmem:$0x1F900] =	vst v63  }
0xf4: {  	_ =	swait.ge [sflag:s13], $0x30  }
0xf5: {  	[sflag:s13] =	ssyncset.done $0x0  }
0xf6: {  	[sflag:s13] =	ssyncadd.s32 $0xFFFFFFD0  }
0xf7: {  	_ =	swait.ge [sflag:s23], $0x1800  }
0xf8: {  	[sflag:s23] =	ssyncset.done $0x0  }
0xf9: {  	s12 =	simm.s32 $0x3400;
	[sflag:s23] =	ssyncadd.s32 $0xFFFFE800  }
0xfa: {  	[spmem:s3] =	stream.indirect.scatter.add.f32 [tilespmem:s12], [sflag:$0xF], $0x80, s24, s1, $0xb8;
	[tilespmem:$0x1F900] =	vst v63  }
0xfb: {  	v2 =	vld [tilespmem:$0x300];
	_ =	sdelay $0x7  }
0xfc: {  	[tilespmem:v2+s7+$0x0] =	vst.idx.add.f32.msk $0xffff, v1  }
0xfd: {  	v2 =	vld [tilespmem:$0x310];
	_ =	sdelay $0x7  }
0xfe: {  	[tilespmem:v2+s7+$0x0] =	vst.idx.add.f32.msk $0xffff, v1  }
0xff: {  	v2 =	vld [tilespmem:$0x320];
	_ =	sdelay $0x6  }
0x100: {  	s16 =	rddreg [dreg:$0x8]  }
0x101: {  	s22 =	simm.s32 $0xE;
	s20 =	sadd.s32 s19, s16;
	s16 =	simm.s32 $0x100;
	[tilespmem:v2+s7+$0x0] =	vst.idx.add.f32.msk $0xffff, v1  }
0x102: {  	[tilespmem:s16], [sflag:$0x7] =	stream.linear.gather [hbm4b:s20+s26], $0x30, $0x38;
	[tilespmem:$0x1F900] =	vst v63  }
0x103: {  	_ =	swait.ge [sflag:s22], $0x1800  }
0x104: {  	[sflag:s22] =	ssyncset.done $0x0  }
0x105: {  	[sflag:s22] =	ssyncadd.s32 $0xFFFFE800  }
0x106: {  	_ =	swait.ge [sflag:s31], $0x30  }
0x107: {  	[sflag:s31] =	ssyncset.done $0x0  }
0x108: {  	s20 =	rddreg [dreg:$0x9];
	[sflag:s31] =	ssyncadd.s32 $0xFFFFFFD0  }
0x109: {  	[tilespmem:s21], [sflag:$0x2] =	stream.indirect.gather [hbm4b:s0+s1], $0x80, s9, s1, $0xb8;
	[tilespmem:$0x1F900] =	vst v63  }
0x10a: {  	s20 =	sadd.s32 s19, s20  }
0x10b: {  	[tilespmem:s10], [sflag:$0xA] =	stream.linear.gather [hbm4b:s20+s26], $0x30, $0x38;
	[tilespmem:$0x1F900] =	vst v63  }
0x10c: {  	_ =	swait.ge [sflag:s18], $0x30  }
0x10d: {  	[sflag:s18] =	ssyncset.done $0x0  }
0x10e: {  	[sflag:s18] =	ssyncadd.s32 $0xFFFFFFD0  }
0x10f: {  	_ =	swait.ge [sflag:s28], $0x1800  }
0x110: {  	[sflag:s28] =	ssyncset.done $0x0  }
0x111: {  	s26 =	simm.s32 $0x30;
	[sflag:s28] =	ssyncadd.s32 $0xFFFFE800  }
0x112: {  	[spmem:s3] =	stream.indirect.scatter.add.f32 [tilespmem:s11], [sflag:$0x10], $0x80, s4, s26, $0xb8;
	[tilespmem:$0x1F900] =	vst v63  }
0x113: {  	v2 =	vld [tilespmem:$0x380];
	_ =	sdelay $0x7  }
0x114: {  	[tilespmem:v2+s7+$0x0] =	vst.idx.add.f32.msk $0xffff, v1  }
0x115: {  	v2 =	vld [tilespmem:$0x390];
	_ =	sdelay $0x7  }
0x116: {  	[tilespmem:v2+s7+$0x0] =	vst.idx.add.f32.msk $0xffff, v1  }
0x117: {  	v2 =	vld [tilespmem:$0x3A0];
	_ =	sdelay $0x6  }
0x118: {  	s21 =	rddreg [dreg:$0x6]  }
0x119: {  	s20 =	sadd.s32 s19, s21;
	s4 =	simm.s32 $0x0;
	[tilespmem:v2+s7+$0x0] =	vst.idx.add.f32.msk $0xffff, v1  }
0x11a: {  	[tilespmem:s30], [sflag:$0x8] =	stream.linear.gather [hbm4b:s20+s4], $0x30, $0x38;
	[tilespmem:$0x1F900] =	vst v63  }
0x11b: {  	_ =	swait.ge [sflag:s25], $0x1800  }
0x11c: {  	[sflag:s25] =	ssyncset.done $0x0  }
0x11d: {  	p0 =	sne.s32 s19, $0x4B0;
	[sflag:s25] =	ssyncadd.s32 $0xFFFFE800  }
0x11e: {  	s22 =	simm.s32 $0x1C00;
	s1 =	simm.s32 $0x280;
	_ =	swait.ge [sflag:s2], $0x30  }
.Ltmp1:
0x11f: {  	s9 =	simm.s32 $0x3400;
	[sflag:s2] =	ssyncset.done $0x0;
	(pc) =	sbr.rel @p0 .LBB2_4-.Ltmp1, $4  }
0x120: {  	s10 =	simm.s32 $0x180;
	s30 =	rddreg [dreg:$0x7];
	[sflag:s2] =	ssyncadd.s32 $0xFFFFFFD0  }
0x121: {  	[tilespmem:s12], [sflag:$0x3] =	stream.indirect.gather [hbm4b:s0+s26], $0x80, s16, s26, $0xb8;
	[tilespmem:$0x1F900] =	vst v63  }
0x122: {  	s11 =	simm.s32 $0x300;
	s20 =	sadd.s32 s19, s30;
	s19 =	sadd.s32 $0x18, s19  }
0x123: {  	[tilespmem:s24], [sflag:$0xB] =	stream.linear.gather [hbm4b:s20+s4], $0x30, $0x38;
	[tilespmem:$0x1F900] =	vst v63  }
0x124: {  	_ =	swait.ge [sflag:s6], $0x30  }
0x125: {  	[sflag:s6] =	ssyncset.done $0x0  }
0x126: {  	[sflag:s6] =	ssyncadd.s32 $0xFFFFFFD0  }
0x127: {  	_ =	swait.ge [sflag:s8], $0x1800  }
0x128: {  	[sflag:s8] =	ssyncset.done $0x0  }
0x129: {  	s16 =	simm.s32 $0x400;
	[sflag:s8] =	ssyncadd.s32 $0xFFFFE800  }
0x12a: {  	[spmem:s3] =	stream.indirect.scatter.add.f32 [tilespmem:s16], [sflag:$0xD], $0x80, s29, s26, $0xb8;
	[tilespmem:$0x1F900] =	vst v63  }
0x12b: {  	v2 =	vld [tilespmem:$0x200];
	_ =	sdelay $0x7  }
0x12c: {  	[tilespmem:v2+s7+$0x0] =	vst.idx.add.f32.msk $0xffff, v1  }
0x12d: {  	v2 =	vld [tilespmem:$0x210];
	_ =	sdelay $0x7  }
0x12e: {  	[tilespmem:v2+s7+$0x0] =	vst.idx.add.f32.msk $0xffff, v1  }
0x12f: {  	v2 =	vld [tilespmem:$0x220];
	_ =	sdelay $0x7  }
0x130: {  	[tilespmem:v2+s7+$0x0] =	vst.idx.add.f32.msk $0xffff, v1  }
0x131: {  	_ =	swait.ge [sflag:s17], $0x1800  }
0x132: {  	[sflag:s17] =	ssyncset.done $0x0  }
0x133: {  	[sflag:s17] =	ssyncadd.s32 $0xFFFFE800  }
0x134: {  	_ =	swait.ge [sflag:s5], $0x30  }
0x135: {  	[sflag:s5] =	ssyncset.done $0x0  }
0x136: {  	s2 =	simm.s32 $0x4C00;
	s20 =	sld [smem:$0x7ED];
	[sflag:s5] =	ssyncadd.s32 $0xFFFFFFD0  }
0x137: {  	[tilespmem:s2], [sflag:$0x4] =	stream.indirect.gather [hbm4b:s0+s26], $0x80, s10, s26, $0xb8;
	[tilespmem:$0x1F900] =	vst v63  }
0x138: {  	s19 =	simm.s32 $0x0;
	s4 =	simm.s32 $0x380  }
0x139: {  	[tilespmem:s4], [sflag:$0xC] =	stream.linear.gather [hbm4b:s20+s19], $0x30, $0x38;
	[tilespmem:$0x1F900] =	vst v63  }
0x13a: {  	_ =	swait.ge [sflag:s14], $0x30  }
0x13b: {  	[sflag:s14] =	ssyncset.done $0x0  }
0x13c: {  	[sflag:s14] =	ssyncadd.s32 $0xFFFFFFD0  }
0x13d: {  	_ =	swait.ge [sflag:s15], $0x1800  }
0x13e: {  	[sflag:s15] =	ssyncset.done $0x0  }
0x13f: {  	[sflag:s15] =	ssyncadd.s32 $0xFFFFE800  }
0x140: {  	[spmem:s3] =	stream.indirect.scatter.add.f32 [tilespmem:s22], [sflag:$0xE], $0x80, s1, s26, $0xb8;
	[tilespmem:$0x1F900] =	vst v63  }
0x141: {  	v2 =	vld [tilespmem:$0x280];
	_ =	sdelay $0x7  }
0x142: {  	[tilespmem:v2+s7+$0x0] =	vst.idx.add.f32.msk $0xffff, v1  }
0x143: {  	v2 =	vld [tilespmem:$0x290];
	_ =	sdelay $0x7  }
0x144: {  	[tilespmem:v2+s7+$0x0] =	vst.idx.add.f32.msk $0xffff, v1  }
0x145: {  	v2 =	vld [tilespmem:$0x2A0];
	_ =	sdelay $0x7  }
0x146: {  	[tilespmem:v2+s7+$0x0] =	vst.idx.add.f32.msk $0xffff, v1  }
0x147: {  	_ =	swait.ge [sflag:s13], $0x30  }
0x148: {  	[sflag:s13] =	ssyncset.done $0x0  }
0x149: {  	[sflag:s13] =	ssyncadd.s32 $0xFFFFFFD0  }
0x14a: {  	_ =	swait.ge [sflag:s23], $0x1800  }
0x14b: {  	[sflag:s23] =	ssyncset.done $0x0  }
0x14c: {  	[sflag:s23] =	ssyncadd.s32 $0xFFFFE800  }
0x14d: {  	[spmem:s3] =	stream.indirect.scatter.add.f32 [tilespmem:s9], [sflag:$0xF], $0x80, s11, s26, $0xb8;
	[tilespmem:$0x1F900] =	vst v63  }
0x14e: {  	v2 =	vld [tilespmem:$0x300];
	_ =	sdelay $0x7  }
0x14f: {  	[tilespmem:v2+s7+$0x0] =	vst.idx.add.f32.msk $0xffff, v1  }
0x150: {  	v2 =	vld [tilespmem:$0x310];
	_ =	sdelay $0x7  }
0x151: {  	[tilespmem:v2+s7+$0x0] =	vst.idx.add.f32.msk $0xffff, v1  }
0x152: {  	v2 =	vld [tilespmem:$0x320];
	_ =	sdelay $0x7  }
0x153: {  	[tilespmem:v2+s7+$0x0] =	vst.idx.add.f32.msk $0xffff, v1  }
0x154: {  	_ =	swait.ge [sflag:s18], $0x30  }
0x155: {  	[sflag:s18] =	ssyncset.done $0x0  }
0x156: {  	[sflag:s18] =	ssyncadd.s32 $0xFFFFFFD0  }
0x157: {  	_ =	swait.ge [sflag:s28], $0x1800  }
0x158: {  	[sflag:s28] =	ssyncset.done $0x0  }
0x159: {  	[sflag:s28] =	ssyncadd.s32 $0xFFFFE800  }
0x15a: {  	[spmem:s3] =	stream.indirect.scatter.add.f32 [tilespmem:s2], [sflag:$0x10], $0x80, s4, s26, $0xb8;
	[tilespmem:$0x1F900] =	vst v63  }
0x15b: {  	v2 =	vld [tilespmem:$0x380];
	_ =	sdelay $0x7  }
0x15c: {  	[tilespmem:v2+s7+$0x0] =	vst.idx.add.f32.msk $0xffff, v1  }
0x15d: {  	v2 =	vld [tilespmem:$0x390];
	_ =	sdelay $0x7  }
0x15e: {  	[tilespmem:v2+s7+$0x0] =	vst.idx.add.f32.msk $0xffff, v1  }
0x15f: {  	v2 =	vld [tilespmem:$0x3A0];
	_ =	sdelay $0x7  }
0x160: {  	s19 =	simm.s32 $0xD;
	[tilespmem:v2+s7+$0x0] =	vst.idx.add.f32.msk $0xffff, v1  }
0x161: {  	_ =	swait.ge [sflag:s19], $0x1800  }
0x162: {  	[sflag:s19] =	ssyncset.done $0x0  }
0x163: {  	s20 =	simm.s32 $0xE;
	[sflag:s19] =	ssyncadd.s32 $0xFFFFE800  }
0x164: {  	_ =	swait.ge [sflag:s20], $0x1800  }
0x165: {  	[sflag:s20] =	ssyncset.done $0x0  }
0x166: {  	[sflag:s20] =	ssyncadd.s32 $0xFFFFE800  }
0x167: {  	_ =	swait.ge [sflag:s25], $0x1800  }
0x168: {  	[sflag:s25] =	ssyncset.done $0x0  }
0x169: {  	[sflag:s25] =	ssyncadd.s32 $0xFFFFE800  }
0x16a: {  	_ =	swait.ge [sflag:s17], $0x1800  }
0x16b: {  	[sflag:s17] =	ssyncset.done $0x0  }
0x16c: {  	[sflag:s17] =	ssyncadd.s32 $0xFFFFE800  }
0x16d: {  	[bflag:$0x0] =	sbarrier.arrive $0xFFFF  }
0x16e: {  	[bflag:$0x0] =	sbarrier.arrive $0xFFFF  }
0x16f: {  	s21 =	sld [smem:$0x7FD]  }
0x170: {  	s22 =	sld [smem:$0x7E9]  }
0x171: {  	s23 =	sld [smem:$0x7E7];
	_ =	sdelay $0x1  }
0x172: {  	s10 =	simm.s32 $0x11  }
0x173: {  	[hbm:s22], [sflag:s21] =	dma.local [spmem:s23], $0x2800  }
0x174: {  	_ =	swait.ge [sflag:s10], $0x2800  }
0x175: {  	[sflag:s10] =	ssyncset.done $0x0  }
0x176: {  	s28 =	simm.s32 $0x80;
	s25 =	rddreg [dreg:$0x15];
	[sflag:s10] =	ssyncadd.s32 $0xFFFFD800  }
0x177: {  	[spmem:s25] =	stream.strided.scatter [tilespmem:s7], [sflag:$0x11], $0x2800, s16, s28, $0x38;
	[tilespmem:$0x1F900] =	vst v63  }
0x178: {  	_ =	swait.ge [sflag:s10], $0x2800  }
0x179: {  	[sflag:s10] =	ssyncset.done $0x0  }
0x17a: {  	[sflag:s10] =	ssyncadd.s32 $0xFFFFD800  }
0x17b: {  	[bflag:$0x0] =	sbarrier.arrive $0xFFFF  }
0x17c: {  	[tilespmem:$0x8C00] =	vst v0  }
0x17d: {  	[tilespmem:$0x8C10] =	vst v0  }
0x17e: {  	[tilespmem:$0x8C20] =	vst v0  }
0x17f: {  	[tilespmem:$0x8C30] =	vst v0  }
0x180: {  	[tilespmem:$0x8C40] =	vst v0  }
0x181: {  	[tilespmem:$0x8C50] =	vst v0  }
0x182: {  	[tilespmem:$0x8C60] =	vst v0  }
0x183: {  	[tilespmem:$0x8C70] =	vst v0  }
0x184: {  	[tilespmem:$0x8C80] =	vst v0  }
0x185: {  	[tilespmem:$0x8C90] =	vst v0  }
0x186: {  	[tilespmem:$0x8CA0] =	vst v0  }
0x187: {  	[tilespmem:$0x8CB0] =	vst v0  }
0x188: {  	[tilespmem:$0x8CC0] =	vst v0  }
0x189: {  	[tilespmem:$0x8CD0] =	vst v0  }
0x18a: {  	[tilespmem:$0x8CE0] =	vst v0  }
0x18b: {  	[tilespmem:$0x8CF0] =	vst v0  }
0x18c: {  	[tilespmem:$0x8D00] =	vst v0  }
0x18d: {  	[tilespmem:$0x8D10] =	vst v0  }
0x18e: {  	[tilespmem:$0x8D20] =	vst v0  }
0x18f: {  	[tilespmem:$0x8D30] =	vst v0  }
0x190: {  	[tilespmem:$0x8D40] =	vst v0  }
0x191: {  	[tilespmem:$0x8D50] =	vst v0  }
0x192: {  	[tilespmem:$0x8D60] =	vst v0  }
0x193: {  	[tilespmem:$0x8D70] =	vst v0  }
0x194: {  	[tilespmem:$0x8D80] =	vst v0  }
0x195: {  	[tilespmem:$0x8D90] =	vst v0  }
0x196: {  	[tilespmem:$0x8DA0] =	vst v0  }
0x197: {  	[tilespmem:$0x8DB0] =	vst v0  }
0x198: {  	[tilespmem:$0x8DC0] =	vst v0  }
0x199: {  	[tilespmem:$0x8DD0] =	vst v0  }
0x19a: {  	[tilespmem:$0x8DE0] =	vst v0  }
0x19b: {  	[tilespmem:$0x8DF0] =	vst v0  }
0x19c: {  	[tilespmem:$0x8E00] =	vst v0  }
0x19d: {  	[tilespmem:$0x8E10] =	vst v0  }
0x19e: {  	[tilespmem:$0x8E20] =	vst v0  }
0x19f: {  	[tilespmem:$0x8E30] =	vst v0  }
0x1a0: {  	[tilespmem:$0x8E40] =	vst v0  }
0x1a1: {  	[tilespmem:$0x8E50] =	vst v0  }
0x1a2: {  	[tilespmem:$0x8E60] =	vst v0  }
0x1a3: {  	s2 =	simm.s32 $0x8E80;
	[tilespmem:$0x8E70] =	vst v0;
	s31 =	rddreg [dreg:$0x16]  }
0x1a4: {  	[tilespmem:s2], [sflag:$0x11] =	stream.strided.gather [spmem:s31], $0x280, s16, s28, $0x38;
	[tilespmem:$0x1F900] =	vst v63  }
0x1a5: {  	_ =	swait.ge [sflag:s10], $0x280  }
0x1a6: {  	s30 =	simm.s32 $0x280;
	[sflag:s10] =	ssyncset.done $0x0  }
0x1a7: {  	s1 =	simm.s32 $0x300;
	s19 =	simm.s32 $0x0;
	[sflag:s10] =	ssyncadd.s32 $0xFFFFFD80  }
0x1a8: {  	s11 =	simm.s32 $0x400;
	s20 =	simm.s32 $0x40;
	s17 =	simm.s32 $0x80;
	v2 =	vld [tilespmem:s19+$0x8E80]  }
.LBB2_6:
0x1a9: {  	p0 =	sne.s32 s20, $0x9C0;
	v3 =	vld [tilespmem:s19+$0x8C00];
	_ =	sdelay $0x2  }
.Ltmp2:
0x1aa: {  	(pc) =	sbr.rel @p0 .LBB2_6-.Ltmp2, $4  }
0x1ab: {  	_ = 	snop  }
0x1ac: {  	v3 =	vadd.f32 v2, v3  }
0x1ad: {  	s21 =	sshra.s32 s20, $0x2  }
0x1ae: {  	s20 =	sadd.s32 $0x40, s20;
	v2 =	vld [tilespmem:s21+$0x8E80];
	[tilespmem:s19+$0x8C00] =	vst v3;
	s19 =	smov.u32 s21  }
0x1af: {  	v3 =	vld [tilespmem:s19+$0x8C00];
	_ =	sdelay $0x4  }
0x1b0: {  	s25 =	sld [smem:$0x7EE];
	v2 =	vadd.f32 v2, v3;
	_ =	sdelay $0x1  }
0x1b1: {  	[tilespmem:s19+$0x8C00] =	vst v2  }
0x1b2: {  	[tilespmem:s2], [sflag:$0x11] =	stream.strided.gather [spmem:s25], $0x280, s11, s17, $0x38;
	[tilespmem:$0x1F900] =	vst v63  }
0x1b3: {  	_ =	swait.ge [sflag:s10], $0x280  }
0x1b4: {  	[sflag:s10] =	ssyncset.done $0x0  }
0x1b5: {  	s20 =	simm.s32 $0x40;
	s19 =	simm.s32 $0x0;
	[sflag:s10] =	ssyncadd.s32 $0xFFFFFD80  }
0x1b6: {  	s28 =	simm.s32 $0x6;
	s31 =	simm.s32 $0x7;
	s25 =	simm.s32 $0x5;
	v2 =	vld [tilespmem:s19+$0x8E80]  }
.LBB2_8:
0x1b7: {  	p0 =	sne.s32 s20, $0x9C0;
	v3 =	vld [tilespmem:s19+$0x8C00];
	_ =	sdelay $0x2  }
.Ltmp3:
0x1b8: {  	(pc) =	sbr.rel @p0 .LBB2_8-.Ltmp3, $4  }
0x1b9: {  	_ = 	snop  }
0x1ba: {  	v3 =	vadd.f32 v2, v3  }
0x1bb: {  	s21 =	sshra.s32 s20, $0x2  }
0x1bc: {  	s20 =	sadd.s32 $0x40, s20;
	v2 =	vld [tilespmem:s21+$0x8E80];
	[tilespmem:s19+$0x8C00] =	vst v3;
	s19 =	smov.u32 s21  }
0x1bd: {  	v3 =	vld [tilespmem:s19+$0x8C00];
	_ =	sdelay $0x4  }
0x1be: {  	s23 =	sld [smem:$0x7EF];
	v2 =	vadd.f32 v2, v3;
	_ =	sdelay $0x1  }
0x1bf: {  	[tilespmem:s19+$0x8C00] =	vst v2  }
0x1c0: {  	[tilespmem:s2], [sflag:$0x11] =	stream.strided.gather [spmem:s23], $0x280, s11, s17, $0x38;
	[tilespmem:$0x1F900] =	vst v63  }
0x1c1: {  	_ =	swait.ge [sflag:s10], $0x280  }
0x1c2: {  	[sflag:s10] =	ssyncset.done $0x0  }
0x1c3: {  	s19 =	simm.s32 $0x0;
	[sflag:s10] =	ssyncadd.s32 $0xFFFFFD80  }
0x1c4: {  	s20 =	simm.s32 $0x40;
	s22 =	simm.s32 $0x200;
	s4 =	simm.s32 $0x0;
	v2 =	vld [tilespmem:s19+$0x8E80]  }
.LBB2_10:
0x1c5: {  	p0 =	sne.s32 s20, $0x9C0;
	v3 =	vld [tilespmem:s19+$0x8C00];
	_ =	sdelay $0x2  }
.Ltmp4:
0x1c6: {  	(pc) =	sbr.rel @p0 .LBB2_10-.Ltmp4, $4  }
0x1c7: {  	_ = 	snop  }
0x1c8: {  	v3 =	vadd.f32 v2, v3  }
0x1c9: {  	s21 =	sshra.s32 s20, $0x2  }
0x1ca: {  	s20 =	sadd.s32 $0x40, s20;
	v2 =	vld [tilespmem:s21+$0x8E80];
	[tilespmem:s19+$0x8C00] =	vst v3;
	s19 =	smov.u32 s21  }
0x1cb: {  	v3 =	vld [tilespmem:s19+$0x8C00];
	_ =	sdelay $0x4  }
0x1cc: {  	s23 =	sld [smem:$0x7F0];
	v2 =	vadd.f32 v2, v3;
	_ =	sdelay $0x1  }
0x1cd: {  	[tilespmem:s19+$0x8C00] =	vst v2  }
0x1ce: {  	[tilespmem:s2], [sflag:$0x11] =	stream.strided.gather [spmem:s23], $0x280, s11, s17, $0x38;
	[tilespmem:$0x1F900] =	vst v63  }
0x1cf: {  	_ =	swait.ge [sflag:s10], $0x280  }
0x1d0: {  	[sflag:s10] =	ssyncset.done $0x0  }
0x1d1: {  	s19 =	simm.s32 $0x0;
	[sflag:s10] =	ssyncadd.s32 $0xFFFFFD80  }
0x1d2: {  	s20 =	simm.s32 $0x40;
	v2 =	vld [tilespmem:s19+$0x8E80]  }
.LBB2_12:
0x1d3: {  	p0 =	sne.s32 s20, $0x9C0;
	v3 =	vld [tilespmem:s19+$0x8C00];
	_ =	sdelay $0x2  }
.Ltmp5:
0x1d4: {  	(pc) =	sbr.rel @p0 .LBB2_12-.Ltmp5, $4  }
0x1d5: {  	_ = 	snop  }
0x1d6: {  	v3 =	vadd.f32 v2, v3  }
0x1d7: {  	s21 =	sshra.s32 s20, $0x2  }
0x1d8: {  	s20 =	sadd.s32 $0x40, s20;
	v2 =	vld [tilespmem:s21+$0x8E80];
	[tilespmem:s19+$0x8C00] =	vst v3;
	s19 =	smov.u32 s21  }
0x1d9: {  	v3 =	vld [tilespmem:s19+$0x8C00];
	_ =	sdelay $0x4  }
0x1da: {  	s23 =	sld [smem:$0x7F1];
	v2 =	vadd.f32 v2, v3;
	_ =	sdelay $0x1  }
0x1db: {  	[tilespmem:s19+$0x8C00] =	vst v2  }
0x1dc: {  	[tilespmem:s2], [sflag:$0x11] =	stream.strided.gather [spmem:s23], $0x280, s11, s17, $0x38;
	[tilespmem:$0x1F900] =	vst v63  }
0x1dd: {  	_ =	swait.ge [sflag:s10], $0x280  }
0x1de: {  	[sflag:s10] =	ssyncset.done $0x0  }
0x1df: {  	s19 =	simm.s32 $0x0;
	[sflag:s10] =	ssyncadd.s32 $0xFFFFFD80  }
0x1e0: {  	s20 =	simm.s32 $0x40;
	v2 =	vld [tilespmem:s19+$0x8E80]  }
.LBB2_14:
0x1e1: {  	p0 =	sne.s32 s20, $0x9C0;
	v3 =	vld [tilespmem:s19+$0x8C00];
	_ =	sdelay $0x2  }
.Ltmp6:
0x1e2: {  	(pc) =	sbr.rel @p0 .LBB2_14-.Ltmp6, $4  }
0x1e3: {  	_ = 	snop  }
0x1e4: {  	v3 =	vadd.f32 v2, v3  }
0x1e5: {  	s21 =	sshra.s32 s20, $0x2  }
0x1e6: {  	s20 =	sadd.s32 $0x40, s20;
	v2 =	vld [tilespmem:s21+$0x8E80];
	[tilespmem:s19+$0x8C00] =	vst v3;
	s19 =	smov.u32 s21  }
0x1e7: {  	v3 =	vld [tilespmem:s19+$0x8C00];
	_ =	sdelay $0x4  }
0x1e8: {  	s23 =	sld [smem:$0x7F2];
	v2 =	vadd.f32 v2, v3;
	_ =	sdelay $0x1  }
0x1e9: {  	[tilespmem:s19+$0x8C00] =	vst v2  }
0x1ea: {  	[tilespmem:s2], [sflag:$0x11] =	stream.strided.gather [spmem:s23], $0x280, s11, s17, $0x38;
	[tilespmem:$0x1F900] =	vst v63  }
0x1eb: {  	_ =	swait.ge [sflag:s10], $0x280  }
0x1ec: {  	[sflag:s10] =	ssyncset.done $0x0  }
0x1ed: {  	s19 =	simm.s32 $0x0;
	[sflag:s10] =	ssyncadd.s32 $0xFFFFFD80  }
0x1ee: {  	s20 =	simm.s32 $0x40;
	v2 =	vld [tilespmem:s19+$0x8E80]  }
.LBB2_16:
0x1ef: {  	p0 =	sne.s32 s20, $0x9C0;
	v3 =	vld [tilespmem:s19+$0x8C00];
	_ =	sdelay $0x2  }
.Ltmp7:
0x1f0: {  	(pc) =	sbr.rel @p0 .LBB2_16-.Ltmp7, $4  }
0x1f1: {  	_ = 	snop  }
0x1f2: {  	v3 =	vadd.f32 v2, v3  }
0x1f3: {  	s21 =	sshra.s32 s20, $0x2  }
0x1f4: {  	s20 =	sadd.s32 $0x40, s20;
	v2 =	vld [tilespmem:s21+$0x8E80];
	[tilespmem:s19+$0x8C00] =	vst v3;
	s19 =	smov.u32 s21  }
0x1f5: {  	v3 =	vld [tilespmem:s19+$0x8C00];
	_ =	sdelay $0x4  }
0x1f6: {  	s23 =	sld [smem:$0x7F3];
	v2 =	vadd.f32 v2, v3;
	_ =	sdelay $0x1  }
0x1f7: {  	[tilespmem:s19+$0x8C00] =	vst v2  }
0x1f8: {  	[tilespmem:s2], [sflag:$0x11] =	stream.strided.gather [spmem:s23], $0x280, s11, s17, $0x38;
	[tilespmem:$0x1F900] =	vst v63  }
0x1f9: {  	_ =	swait.ge [sflag:s10], $0x280  }
0x1fa: {  	[sflag:s10] =	ssyncset.done $0x0  }
0x1fb: {  	s19 =	simm.s32 $0x0;
	[sflag:s10] =	ssyncadd.s32 $0xFFFFFD80  }
0x1fc: {  	s20 =	simm.s32 $0x40;
	v2 =	vld [tilespmem:s19+$0x8E80]  }
.LBB2_18:
0x1fd: {  	p0 =	sne.s32 s20, $0x9C0;
	v3 =	vld [tilespmem:s19+$0x8C00];
	_ =	sdelay $0x2  }
.Ltmp8:
0x1fe: {  	(pc) =	sbr.rel @p0 .LBB2_18-.Ltmp8, $4  }
0x1ff: {  	_ = 	snop  }
0x200: {  	v3 =	vadd.f32 v2, v3  }
0x201: {  	s21 =	sshra.s32 s20, $0x2  }
0x202: {  	s20 =	sadd.s32 $0x40, s20;
	v2 =	vld [tilespmem:s21+$0x8E80];
	[tilespmem:s19+$0x8C00] =	vst v3;
	s19 =	smov.u32 s21  }
0x203: {  	v3 =	vld [tilespmem:s19+$0x8C00];
	_ =	sdelay $0x4  }
0x204: {  	s23 =	sld [smem:$0x7F4];
	v2 =	vadd.f32 v2, v3;
	_ =	sdelay $0x1  }
0x205: {  	[tilespmem:s19+$0x8C00] =	vst v2  }
0x206: {  	[tilespmem:s2], [sflag:$0x11] =	stream.strided.gather [spmem:s23], $0x280, s11, s17, $0x38;
	[tilespmem:$0x1F900] =	vst v63  }
0x207: {  	_ =	swait.ge [sflag:s10], $0x280  }
0x208: {  	[sflag:s10] =	ssyncset.done $0x0  }
0x209: {  	s19 =	simm.s32 $0x0;
	[sflag:s10] =	ssyncadd.s32 $0xFFFFFD80  }
0x20a: {  	s20 =	simm.s32 $0x40;
	v2 =	vld [tilespmem:s19+$0x8E80]  }
.LBB2_20:
0x20b: {  	p0 =	sne.s32 s20, $0x9C0;
	v3 =	vld [tilespmem:s19+$0x8C00];
	_ =	sdelay $0x2  }
.Ltmp9:
0x20c: {  	(pc) =	sbr.rel @p0 .LBB2_20-.Ltmp9, $4  }
0x20d: {  	_ = 	snop  }
0x20e: {  	v3 =	vadd.f32 v2, v3  }
0x20f: {  	s21 =	sshra.s32 s20, $0x2  }
0x210: {  	s20 =	sadd.s32 $0x40, s20;
	v2 =	vld [tilespmem:s21+$0x8E80];
	[tilespmem:s19+$0x8C00] =	vst v3;
	s19 =	smov.u32 s21  }
0x211: {  	v3 =	vld [tilespmem:s19+$0x8C00];
	_ =	sdelay $0x4  }
0x212: {  	s23 =	sld [smem:$0x7F5];
	v2 =	vadd.f32 v2, v3;
	_ =	sdelay $0x1  }
0x213: {  	[tilespmem:s19+$0x8C00] =	vst v2  }
0x214: {  	[tilespmem:s2], [sflag:$0x11] =	stream.strided.gather [spmem:s23], $0x280, s11, s17, $0x38;
	[tilespmem:$0x1F900] =	vst v63  }
0x215: {  	_ =	swait.ge [sflag:s10], $0x280  }
0x216: {  	[sflag:s10] =	ssyncset.done $0x0  }
0x217: {  	s19 =	simm.s32 $0x0;
	[sflag:s10] =	ssyncadd.s32 $0xFFFFFD80  }
0x218: {  	s20 =	simm.s32 $0x40;
	v2 =	vld [tilespmem:s19+$0x8E80]  }
.LBB2_22:
0x219: {  	p0 =	sne.s32 s20, $0x9C0;
	v3 =	vld [tilespmem:s19+$0x8C00];
	_ =	sdelay $0x2  }
.Ltmp10:
0x21a: {  	(pc) =	sbr.rel @p0 .LBB2_22-.Ltmp10, $4  }
0x21b: {  	_ = 	snop  }
0x21c: {  	v3 =	vadd.f32 v2, v3  }
0x21d: {  	s21 =	sshra.s32 s20, $0x2  }
0x21e: {  	s20 =	sadd.s32 $0x40, s20;
	v2 =	vld [tilespmem:s21+$0x8E80];
	[tilespmem:s19+$0x8C00] =	vst v3;
	s19 =	smov.u32 s21  }
0x21f: {  	v3 =	vld [tilespmem:s19+$0x8C00];
	_ =	sdelay $0x4  }
0x220: {  	s23 =	sld [smem:$0x7F6];
	v2 =	vadd.f32 v2, v3;
	_ =	sdelay $0x1  }
0x221: {  	[tilespmem:s19+$0x8C00] =	vst v2  }
0x222: {  	[tilespmem:s2], [sflag:$0x11] =	stream.strided.gather [spmem:s23], $0x280, s11, s17, $0x38;
	[tilespmem:$0x1F900] =	vst v63  }
0x223: {  	_ =	swait.ge [sflag:s10], $0x280  }
0x224: {  	[sflag:s10] =	ssyncset.done $0x0  }
0x225: {  	s19 =	simm.s32 $0x0;
	[sflag:s10] =	ssyncadd.s32 $0xFFFFFD80  }
0x226: {  	s20 =	simm.s32 $0x40;
	v2 =	vld [tilespmem:s19+$0x8E80]  }
.LBB2_24:
0x227: {  	p0 =	sne.s32 s20, $0x9C0;
	v3 =	vld [tilespmem:s19+$0x8C00];
	_ =	sdelay $0x2  }
.Ltmp11:
0x228: {  	(pc) =	sbr.rel @p0 .LBB2_24-.Ltmp11, $4  }
0x229: {  	_ = 	snop  }
0x22a: {  	v3 =	vadd.f32 v2, v3  }
0x22b: {  	s21 =	sshra.s32 s20, $0x2  }
0x22c: {  	s20 =	sadd.s32 $0x40, s20;
	v2 =	vld [tilespmem:s21+$0x8E80];
	[tilespmem:s19+$0x8C00] =	vst v3;
	s19 =	smov.u32 s21  }
0x22d: {  	v3 =	vld [tilespmem:s19+$0x8C00];
	_ =	sdelay $0x4  }
0x22e: {  	s23 =	sld [smem:$0x7F7];
	v2 =	vadd.f32 v2, v3;
	_ =	sdelay $0x1  }
0x22f: {  	[tilespmem:s19+$0x8C00] =	vst v2  }
0x230: {  	[tilespmem:s2], [sflag:$0x11] =	stream.strided.gather [spmem:s23], $0x280, s11, s17, $0x38;
	[tilespmem:$0x1F900] =	vst v63  }
0x231: {  	_ =	swait.ge [sflag:s10], $0x280  }
0x232: {  	[sflag:s10] =	ssyncset.done $0x0  }
0x233: {  	s19 =	simm.s32 $0x0;
	[sflag:s10] =	ssyncadd.s32 $0xFFFFFD80  }
0x234: {  	s20 =	simm.s32 $0x40;
	v2 =	vld [tilespmem:s19+$0x8E80]  }
.LBB2_26:
0x235: {  	p0 =	sne.s32 s20, $0x9C0;
	v3 =	vld [tilespmem:s19+$0x8C00];
	_ =	sdelay $0x2  }
.Ltmp12:
0x236: {  	(pc) =	sbr.rel @p0 .LBB2_26-.Ltmp12, $4  }
0x237: {  	_ = 	snop  }
0x238: {  	v3 =	vadd.f32 v2, v3  }
0x239: {  	s21 =	sshra.s32 s20, $0x2  }
0x23a: {  	s20 =	sadd.s32 $0x40, s20;
	v2 =	vld [tilespmem:s21+$0x8E80];
	[tilespmem:s19+$0x8C00] =	vst v3;
	s19 =	smov.u32 s21  }
0x23b: {  	v3 =	vld [tilespmem:s19+$0x8C00];
	_ =	sdelay $0x4  }
0x23c: {  	s23 =	sld [smem:$0x7F8];
	v2 =	vadd.f32 v2, v3;
	_ =	sdelay $0x1  }
0x23d: {  	[tilespmem:s19+$0x8C00] =	vst v2  }
0x23e: {  	[tilespmem:s2], [sflag:$0x11] =	stream.strided.gather [spmem:s23], $0x280, s11, s17, $0x38;
	[tilespmem:$0x1F900] =	vst v63  }
0x23f: {  	_ =	swait.ge [sflag:s10], $0x280  }
0x240: {  	[sflag:s10] =	ssyncset.done $0x0  }
0x241: {  	s19 =	simm.s32 $0x0;
	[sflag:s10] =	ssyncadd.s32 $0xFFFFFD80  }
0x242: {  	s20 =	simm.s32 $0x40;
	v2 =	vld [tilespmem:s19+$0x8E80]  }
.LBB2_28:
0x243: {  	p0 =	sne.s32 s20, $0x9C0;
	v3 =	vld [tilespmem:s19+$0x8C00];
	_ =	sdelay $0x2  }
.Ltmp13:
0x244: {  	(pc) =	sbr.rel @p0 .LBB2_28-.Ltmp13, $4  }
0x245: {  	_ = 	snop  }
0x246: {  	v3 =	vadd.f32 v2, v3  }
0x247: {  	s21 =	sshra.s32 s20, $0x2  }
0x248: {  	s20 =	sadd.s32 $0x40, s20;
	v2 =	vld [tilespmem:s21+$0x8E80];
	[tilespmem:s19+$0x8C00] =	vst v3;
	s19 =	smov.u32 s21  }
0x249: {  	v3 =	vld [tilespmem:s19+$0x8C00];
	_ =	sdelay $0x4  }
0x24a: {  	s23 =	sld [smem:$0x7F9];
	v2 =	vadd.f32 v2, v3;
	_ =	sdelay $0x1  }
0x24b: {  	[tilespmem:s19+$0x8C00] =	vst v2  }
0x24c: {  	[tilespmem:s2], [sflag:$0x11] =	stream.strided.gather [spmem:s23], $0x280, s11, s17, $0x38;
	[tilespmem:$0x1F900] =	vst v63  }
0x24d: {  	_ =	swait.ge [sflag:s10], $0x280  }
0x24e: {  	[sflag:s10] =	ssyncset.done $0x0  }
0x24f: {  	s19 =	simm.s32 $0x0;
	[sflag:s10] =	ssyncadd.s32 $0xFFFFFD80  }
0x250: {  	s20 =	simm.s32 $0x40;
	v2 =	vld [tilespmem:s19+$0x8E80]  }
.LBB2_30:
0x251: {  	p0 =	sne.s32 s20, $0x9C0;
	v3 =	vld [tilespmem:s19+$0x8C00];
	_ =	sdelay $0x2  }
.Ltmp14:
0x252: {  	(pc) =	sbr.rel @p0 .LBB2_30-.Ltmp14, $4  }
0x253: {  	_ = 	snop  }
0x254: {  	v3 =	vadd.f32 v2, v3  }
0x255: {  	s21 =	sshra.s32 s20, $0x2  }
0x256: {  	s20 =	sadd.s32 $0x40, s20;
	v2 =	vld [tilespmem:s21+$0x8E80];
	[tilespmem:s19+$0x8C00] =	vst v3;
	s19 =	smov.u32 s21  }
0x257: {  	v3 =	vld [tilespmem:s19+$0x8C00];
	_ =	sdelay $0x4  }
0x258: {  	s23 =	sld [smem:$0x7FA];
	v2 =	vadd.f32 v2, v3;
	_ =	sdelay $0x1  }
0x259: {  	[tilespmem:s19+$0x8C00] =	vst v2  }
0x25a: {  	[tilespmem:s2], [sflag:$0x11] =	stream.strided.gather [spmem:s23], $0x280, s11, s17, $0x38;
	[tilespmem:$0x1F900] =	vst v63  }
0x25b: {  	_ =	swait.ge [sflag:s10], $0x280  }
0x25c: {  	[sflag:s10] =	ssyncset.done $0x0  }
0x25d: {  	s19 =	simm.s32 $0x0;
	[sflag:s10] =	ssyncadd.s32 $0xFFFFFD80  }
0x25e: {  	s20 =	simm.s32 $0x40;
	v2 =	vld [tilespmem:s19+$0x8E80]  }
.LBB2_32:
0x25f: {  	p0 =	sne.s32 s20, $0x9C0;
	v3 =	vld [tilespmem:s19+$0x8C00];
	_ =	sdelay $0x2  }
.Ltmp15:
0x260: {  	(pc) =	sbr.rel @p0 .LBB2_32-.Ltmp15, $4  }
0x261: {  	_ = 	snop  }
0x262: {  	v3 =	vadd.f32 v2, v3  }
0x263: {  	s21 =	sshra.s32 s20, $0x2  }
0x264: {  	s20 =	sadd.s32 $0x40, s20;
	v2 =	vld [tilespmem:s21+$0x8E80];
	[tilespmem:s19+$0x8C00] =	vst v3;
	s19 =	smov.u32 s21  }
0x265: {  	v3 =	vld [tilespmem:s19+$0x8C00];
	_ =	sdelay $0x4  }
0x266: {  	s23 =	sld [smem:$0x7FB];
	v2 =	vadd.f32 v2, v3;
	_ =	sdelay $0x1  }
0x267: {  	[tilespmem:s19+$0x8C00] =	vst v2  }
0x268: {  	[tilespmem:s2], [sflag:$0x11] =	stream.strided.gather [spmem:s23], $0x280, s11, s17, $0x38;
	[tilespmem:$0x1F900] =	vst v63  }
0x269: {  	_ =	swait.ge [sflag:s10], $0x280  }
0x26a: {  	[sflag:s10] =	ssyncset.done $0x0  }
0x26b: {  	s19 =	simm.s32 $0x0;
	[sflag:s10] =	ssyncadd.s32 $0xFFFFFD80  }
0x26c: {  	s20 =	simm.s32 $0x40;
	v2 =	vld [tilespmem:s19+$0x8E80]  }
.LBB2_34:
0x26d: {  	p0 =	sne.s32 s20, $0x9C0;
	v3 =	vld [tilespmem:s19+$0x8C00];
	_ =	sdelay $0x2  }
.Ltmp16:
0x26e: {  	(pc) =	sbr.rel @p0 .LBB2_34-.Ltmp16, $4  }
0x26f: {  	_ = 	snop  }
0x270: {  	v3 =	vadd.f32 v2, v3  }
0x271: {  	s21 =	sshra.s32 s20, $0x2  }
0x272: {  	s20 =	sadd.s32 $0x40, s20;
	v2 =	vld [tilespmem:s21+$0x8E80];
	[tilespmem:s19+$0x8C00] =	vst v3;
	s19 =	smov.u32 s21  }
0x273: {  	v3 =	vld [tilespmem:s19+$0x8C00];
	_ =	sdelay $0x4  }
0x274: {  	s23 =	sld [smem:$0x7FC];
	v2 =	vadd.f32 v2, v3;
	_ =	sdelay $0x1  }
0x275: {  	[tilespmem:s19+$0x8C00] =	vst v2  }
0x276: {  	[tilespmem:s2], [sflag:$0x11] =	stream.strided.gather [spmem:s23], $0x280, s11, s17, $0x38;
	[tilespmem:$0x1F900] =	vst v63  }
0x277: {  	_ =	swait.ge [sflag:s10], $0x280  }
0x278: {  	[sflag:s10] =	ssyncset.done $0x0  }
0x279: {  	s19 =	simm.s32 $0x0;
	[sflag:s10] =	ssyncadd.s32 $0xFFFFFD80  }
0x27a: {  	s20 =	simm.s32 $0x40;
	v2 =	vld [tilespmem:s19+$0x8E80]  }
.LBB2_36:
0x27b: {  	p0 =	sne.s32 s20, $0x9C0;
	v3 =	vld [tilespmem:s19+$0x8C00];
	_ =	sdelay $0x2  }
.Ltmp17:
0x27c: {  	(pc) =	sbr.rel @p0 .LBB2_36-.Ltmp17, $4  }
0x27d: {  	_ = 	snop  }
0x27e: {  	v3 =	vadd.f32 v2, v3  }
0x27f: {  	s21 =	sshra.s32 s20, $0x2  }
0x280: {  	s20 =	sadd.s32 $0x40, s20;
	v2 =	vld [tilespmem:s21+$0x8E80];
	[tilespmem:s19+$0x8C00] =	vst v3;
	s19 =	smov.u32 s21  }
0x281: {  	v3 =	vld [tilespmem:s19+$0x8C00];
	_ =	sdelay $0x4  }
0x282: {  	s20 =	sld [smem:$0x7EA];
	v2 =	vadd.f32 v2, v3;
	_ =	sdelay $0x1  }
0x283: {  	s2 =	simm.s32 $0x8C00;
	[tilespmem:s19+$0x8C00] =	vst v2  }
0x284: {  	[hbm4b:s20+s4] =	stream.linear.scatter [tilespmem:s2], [sflag:$0x11], $0x280, $0x38;
	[tilespmem:$0x1F900] =	vst v63  }
0x285: {  	_ =	swait.ge [sflag:s10], $0x280  }
0x286: {  	s21 =	sld [smem:$0x7E8]  }
0x287: {  	s23 =	sld [smem:$0x7EB];
	_ =	sdelay $0x1  }
0x288: {  	s2 =	sadd.s32 $0x1, s21  }
0x289: {  	p0 =	sne.s32 s2, s23  }
.Ltmp18:
0x28a: {  	_ = 	snop;
	(pc) =	sbr.rel @p0 .LBB2_1-.Ltmp18, $3  }
0x28b: {  	_ =	sdelay $0x1  }
0x28c: {  	s20 =	simm.s32 $0x100;
	[sflag:s10] =	ssyncset.done $0x0  }
0x28d: {  	s8 =	sld [smem:$0x7FD];
	[sflag:s10] =	ssyncadd.s32 $0xFFFFFD80;
	s21 =	simm.s32 $0x180  }
0x28e: {  	_ =	sfence.sel $0x180000  }
0x28f: {  	[bflag:$0x0] =	sbarrier.arrive $0xFFFF  }
0x290: {  	_ =	strace $0x90000047  }
0x291: {  	s0 =	stileid.u32;
	[bflag:$0x2] =	sbarrier.arrive $0xFFFF  }
0x292: {  	p0 =	sne.s32 s0, $0x0;
	s0 =	rddreg [dreg:$0x5]  }
0x293: {  	s0 =	sadd.s32 @!p0 $0x100000, s0  }
0x294: {  	[sflag:s0] =	ssyncadd.tile.s32 @!p0 $0x1;
	_ =	shalt  }
.Lfunc_end2:
_tile_overlayer_lowered:
.L_overlay_start_2:
0x295: {  	(tag) =	ssettag $0x2  }
0x296: {  	s0 =	rddreg [dreg:$0x0];
	s2 =	stileid.u32  }
0x297: {  	s1 =	rddreg [dreg:$0x1];
	p0 =	sne.s32 s2, $0x0  }
0x298: {  	s3 =	rddreg [dreg:$0x2];
	[bflag:$0x3] =	sbarrier.arrive $0xFFFF;
	s2 =	simm.s32 @!p0 $0x1C11  }
0x299: {  	[timem:s3], [sflag:s2] =	dma.local @!p0 [hbm:s0], s1  }
0x29a: {  	s0 =	simm.s32 @!p0 $0x11  }
0x29b: {  	_ =	swait.ge @!p0 [sflag:s0], s1  }
0x29c: {  	s1 =	ssub.s32 @!p0 $0x0, s1;
	[sflag:s0] =	ssyncset.done @!p0 $0x0  }
0x29d: {  	[sflag:s0] =	ssyncadd.s32 @!p0 s1  }
0x29e: {  	[bflag:$0x3] =	sbarrier.arrive $0xFFFF  }
0x29f: {  	_ =	shalt  }

</sc_bundles>
